<compile_context>
chip_gen: v7x
topology: tpu7x:2x2x1
jax: 0.10.2.dev20260603
libtpu: 0.0.44.dev20260713+nightly
codegen_flags: <defaults>
</compile_context>

<pallas_src>
import functools

import jax
import jax.numpy as jnp
from jax import lax
from jax.experimental import pallas as pl
from jax.experimental.pallas import tpu as pltpu
from jax.experimental.pallas import tpu_sc as plsc

B = 16384
NM, NR, NT, ND = 36, 19, 32, 16
MD, RD, TD, DD = 64, 64, 32, 32
D = 512
PM_ROWS = NM * NR
PT_ROWS = NT * ND

NC, NS, L = 2, 16, 16
NW = NC * NS

B_SC = 4096
BPW = B_SC // NW
CH = 32
NCH = BPW // CH
VOC = NM + NR + NT + ND
VOCP = 128
TCB = 2048
TCB0 = B_SC // TCB
NTCB = (B - B_SC) // TCB

def _proj_body(mood_t, raga_t, tempo_t, dur_t, w, b, pm_ref, pt_ref,
               ps_ref):
    f32 = jnp.float32
    mp = jnp.dot(mood_t[...], w[0:MD, :], preferred_element_type=f32)
    rp = jnp.dot(raga_t[...], w[MD:MD + RD, :], preferred_element_type=f32)
    tp = jnp.dot(tempo_t[...], w[MD + RD:MD + RD + TD, :],
                 preferred_element_type=f32)
    dp = jnp.dot(dur_t[...], w[MD + RD + TD:, :], preferred_element_type=f32)

    def onehot(rows, cols, div, mod):
        i = lax.broadcasted_iota(jnp.int32, (rows, cols), 0)
        j = lax.broadcasted_iota(jnp.int32, (rows, cols), 1)
        k = (i // div) % mod if mod else i // div
        return (k == j).astype(f32)

    ohm = onehot(PM_ROWS, NM, NR, 0)
    ohr = onehot(PM_ROWS, NR, 1, NR)
    pm = (jnp.dot(ohm, mp, preferred_element_type=f32)
          + jnp.dot(ohr, rp, preferred_element_type=f32))
    oht = onehot(PT_ROWS, NT, ND, 0)
    ohd = onehot(PT_ROWS, ND, 1, ND)
    pt = (jnp.dot(oht, tp, preferred_element_type=f32)
          + jnp.dot(ohd, dp, preferred_element_type=f32)
          + b[...])
    pm_ref[...] = pm
    pt_ref[...] = pt
    ps_ref[...] = jnp.concatenate(
        [mp, rp, tp, dp + b[...],
         jnp.zeros((VOCP - VOC, D), f32)], axis=0).astype(jnp.bfloat16)


_proj = pl.pallas_call(
    _proj_body,
    out_shape=(
        jax.ShapeDtypeStruct((PM_ROWS, D), jnp.float32),
        jax.ShapeDtypeStruct((PT_ROWS, D), jnp.float32),
        jax.ShapeDtypeStruct((VOCP, D), jnp.bfloat16),
    ),
)


def _sc_body(mood_hbm, raga_hbm, tempo_hbm, dur_hbm, pm_hbm, pt_hbm, out_hbm,
             stage_a, stage_b, ia_v, ib_v,
             buf_a0, buf_a1, buf_b0, buf_b1, buf_o0, buf_o1,
             sga0, sga1, sgb0, sgb1, sst0, sst1):
    buf_a = (buf_a0, buf_a1)
    buf_b = (buf_b0, buf_b1)
    buf_o = (buf_o0, buf_o1)
    sga = (sga0, sga1)
    sgb = (sgb0, sgb1)
    sst = (sst0, sst1)

    wid = lax.axis_index("s") * NC + lax.axis_index("c")
    base = wid * BPW

    pltpu.sync_copy(mood_hbm.at[pl.ds(base, BPW)], stage_a)
    pltpu.sync_copy(raga_hbm.at[pl.ds(base, BPW)], stage_b)
    for k in range(BPW // L):
        sl = pl.ds(k * L, L)
        ia_v[sl] = stage_a[sl] * NR + stage_b[sl]
    pltpu.sync_copy(tempo_hbm.at[pl.ds(base, BPW)], stage_a)
    pltpu.sync_copy(dur_hbm.at[pl.ds(base, BPW)], stage_b)
    for k in range(BPW // L):
        sl = pl.ds(k * L, L)
        ib_v[sl] = stage_a[sl] * ND + stage_b[sl]

    def g_desc(c, s):
        return (pltpu.make_async_copy(pm_hbm.at[ia_v.at[pl.ds(c * CH, CH)]],
                                      buf_a[s], sga[s]),
                pltpu.make_async_copy(pt_hbm.at[ib_v.at[pl.ds(c * CH, CH)]],
                                      buf_b[s], sgb[s]))

    def s_desc(c, s):
        return pltpu.make_async_copy(
            buf_o[s], out_hbm.at[pl.ds(base + c * CH, CH)], sst[s])

    def issue_gathers(c, s):
        da, db = g_desc(c, s)
        da.start()
        db.start()

    def do_chunk(c, s, first):
        da, db = g_desc(c, s)
        da.wait()
        db.wait()

        @pl.when(jnp.logical_not(first))
        def _():
            s_desc(c - 2, s).wait()

        def row_body(r, _):
            for j in range(D // L):
                sl = pl.ds(j * L, L)
                buf_o[s][r, sl] = jnp.maximum(
                    buf_a[s][r, sl] + buf_b[s][r, sl], 0.0)
            return 0

        lax.fori_loop(0, CH, row_body, 0)
        s_desc(c, s).start()

        @pl.when(c + 2 < NCH)
        def _():
            issue_gathers(c + 2, s)

    issue_gathers(0, 0)
    issue_gathers(1, 1)

    def pair_body(i, _):
        c = i * 2
        do_chunk(c, 0, i == 0)
        do_chunk(c + 1, 1, i == 0)
        return 0

    lax.fori_loop(0, NCH // 2, pair_body, 0)
    s_desc(NCH - 2, 0).wait()
    s_desc(NCH - 1, 1).wait()


@functools.cache
def _gather():
    return pl.kernel(
        _sc_body,
        out_type=jax.ShapeDtypeStruct((B, D), jnp.float32),
        mesh=plsc.VectorSubcoreMesh(core_axis_name="c", subcore_axis_name="s",
                                    num_cores=NC, num_subcores=NS),
        scratch_types=[
            pltpu.VMEM((BPW,), jnp.int32),
            pltpu.VMEM((BPW,), jnp.int32),
            pltpu.VMEM((BPW,), jnp.int32),
            pltpu.VMEM((BPW,), jnp.int32),
            pltpu.VMEM((CH, D), jnp.float32),
            pltpu.VMEM((CH, D), jnp.float32),
            pltpu.VMEM((CH, D), jnp.float32),
            pltpu.VMEM((CH, D), jnp.float32),
            pltpu.VMEM((CH, D), jnp.float32),
            pltpu.VMEM((CH, D), jnp.float32),
            pltpu.SemaphoreType.DMA,
            pltpu.SemaphoreType.DMA,
            pltpu.SemaphoreType.DMA,
            pltpu.SemaphoreType.DMA,
            pltpu.SemaphoreType.DMA,
            pltpu.SemaphoreType.DMA,
        ],
    )


def _tc_fill_body(mood_ref, raga_ref, tempo_ref, dur_ref, p_ref, _outsc,
                  out_ref):
    f32 = jnp.float32
    bf16 = jnp.bfloat16
    i0 = lax.broadcasted_iota(jnp.int32, (VOCP, TCB), 0)
    oh = ((i0 == mood_ref[...]).astype(bf16)
          + (i0 == raga_ref[...] + NM).astype(bf16)
          + (i0 == tempo_ref[...] + (NM + NR)).astype(bf16)
          + (i0 == dur_ref[...] + (NM + NR + NT)).astype(bf16))
    blk = lax.dot_general(oh, p_ref[...], (((0,), (0,)), ((), ())),
                          preferred_element_type=f32)
    out_ref[...] = jnp.maximum(blk, 0.0)


_tc_fill = pl.pallas_call(
    _tc_fill_body,
    grid=(NTCB,),
    in_specs=[
        pl.BlockSpec((1, TCB), lambda i: (0, TCB0 + i)),
        pl.BlockSpec((1, TCB), lambda i: (0, TCB0 + i)),
        pl.BlockSpec((1, TCB), lambda i: (0, TCB0 + i)),
        pl.BlockSpec((1, TCB), lambda i: (0, TCB0 + i)),
        pl.BlockSpec((VOCP, D), lambda i: (0, 0)),
        pl.BlockSpec(memory_space=pl.ANY),
    ],
    out_specs=pl.BlockSpec((TCB, D), lambda i: (TCB0 + i, 0)),
    out_shape=jax.ShapeDtypeStruct((B, D), jnp.float32),
    input_output_aliases={5: 0},
)


def kernel(mood, raga, tempo, duration, mood_table, raga_table, tempo_table,
           duration_table, W, b):
    i32 = jnp.int32
    mood = mood.astype(i32)
    raga = raga.astype(i32)
    tempo = tempo.astype(i32)
    duration = duration.astype(i32)
    pm, pt, ps = _proj(mood_table, raga_table, tempo_table, duration_table,
                       W, b.reshape(1, D))
    out_sc = _gather()(mood, raga, tempo, duration, pm, pt)
    return _tc_fill(mood[None, :], raga[None, :], tempo[None, :],
                    duration[None, :], ps, out_sc)

# --- scband reference (transcript-rebuilt; emitter-appended) ---
"""Pipeline reference for scband-legacy-conditioning-module-82755429859931 (READ-ONLY COPY).

The authoritative reference and input builder live on the scoring server;
editing this copy changes nothing except your own understanding.
"""

import jax, jax.numpy as jnp
import numpy as np

B = 16384
NUM_MOODS = 36
NUM_RAGAS = 19
NUM_TEMPO = 32
NUM_DUR = 16
MOOD_DIM = 64
RAGA_DIM = 64
TEMPO_DIM = 32
DUR_DIM = 32
EMBED_DIM = 512
TOTAL_COND = MOOD_DIM + RAGA_DIM + TEMPO_DIM + DUR_DIM  # 192


def setup_inputs(seed: int = 0) -> dict:
    key = jax.random.key(seed)
    k = jax.random.split(key, 10)
    mood = jax.random.randint(k[0], (B,), 0, NUM_MOODS, dtype=jnp.int64 if jax.config.jax_enable_x64 else jnp.int32)
    raga = jax.random.randint(k[1], (B,), 0, NUM_RAGAS, dtype=jnp.int32)
    tempo = jax.random.randint(k[2], (B,), 0, NUM_TEMPO, dtype=jnp.int32)
    duration = jax.random.randint(k[3], (B,), 0, NUM_DUR, dtype=jnp.int32)
    mood_table = jax.random.normal(k[4], (NUM_MOODS, MOOD_DIM), dtype=jnp.float32)
    raga_table = jax.random.normal(k[5], (NUM_RAGAS, RAGA_DIM), dtype=jnp.float32)
    tempo_table = jax.random.normal(k[6], (NUM_TEMPO, TEMPO_DIM), dtype=jnp.float32)
    duration_table = jax.random.normal(k[7], (NUM_DUR, DUR_DIM), dtype=jnp.float32)
    W = jax.random.normal(k[8], (TOTAL_COND, EMBED_DIM), dtype=jnp.float32) * (1.0 / np.sqrt(TOTAL_COND))
    b = jax.random.normal(k[9], (EMBED_DIM,), dtype=jnp.float32) * 0.01
    return {
        "mood": mood, "raga": raga, "tempo": tempo, "duration": duration,
        "mood_table": mood_table, "raga_table": raga_table,
        "tempo_table": tempo_table, "duration_table": duration_table,
        "W": W, "b": b,
    }


def reference(mood, raga, tempo, duration, mood_table, raga_table, tempo_table, duration_table, W, b):
    mood_emb = jnp.take(mood_table, mood, axis=0)
    raga_emb = jnp.take(raga_table, raga, axis=0)
    tempo_emb = jnp.take(tempo_table, tempo, axis=0)
    duration_emb = jnp.take(duration_table, duration, axis=0)
    combined = jnp.concatenate([mood_emb, raga_emb, tempo_emb, duration_emb], axis=-1)
    return jax.nn.relu(combined @ W + b)

if __name__ == "__main__":
    import jax
    _d = setup_inputs()
    print(jax.jit(kernel)(*tuple(_d.values())))

</pallas_src>

<mosaic_0001>
#map = affine_map<(d0, d1) -> (0)>
#map1 = affine_map<(d0, d1) -> (0, 0)>
module attributes {stable_mosaic.version = 14 : i64} {
  func.func @_sc_body(%arg0: i32, %arg1: i32, %arg2: memref<16384xi32, #tpu.memory_space<hbm>>, %arg3: memref<16384xi32, #tpu.memory_space<hbm>>, %arg4: memref<16384xi32, #tpu.memory_space<hbm>>, %arg5: memref<16384xi32, #tpu.memory_space<hbm>>, %arg6: memref<684x512xf32, #tpu.memory_space<hbm>>, %arg7: memref<512x512xf32, #tpu.memory_space<hbm>>, %arg8: memref<16384x512xf32, #tpu.memory_space<hbm>>, %arg9: memref<128xi32, #tpu.memory_space<vmem>>, %arg10: memref<128xi32, #tpu.memory_space<vmem>>, %arg11: memref<128xi32, #tpu.memory_space<vmem>>, %arg12: memref<128xi32, #tpu.memory_space<vmem>>, %arg13: memref<32x512xf32, #tpu.memory_space<vmem>>, %arg14: memref<32x512xf32, #tpu.memory_space<vmem>>, %arg15: memref<32x512xf32, #tpu.memory_space<vmem>>, %arg16: memref<32x512xf32, #tpu.memory_space<vmem>>, %arg17: memref<32x512xf32, #tpu.memory_space<vmem>>, %arg18: memref<32x512xf32, #tpu.memory_space<vmem>>, %arg19: memref<!tpu.dma_semaphore, #tpu.memory_space<semaphore_mem>>, %arg20: memref<!tpu.dma_semaphore, #tpu.memory_space<semaphore_mem>>, %arg21: memref<!tpu.dma_semaphore, #tpu.memory_space<semaphore_mem>>, %arg22: memref<!tpu.dma_semaphore, #tpu.memory_space<semaphore_mem>>, %arg23: memref<!tpu.dma_semaphore, #tpu.memory_space<semaphore_mem>>, %arg24: memref<!tpu.dma_semaphore, #tpu.memory_space<semaphore_mem>>) attributes {dimension_semantics = [#tpu.dimension_semantics<core_parallel>, #tpu.dimension_semantics<subcore_parallel>], iteration_bounds = array<i64: 2, 16>, scalar_prefetch = 0 : i64, scratch_operands = 16 : i64, tpu.core_type = #tpu.core_type<sc_vector_subcore>, window_params = [{transform_indices = #map}, {transform_indices = #map}, {transform_indices = #map}, {transform_indices = #map}, {transform_indices = #map1}, {transform_indices = #map1}, {transform_indices = #map1}]} {
    %mul3A = arith.constant 2 : i32
    %mul3A_0 = arith.muli %arg1, %mul3A : i32
    %add3A = arith.addi %mul3A_0, %arg0 : i32
    %mul3A_1 = arith.constant 128 : i32
    %mul3A_2 = arith.muli %add3A, %mul3A_1 : i32
    "tpu.region"() ({
      %run_scoped3A = tpu.sem_alloc : memref<!tpu.dma_semaphore, #tpu.memory_space<semaphore_mem>>
      %dma_start3A_261 = tpu.memref_slice %arg2[%mul3A_2] : memref<16384xi32, #tpu.memory_space<hbm>> -> memref<128xi32, #tpu.memory_space<hbm>>
      %dma_start3A_262 = tpu.memref_slice %arg2[%mul3A_2] : memref<16384xi32, #tpu.memory_space<hbm>> -> memref<128xi32, #tpu.memory_space<hbm>>
      tpu.enqueue_dma source(%dma_start3A_262 : memref<128xi32, #tpu.memory_space<hbm>>) target(%arg9 : memref<128xi32, #tpu.memory_space<vmem>>) target_semaphore(%run_scoped3A : memref<!tpu.dma_semaphore, #tpu.memory_space<semaphore_mem>>)
      %dma_wait3A_263 = tpu.memref_slice %arg2[%mul3A_2] : memref<16384xi32, #tpu.memory_space<hbm>> -> memref<128xi32, #tpu.memory_space<hbm>>
      %dma_wait3A_264 = tpu.memref_slice %arg2[%mul3A_2] : memref<16384xi32, #tpu.memory_space<hbm>> -> memref<128xi32, #tpu.memory_space<hbm>>
      tpu.wait_dma2 semaphore(%run_scoped3A : memref<!tpu.dma_semaphore, #tpu.memory_space<semaphore_mem>>) src(%dma_wait3A_264 : memref<128xi32, #tpu.memory_space<hbm>>) dst(%arg9 : memref<128xi32, #tpu.memory_space<vmem>>)
      tpu.yield
    }) : () -> ()
    "tpu.region"() ({
      %run_scoped3A = tpu.sem_alloc : memref<!tpu.dma_semaphore, #tpu.memory_space<semaphore_mem>>
      %dma_start3A_261 = tpu.memref_slice %arg3[%mul3A_2] : memref<16384xi32, #tpu.memory_space<hbm>> -> memref<128xi32, #tpu.memory_space<hbm>>
      %dma_start3A_262 = tpu.memref_slice %arg3[%mul3A_2] : memref<16384xi32, #tpu.memory_space<hbm>> -> memref<128xi32, #tpu.memory_space<hbm>>
      tpu.enqueue_dma source(%dma_start3A_262 : memref<128xi32, #tpu.memory_space<hbm>>) target(%arg10 : memref<128xi32, #tpu.memory_space<vmem>>) target_semaphore(%run_scoped3A : memref<!tpu.dma_semaphore, #tpu.memory_space<semaphore_mem>>)
      %dma_wait3A_263 = tpu.memref_slice %arg3[%mul3A_2] : memref<16384xi32, #tpu.memory_space<hbm>> -> memref<128xi32, #tpu.memory_space<hbm>>
      %dma_wait3A_264 = tpu.memref_slice %arg3[%mul3A_2] : memref<16384xi32, #tpu.memory_space<hbm>> -> memref<128xi32, #tpu.memory_space<hbm>>
      tpu.wait_dma2 semaphore(%run_scoped3A : memref<!tpu.dma_semaphore, #tpu.memory_space<semaphore_mem>>) src(%dma_wait3A_264 : memref<128xi32, #tpu.memory_space<hbm>>) dst(%arg10 : memref<128xi32, #tpu.memory_space<vmem>>)
      tpu.yield
    }) : () -> ()
    %get3A = arith.constant 0 : index
    %get3A_3 = tpu.vector_load %arg9[%get3A] {strides = array<i32>} : memref<128xi32, #tpu.memory_space<vmem>>, vector<16xi32>,
    %get3A_4 = vector.shape_cast %get3A_3 : vector<16xi32> to vector<16xi32>
    %mul3A_5 = arith.constant 19 : i32
    %mul3A_6 = vector.broadcast %mul3A_5 : i32 to vector<16xi32>
    %mul3A_7 = arith.muli %get3A_4, %mul3A_6 : vector<16xi32>
    %get3A_8 = arith.constant 0 : index
    %get3A_9 = tpu.vector_load %arg10[%get3A_8] {strides = array<i32>} : memref<128xi32, #tpu.memory_space<vmem>>, vector<16xi32>,
    %get3A_10 = vector.shape_cast %get3A_9 : vector<16xi32> to vector<16xi32>
    %add3A_11 = arith.addi %mul3A_7, %get3A_10 : vector<16xi32>
    %swap3A = arith.constant 0 : index
    %swap3A_12 = tpu.vector_load %arg11[%swap3A] {strides = array<i32>} : memref<128xi32, #tpu.memory_space<vmem>>, vector<16xi32>,
    %swap3A_13 = vector.shape_cast %swap3A_12 : vector<16xi32> to vector<16xi32>
    %swap3A_14 = vector.shape_cast %add3A_11 : vector<16xi32> to vector<16xi32>
    tpu.vector_store %arg11[%swap3A], %swap3A_14 {strides = array<i32>} : memref<128xi32, #tpu.memory_space<vmem>>, vector<16xi32>,
    %get3A_15 = arith.constant 16 : index
    %get3A_16 = tpu.vector_load %arg9[%get3A_15] {strides = array<i32>} : memref<128xi32, #tpu.memory_space<vmem>>, vector<16xi32>,
    %get3A_17 = vector.shape_cast %get3A_16 : vector<16xi32> to vector<16xi32>
    %mul3A_18 = arith.constant 19 : i32
    %mul3A_19 = vector.broadcast %mul3A_18 : i32 to vector<16xi32>
    %mul3A_20 = arith.muli %get3A_17, %mul3A_19 : vector<16xi32>
    %get3A_21 = arith.constant 16 : index
    %get3A_22 = tpu.vector_load %arg10[%get3A_21] {strides = array<i32>} : memref<128xi32, #tpu.memory_space<vmem>>, vector<16xi32>,
    %get3A_23 = vector.shape_cast %get3A_22 : vector<16xi32> to vector<16xi32>
    %add3A_24 = arith.addi %mul3A_20, %get3A_23 : vector<16xi32>
    %swap3A_25 = arith.constant 16 : index
    %swap3A_26 = tpu.vector_load %arg11[%swap3A_25] {strides = array<i32>} : memref<128xi32, #tpu.memory_space<vmem>>, vector<16xi32>,
    %swap3A_27 = vector.shape_cast %swap3A_26 : vector<16xi32> to vector<16xi32>
    %swap3A_28 = vector.shape_cast %add3A_24 : vector<16xi32> to vector<16xi32>
    tpu.vector_store %arg11[%swap3A_25], %swap3A_28 {strides = array<i32>} : memref<128xi32, #tpu.memory_space<vmem>>, vector<16xi32>,
    %get3A_29 = arith.constant 32 : index
    %get3A_30 = tpu.vector_load %arg9[%get3A_29] {strides = array<i32>} : memref<128xi32, #tpu.memory_space<vmem>>, vector<16xi32>,
    %get3A_31 = vector.shape_cast %get3A_30 : vector<16xi32> to vector<16xi32>
    %mul3A_32 = arith.constant 19 : i32
    %mul3A_33 = vector.broadcast %mul3A_32 : i32 to vector<16xi32>
    %mul3A_34 = arith.muli %get3A_31, %mul3A_33 : vector<16xi32>
    %get3A_35 = arith.constant 32 : index
    %get3A_36 = tpu.vector_load %arg10[%get3A_35] {strides = array<i32>} : memref<128xi32, #tpu.memory_space<vmem>>, vector<16xi32>,
    %get3A_37 = vector.shape_cast %get3A_36 : vector<16xi32> to vector<16xi32>
    %add3A_38 = arith.addi %mul3A_34, %get3A_37 : vector<16xi32>
    %swap3A_39 = arith.constant 32 : index
    %swap3A_40 = tpu.vector_load %arg11[%swap3A_39] {strides = array<i32>} : memref<128xi32, #tpu.memory_space<vmem>>, vector<16xi32>,
    %swap3A_41 = vector.shape_cast %swap3A_40 : vector<16xi32> to vector<16xi32>
    %swap3A_42 = vector.shape_cast %add3A_38 : vector<16xi32> to vector<16xi32>
    tpu.vector_store %arg11[%swap3A_39], %swap3A_42 {strides = array<i32>} : memref<128xi32, #tpu.memory_space<vmem>>, vector<16xi32>,
    %get3A_43 = arith.constant 48 : index
    %get3A_44 = tpu.vector_load %arg9[%get3A_43] {strides = array<i32>} : memref<128xi32, #tpu.memory_space<vmem>>, vector<16xi32>,
    %get3A_45 = vector.shape_cast %get3A_44 : vector<16xi32> to vector<16xi32>
    %mul3A_46 = arith.constant 19 : i32
    %mul3A_47 = vector.broadcast %mul3A_46 : i32 to vector<16xi32>
    %mul3A_48 = arith.muli %get3A_45, %mul3A_47 : vector<16xi32>
    %get3A_49 = arith.constant 48 : index
    %get3A_50 = tpu.vector_load %arg10[%get3A_49] {strides = array<i32>} : memref<128xi32, #tpu.memory_space<vmem>>, vector<16xi32>,
    %get3A_51 = vector.shape_cast %get3A_50 : vector<16xi32> to vector<16xi32>
    %add3A_52 = arith.addi %mul3A_48, %get3A_51 : vector<16xi32>
    %swap3A_53 = arith.constant 48 : index
    %swap3A_54 = tpu.vector_load %arg11[%swap3A_53] {strides = array<i32>} : memref<128xi32, #tpu.memory_space<vmem>>, vector<16xi32>,
    %swap3A_55 = vector.shape_cast %swap3A_54 : vector<16xi32> to vector<16xi32>
    %swap3A_56 = vector.shape_cast %add3A_52 : vector<16xi32> to vector<16xi32>
    tpu.vector_store %arg11[%swap3A_53], %swap3A_56 {strides = array<i32>} : memref<128xi32, #tpu.memory_space<vmem>>, vector<16xi32>,
    %get3A_57 = arith.constant 64 : index
    %get3A_58 = tpu.vector_load %arg9[%get3A_57] {strides = array<i32>} : memref<128xi32, #tpu.memory_space<vmem>>, vector<16xi32>,
    %get3A_59 = vector.shape_cast %get3A_58 : vector<16xi32> to vector<16xi32>
    %mul3A_60 = arith.constant 19 : i32
    %mul3A_61 = vector.broadcast %mul3A_60 : i32 to vector<16xi32>
    %mul3A_62 = arith.muli %get3A_59, %mul3A_61 : vector<16xi32>
    %get3A_63 = arith.constant 64 : index
    %get3A_64 = tpu.vector_load %arg10[%get3A_63] {strides = array<i32>} : memref<128xi32, #tpu.memory_space<vmem>>, vector<16xi32>,
    %get3A_65 = vector.shape_cast %get3A_64 : vector<16xi32> to vector<16xi32>
    %add3A_66 = arith.addi %mul3A_62, %get3A_65 : vector<16xi32>
    %swap3A_67 = arith.constant 64 : index
    %swap3A_68 = tpu.vector_load %arg11[%swap3A_67] {strides = array<i32>} : memref<128xi32, #tpu.memory_space<vmem>>, vector<16xi32>,
    %swap3A_69 = vector.shape_cast %swap3A_68 : vector<16xi32> to vector<16xi32>
    %swap3A_70 = vector.shape_cast %add3A_66 : vector<16xi32> to vector<16xi32>
    tpu.vector_store %arg11[%swap3A_67], %swap3A_70 {strides = array<i32>} : memref<128xi32, #tpu.memory_space<vmem>>, vector<16xi32>,
    %get3A_71 = arith.constant 80 : index
    %get3A_72 = tpu.vector_load %arg9[%get3A_71] {strides = array<i32>} : memref<128xi32, #tpu.memory_space<vmem>>, vector<16xi32>,
    %get3A_73 = vector.shape_cast %get3A_72 : vector<16xi32> to vector<16xi32>
    %mul3A_74 = arith.constant 19 : i32
    %mul3A_75 = vector.broadcast %mul3A_74 : i32 to vector<16xi32>
    %mul3A_76 = arith.muli %get3A_73, %mul3A_75 : vector<16xi32>
    %get3A_77 = arith.constant 80 : index
    %get3A_78 = tpu.vector_load %arg10[%get3A_77] {strides = array<i32>} : memref<128xi32, #tpu.memory_space<vmem>>, vector<16xi32>,
    %get3A_79 = vector.shape_cast %get3A_78 : vector<16xi32> to vector<16xi32>
    %add3A_80 = arith.addi %mul3A_76, %get3A_79 : vector<16xi32>
    %swap3A_81 = arith.constant 80 : index
    %swap3A_82 = tpu.vector_load %arg11[%swap3A_81] {strides = array<i32>} : memref<128xi32, #tpu.memory_space<vmem>>, vector<16xi32>,
    %swap3A_83 = vector.shape_cast %swap3A_82 : vector<16xi32> to vector<16xi32>
    %swap3A_84 = vector.shape_cast %add3A_80 : vector<16xi32> to vector<16xi32>
    tpu.vector_store %arg11[%swap3A_81], %swap3A_84 {strides = array<i32>} : memref<128xi32, #tpu.memory_space<vmem>>, vector<16xi32>,
    %get3A_85 = arith.constant 96 : index
    %get3A_86 = tpu.vector_load %arg9[%get3A_85] {strides = array<i32>} : memref<128xi32, #tpu.memory_space<vmem>>, vector<16xi32>,
    %get3A_87 = vector.shape_cast %get3A_86 : vector<16xi32> to vector<16xi32>
    %mul3A_88 = arith.constant 19 : i32
    %mul3A_89 = vector.broadcast %mul3A_88 : i32 to vector<16xi32>
    %mul3A_90 = arith.muli %get3A_87, %mul3A_89 : vector<16xi32>
    %get3A_91 = arith.constant 96 : index
    %get3A_92 = tpu.vector_load %arg10[%get3A_91] {strides = array<i32>} : memref<128xi32, #tpu.memory_space<vmem>>, vector<16xi32>,
    %get3A_93 = vector.shape_cast %get3A_92 : vector<16xi32> to vector<16xi32>
    %add3A_94 = arith.addi %mul3A_90, %get3A_93 : vector<16xi32>
    %swap3A_95 = arith.constant 96 : index
    %swap3A_96 = tpu.vector_load %arg11[%swap3A_95] {strides = array<i32>} : memref<128xi32, #tpu.memory_space<vmem>>, vector<16xi32>,
    %swap3A_97 = vector.shape_cast %swap3A_96 : vector<16xi32> to vector<16xi32>
    %swap3A_98 = vector.shape_cast %add3A_94 : vector<16xi32> to vector<16xi32>
    tpu.vector_store %arg11[%swap3A_95], %swap3A_98 {strides = array<i32>} : memref<128xi32, #tpu.memory_space<vmem>>, vector<16xi32>,
    %get3A_99 = arith.constant 112 : index
    %get3A_100 = tpu.vector_load %arg9[%get3A_99] {strides = array<i32>} : memref<128xi32, #tpu.memory_space<vmem>>, vector<16xi32>,
    %get3A_101 = vector.shape_cast %get3A_100 : vector<16xi32> to vector<16xi32>
    %mul3A_102 = arith.constant 19 : i32
    %mul3A_103 = vector.broadcast %mul3A_102 : i32 to vector<16xi32>
    %mul3A_104 = arith.muli %get3A_101, %mul3A_103 : vector<16xi32>
    %get3A_105 = arith.constant 112 : index
    %get3A_106 = tpu.vector_load %arg10[%get3A_105] {strides = array<i32>} : memref<128xi32, #tpu.memory_space<vmem>>, vector<16xi32>,
    %get3A_107 = vector.shape_cast %get3A_106 : vector<16xi32> to vector<16xi32>
    %add3A_108 = arith.addi %mul3A_104, %get3A_107 : vector<16xi32>
    %swap3A_109 = arith.constant 112 : index
    %swap3A_110 = tpu.vector_load %arg11[%swap3A_109] {strides = array<i32>} : memref<128xi32, #tpu.memory_space<vmem>>, vector<16xi32>,
    %swap3A_111 = vector.shape_cast %swap3A_110 : vector<16xi32> to vector<16xi32>
    %swap3A_112 = vector.shape_cast %add3A_108 : vector<16xi32> to vector<16xi32>
    tpu.vector_store %arg11[%swap3A_109], %swap3A_112 {strides = array<i32>} : memref<128xi32, #tpu.memory_space<vmem>>, vector<16xi32>,
    "tpu.region"() ({
      %run_scoped3A = tpu.sem_alloc : memref<!tpu.dma_semaphore, #tpu.memory_space<semaphore_mem>>
      %dma_start3A_261 = tpu.memref_slice %arg4[%mul3A_2] : memref<16384xi32, #tpu.memory_space<hbm>> -> memref<128xi32, #tpu.memory_space<hbm>>
      %dma_start3A_262 = tpu.memref_slice %arg4[%mul3A_2] : memref<16384xi32, #tpu.memory_space<hbm>> -> memref<128xi32, #tpu.memory_space<hbm>>
      tpu.enqueue_dma source(%dma_start3A_262 : memref<128xi32, #tpu.memory_space<hbm>>) target(%arg9 : memref<128xi32, #tpu.memory_space<vmem>>) target_semaphore(%run_scoped3A : memref<!tpu.dma_semaphore, #tpu.memory_space<semaphore_mem>>)
      %dma_wait3A_263 = tpu.memref_slice %arg4[%mul3A_2] : memref<16384xi32, #tpu.memory_space<hbm>> -> memref<128xi32, #tpu.memory_space<hbm>>
      %dma_wait3A_264 = tpu.memref_slice %arg4[%mul3A_2] : memref<16384xi32, #tpu.memory_space<hbm>> -> memref<128xi32, #tpu.memory_space<hbm>>
      tpu.wait_dma2 semaphore(%run_scoped3A : memref<!tpu.dma_semaphore, #tpu.memory_space<semaphore_mem>>) src(%dma_wait3A_264 : memref<128xi32, #tpu.memory_space<hbm>>) dst(%arg9 : memref<128xi32, #tpu.memory_space<vmem>>)
      tpu.yield
    }) : () -> ()
    "tpu.region"() ({
      %run_scoped3A = tpu.sem_alloc : memref<!tpu.dma_semaphore, #tpu.memory_space<semaphore_mem>>
      %dma_start3A_261 = tpu.memref_slice %arg5[%mul3A_2] : memref<16384xi32, #tpu.memory_space<hbm>> -> memref<128xi32, #tpu.memory_space<hbm>>
      %dma_start3A_262 = tpu.memref_slice %arg5[%mul3A_2] : memref<16384xi32, #tpu.memory_space<hbm>> -> memref<128xi32, #tpu.memory_space<hbm>>
      tpu.enqueue_dma source(%dma_start3A_262 : memref<128xi32, #tpu.memory_space<hbm>>) target(%arg10 : memref<128xi32, #tpu.memory_space<vmem>>) target_semaphore(%run_scoped3A : memref<!tpu.dma_semaphore, #tpu.memory_space<semaphore_mem>>)
      %dma_wait3A_263 = tpu.memref_slice %arg5[%mul3A_2] : memref<16384xi32, #tpu.memory_space<hbm>> -> memref<128xi32, #tpu.memory_space<hbm>>
      %dma_wait3A_264 = tpu.memref_slice %arg5[%mul3A_2] : memref<16384xi32, #tpu.memory_space<hbm>> -> memref<128xi32, #tpu.memory_space<hbm>>
      tpu.wait_dma2 semaphore(%run_scoped3A : memref<!tpu.dma_semaphore, #tpu.memory_space<semaphore_mem>>) src(%dma_wait3A_264 : memref<128xi32, #tpu.memory_space<hbm>>) dst(%arg10 : memref<128xi32, #tpu.memory_space<vmem>>)
      tpu.yield
    }) : () -> ()
    %get3A_113 = arith.constant 0 : index
    %get3A_114 = tpu.vector_load %arg9[%get3A_113] {strides = array<i32>} : memref<128xi32, #tpu.memory_space<vmem>>, vector<16xi32>,
    %get3A_115 = vector.shape_cast %get3A_114 : vector<16xi32> to vector<16xi32>
    %mul3A_116 = arith.constant 16 : i32
    %mul3A_117 = vector.broadcast %mul3A_116 : i32 to vector<16xi32>
    %mul3A_118 = arith.muli %get3A_115, %mul3A_117 : vector<16xi32>
    %get3A_119 = arith.constant 0 : index
    %get3A_120 = tpu.vector_load %arg10[%get3A_119] {strides = array<i32>} : memref<128xi32, #tpu.memory_space<vmem>>, vector<16xi32>,
    %get3A_121 = vector.shape_cast %get3A_120 : vector<16xi32> to vector<16xi32>
    %add3A_122 = arith.addi %mul3A_118, %get3A_121 : vector<16xi32>
    %swap3A_123 = arith.constant 0 : index
    %swap3A_124 = tpu.vector_load %arg12[%swap3A_123] {strides = array<i32>} : memref<128xi32, #tpu.memory_space<vmem>>, vector<16xi32>,
    %swap3A_125 = vector.shape_cast %swap3A_124 : vector<16xi32> to vector<16xi32>
    %swap3A_126 = vector.shape_cast %add3A_122 : vector<16xi32> to vector<16xi32>
    tpu.vector_store %arg12[%swap3A_123], %swap3A_126 {strides = array<i32>} : memref<128xi32, #tpu.memory_space<vmem>>, vector<16xi32>,
    %get3A_127 = arith.constant 16 : index
    %get3A_128 = tpu.vector_load %arg9[%get3A_127] {strides = array<i32>} : memref<128xi32, #tpu.memory_space<vmem>>, vector<16xi32>,
    %get3A_129 = vector.shape_cast %get3A_128 : vector<16xi32> to vector<16xi32>
    %mul3A_130 = arith.constant 16 : i32
    %mul3A_131 = vector.broadcast %mul3A_130 : i32 to vector<16xi32>
    %mul3A_132 = arith.muli %get3A_129, %mul3A_131 : vector<16xi32>
    %get3A_133 = arith.constant 16 : index
    %get3A_134 = tpu.vector_load %arg10[%get3A_133] {strides = array<i32>} : memref<128xi32, #tpu.memory_space<vmem>>, vector<16xi32>,
    %get3A_135 = vector.shape_cast %get3A_134 : vector<16xi32> to vector<16xi32>
    %add3A_136 = arith.addi %mul3A_132, %get3A_135 : vector<16xi32>
    %swap3A_137 = arith.constant 16 : index
    %swap3A_138 = tpu.vector_load %arg12[%swap3A_137] {strides = array<i32>} : memref<128xi32, #tpu.memory_space<vmem>>, vector<16xi32>,
    %swap3A_139 = vector.shape_cast %swap3A_138 : vector<16xi32> to vector<16xi32>
    %swap3A_140 = vector.shape_cast %add3A_136 : vector<16xi32> to vector<16xi32>
    tpu.vector_store %arg12[%swap3A_137], %swap3A_140 {strides = array<i32>} : memref<128xi32, #tpu.memory_space<vmem>>, vector<16xi32>,
    %get3A_141 = arith.constant 32 : index
    %get3A_142 = tpu.vector_load %arg9[%get3A_141] {strides = array<i32>} : memref<128xi32, #tpu.memory_space<vmem>>, vector<16xi32>,
    %get3A_143 = vector.shape_cast %get3A_142 : vector<16xi32> to vector<16xi32>
    %mul3A_144 = arith.constant 16 : i32
    %mul3A_145 = vector.broadcast %mul3A_144 : i32 to vector<16xi32>
    %mul3A_146 = arith.muli %get3A_143, %mul3A_145 : vector<16xi32>
    %get3A_147 = arith.constant 32 : index
    %get3A_148 = tpu.vector_load %arg10[%get3A_147] {strides = array<i32>} : memref<128xi32, #tpu.memory_space<vmem>>, vector<16xi32>,
    %get3A_149 = vector.shape_cast %get3A_148 : vector<16xi32> to vector<16xi32>
    %add3A_150 = arith.addi %mul3A_146, %get3A_149 : vector<16xi32>
    %swap3A_151 = arith.constant 32 : index
    %swap3A_152 = tpu.vector_load %arg12[%swap3A_151] {strides = array<i32>} : memref<128xi32, #tpu.memory_space<vmem>>, vector<16xi32>,
    %swap3A_153 = vector.shape_cast %swap3A_152 : vector<16xi32> to vector<16xi32>
    %swap3A_154 = vector.shape_cast %add3A_150 : vector<16xi32> to vector<16xi32>
    tpu.vector_store %arg12[%swap3A_151], %swap3A_154 {strides = array<i32>} : memref<128xi32, #tpu.memory_space<vmem>>, vector<16xi32>,
    %get3A_155 = arith.constant 48 : index
    %get3A_156 = tpu.vector_load %arg9[%get3A_155] {strides = array<i32>} : memref<128xi32, #tpu.memory_space<vmem>>, vector<16xi32>,
    %get3A_157 = vector.shape_cast %get3A_156 : vector<16xi32> to vector<16xi32>
    %mul3A_158 = arith.constant 16 : i32
    %mul3A_159 = vector.broadcast %mul3A_158 : i32 to vector<16xi32>
    %mul3A_160 = arith.muli %get3A_157, %mul3A_159 : vector<16xi32>
    %get3A_161 = arith.constant 48 : index
    %get3A_162 = tpu.vector_load %arg10[%get3A_161] {strides = array<i32>} : memref<128xi32, #tpu.memory_space<vmem>>, vector<16xi32>,
    %get3A_163 = vector.shape_cast %get3A_162 : vector<16xi32> to vector<16xi32>
    %add3A_164 = arith.addi %mul3A_160, %get3A_163 : vector<16xi32>
    %swap3A_165 = arith.constant 48 : index
    %swap3A_166 = tpu.vector_load %arg12[%swap3A_165] {strides = array<i32>} : memref<128xi32, #tpu.memory_space<vmem>>, vector<16xi32>,
    %swap3A_167 = vector.shape_cast %swap3A_166 : vector<16xi32> to vector<16xi32>
    %swap3A_168 = vector.shape_cast %add3A_164 : vector<16xi32> to vector<16xi32>
    tpu.vector_store %arg12[%swap3A_165], %swap3A_168 {strides = array<i32>} : memref<128xi32, #tpu.memory_space<vmem>>, vector<16xi32>,
    %get3A_169 = arith.constant 64 : index
    %get3A_170 = tpu.vector_load %arg9[%get3A_169] {strides = array<i32>} : memref<128xi32, #tpu.memory_space<vmem>>, vector<16xi32>,
    %get3A_171 = vector.shape_cast %get3A_170 : vector<16xi32> to vector<16xi32>
    %mul3A_172 = arith.constant 16 : i32
    %mul3A_173 = vector.broadcast %mul3A_172 : i32 to vector<16xi32>
    %mul3A_174 = arith.muli %get3A_171, %mul3A_173 : vector<16xi32>
    %get3A_175 = arith.constant 64 : index
    %get3A_176 = tpu.vector_load %arg10[%get3A_175] {strides = array<i32>} : memref<128xi32, #tpu.memory_space<vmem>>, vector<16xi32>,
    %get3A_177 = vector.shape_cast %get3A_176 : vector<16xi32> to vector<16xi32>
    %add3A_178 = arith.addi %mul3A_174, %get3A_177 : vector<16xi32>
    %swap3A_179 = arith.constant 64 : index
    %swap3A_180 = tpu.vector_load %arg12[%swap3A_179] {strides = array<i32>} : memref<128xi32, #tpu.memory_space<vmem>>, vector<16xi32>,
    %swap3A_181 = vector.shape_cast %swap3A_180 : vector<16xi32> to vector<16xi32>
    %swap3A_182 = vector.shape_cast %add3A_178 : vector<16xi32> to vector<16xi32>
    tpu.vector_store %arg12[%swap3A_179], %swap3A_182 {strides = array<i32>} : memref<128xi32, #tpu.memory_space<vmem>>, vector<16xi32>,
    %get3A_183 = arith.constant 80 : index
    %get3A_184 = tpu.vector_load %arg9[%get3A_183] {strides = array<i32>} : memref<128xi32, #tpu.memory_space<vmem>>, vector<16xi32>,
    %get3A_185 = vector.shape_cast %get3A_184 : vector<16xi32> to vector<16xi32>
    %mul3A_186 = arith.constant 16 : i32
    %mul3A_187 = vector.broadcast %mul3A_186 : i32 to vector<16xi32>
    %mul3A_188 = arith.muli %get3A_185, %mul3A_187 : vector<16xi32>
    %get3A_189 = arith.constant 80 : index
    %get3A_190 = tpu.vector_load %arg10[%get3A_189] {strides = array<i32>} : memref<128xi32, #tpu.memory_space<vmem>>, vector<16xi32>,
    %get3A_191 = vector.shape_cast %get3A_190 : vector<16xi32> to vector<16xi32>
    %add3A_192 = arith.addi %mul3A_188, %get3A_191 : vector<16xi32>
    %swap3A_193 = arith.constant 80 : index
    %swap3A_194 = tpu.vector_load %arg12[%swap3A_193] {strides = array<i32>} : memref<128xi32, #tpu.memory_space<vmem>>, vector<16xi32>,
    %swap3A_195 = vector.shape_cast %swap3A_194 : vector<16xi32> to vector<16xi32>
    %swap3A_196 = vector.shape_cast %add3A_192 : vector<16xi32> to vector<16xi32>
    tpu.vector_store %arg12[%swap3A_193], %swap3A_196 {strides = array<i32>} : memref<128xi32, #tpu.memory_space<vmem>>, vector<16xi32>,
    %get3A_197 = arith.constant 96 : index
    %get3A_198 = tpu.vector_load %arg9[%get3A_197] {strides = array<i32>} : memref<128xi32, #tpu.memory_space<vmem>>, vector<16xi32>,
    %get3A_199 = vector.shape_cast %get3A_198 : vector<16xi32> to vector<16xi32>
    %mul3A_200 = arith.constant 16 : i32
    %mul3A_201 = vector.broadcast %mul3A_200 : i32 to vector<16xi32>
    %mul3A_202 = arith.muli %get3A_199, %mul3A_201 : vector<16xi32>
    %get3A_203 = arith.constant 96 : index
    %get3A_204 = tpu.vector_load %arg10[%get3A_203] {strides = array<i32>} : memref<128xi32, #tpu.memory_space<vmem>>, vector<16xi32>,
    %get3A_205 = vector.shape_cast %get3A_204 : vector<16xi32> to vector<16xi32>
    %add3A_206 = arith.addi %mul3A_202, %get3A_205 : vector<16xi32>
    %swap3A_207 = arith.constant 96 : index
    %swap3A_208 = tpu.vector_load %arg12[%swap3A_207] {strides = array<i32>} : memref<128xi32, #tpu.memory_space<vmem>>, vector<16xi32>,
    %swap3A_209 = vector.shape_cast %swap3A_208 : vector<16xi32> to vector<16xi32>
    %swap3A_210 = vector.shape_cast %add3A_206 : vector<16xi32> to vector<16xi32>
    tpu.vector_store %arg12[%swap3A_207], %swap3A_210 {strides = array<i32>} : memref<128xi32, #tpu.memory_space<vmem>>, vector<16xi32>,
    %get3A_211 = arith.constant 112 : index
    %get3A_212 = tpu.vector_load %arg9[%get3A_211] {strides = array<i32>} : memref<128xi32, #tpu.memory_space<vmem>>, vector<16xi32>,
    %get3A_213 = vector.shape_cast %get3A_212 : vector<16xi32> to vector<16xi32>
    %mul3A_214 = arith.constant 16 : i32
    %mul3A_215 = vector.broadcast %mul3A_214 : i32 to vector<16xi32>
    %mul3A_216 = arith.muli %get3A_213, %mul3A_215 : vector<16xi32>
    %get3A_217 = arith.constant 112 : index
    %get3A_218 = tpu.vector_load %arg10[%get3A_217] {strides = array<i32>} : memref<128xi32, #tpu.memory_space<vmem>>, vector<16xi32>,
    %get3A_219 = vector.shape_cast %get3A_218 : vector<16xi32> to vector<16xi32>
    %add3A_220 = arith.addi %mul3A_216, %get3A_219 : vector<16xi32>
    %swap3A_221 = arith.constant 112 : index
    %swap3A_222 = tpu.vector_load %arg12[%swap3A_221] {strides = array<i32>} : memref<128xi32, #tpu.memory_space<vmem>>, vector<16xi32>,
    %swap3A_223 = vector.shape_cast %swap3A_222 : vector<16xi32> to vector<16xi32>
    %swap3A_224 = vector.shape_cast %add3A_220 : vector<16xi32> to vector<16xi32>
    tpu.vector_store %arg12[%swap3A_221], %swap3A_224 {strides = array<i32>} : memref<128xi32, #tpu.memory_space<vmem>>, vector<16xi32>,
    %dma_start3A = arith.constant 0 : i32
    %dma_start3A_225 = tpu.memref_slice %arg11[%dma_start3A] : memref<128xi32, #tpu.memory_space<vmem>> -> memref<32xi32, #tpu.memory_space<vmem>>
    %dma_start3A_226 = arith.constant 0 : i32
    %dma_start3A_227 = arith.constant 0 : i32
    %dma_start3A_228 = tpu.memref_slice %arg6[%dma_start3A_226, %dma_start3A_227] : memref<684x512xf32, #tpu.memory_space<hbm>> -> memref<684x512xf32, #tpu.memory_space<hbm>>
    tpu.enqueue_indirect_dma source(%dma_start3A_228 : memref<684x512xf32, #tpu.memory_space<hbm>>) target(%arg13 : memref<32x512xf32, #tpu.memory_space<vmem>>) offsets(%dma_start3A_225 : memref<32xi32, #tpu.memory_space<vmem>>) semaphore(%arg19 : memref<!tpu.dma_semaphore, #tpu.memory_space<semaphore_mem>>)
    %dma_start3A_229 = arith.constant 0 : i32
    %dma_start3A_230 = tpu.memref_slice %arg12[%dma_start3A_229] : memref<128xi32, #tpu.memory_space<vmem>> -> memref<32xi32, #tpu.memory_space<vmem>>
    %dma_start3A_231 = arith.constant 0 : i32
    %dma_start3A_232 = arith.constant 0 : i32
    %dma_start3A_233 = tpu.memref_slice %arg7[%dma_start3A_231, %dma_start3A_232] : memref<512x512xf32, #tpu.memory_space<hbm>> -> memref<512x512xf32, #tpu.memory_space<hbm>>
    tpu.enqueue_indirect_dma source(%dma_start3A_233 : memref<512x512xf32, #tpu.memory_space<hbm>>) target(%arg15 : memref<32x512xf32, #tpu.memory_space<vmem>>) offsets(%dma_start3A_230 : memref<32xi32, #tpu.memory_space<vmem>>) semaphore(%arg21 : memref<!tpu.dma_semaphore, #tpu.memory_space<semaphore_mem>>)
    %dma_start3A_234 = arith.constant 32 : i32
    %dma_start3A_235 = tpu.memref_slice %arg11[%dma_start3A_234] : memref<128xi32, #tpu.memory_space<vmem>> -> memref<32xi32, #tpu.memory_space<vmem>>
    %dma_start3A_236 = arith.constant 0 : i32
    %dma_start3A_237 = arith.constant 0 : i32
    %dma_start3A_238 = tpu.memref_slice %arg6[%dma_start3A_236, %dma_start3A_237] : memref<684x512xf32, #tpu.memory_space<hbm>> -> memref<684x512xf32, #tpu.memory_space<hbm>>
    tpu.enqueue_indirect_dma source(%dma_start3A_238 : memref<684x512xf32, #tpu.memory_space<hbm>>) target(%arg14 : memref<32x512xf32, #tpu.memory_space<vmem>>) offsets(%dma_start3A_235 : memref<32xi32, #tpu.memory_space<vmem>>) semaphore(%arg20 : memref<!tpu.dma_semaphore, #tpu.memory_space<semaphore_mem>>)
    %dma_start3A_239 = arith.constant 32 : i32
    %dma_start3A_240 = tpu.memref_slice %arg12[%dma_start3A_239] : memref<128xi32, #tpu.memory_space<vmem>> -> memref<32xi32, #tpu.memory_space<vmem>>
    %dma_start3A_241 = arith.constant 0 : i32
    %dma_start3A_242 = arith.constant 0 : i32
    %dma_start3A_243 = tpu.memref_slice %arg7[%dma_start3A_241, %dma_start3A_242] : memref<512x512xf32, #tpu.memory_space<hbm>> -> memref<512x512xf32, #tpu.memory_space<hbm>>
    tpu.enqueue_indirect_dma source(%dma_start3A_243 : memref<512x512xf32, #tpu.memory_space<hbm>>) target(%arg16 : memref<32x512xf32, #tpu.memory_space<vmem>>) offsets(%dma_start3A_240 : memref<32xi32, #tpu.memory_space<vmem>>) semaphore(%arg22 : memref<!tpu.dma_semaphore, #tpu.memory_space<semaphore_mem>>)
    %scan3A = arith.constant 0 : i32
    %scan3A_244 = arith.constant 0 : i32
    %scan3A_245 = arith.constant 2 : i32
    %scan3A_246 = arith.addi %scan3A_244, %scan3A_245 : i32
    %scan3A_247 = arith.constant 1 : i32
    %scan3A_248 = scf.for %scan3A_261 = %scan3A_244 to %scan3A_246 step %scan3A_247 iter_args(%scan3A_262 = %scan3A) -> (i32)  : i32 {
      %mul3A_263 = arith.constant 2 : i32
      %mul3A_264 = arith.muli %scan3A_261, %mul3A_263 : i32
      %eq3A = arith.constant 0 : i32
      %eq3A_265 = arith.cmpi eq, %scan3A_261, %eq3A : i32
      %mul3A_266 = arith.constant 32 : i32
      %mul3A_267 = arith.muli %mul3A_264, %mul3A_266 : i32
      %mul3A_268 = arith.constant 32 : i32
      %mul3A_269 = arith.muli %mul3A_264, %mul3A_268 : i32
      %dma_wait3A_270 = tpu.memref_slice %arg11[%mul3A_267] : memref<128xi32, #tpu.memory_space<vmem>> -> memref<32xi32, #tpu.memory_space<vmem>>
      %dma_wait3A_271 = arith.constant 0 : i32
      %dma_wait3A_272 = arith.constant 0 : i32
      %dma_wait3A_273 = tpu.memref_slice %arg6[%dma_wait3A_271, %dma_wait3A_272] : memref<684x512xf32, #tpu.memory_space<hbm>> -> memref<684x512xf32, #tpu.memory_space<hbm>>
      tpu.wait_indirect_dma semaphore(%arg19 : memref<!tpu.dma_semaphore, #tpu.memory_space<semaphore_mem>>) src(%dma_wait3A_273 : memref<684x512xf32, #tpu.memory_space<hbm>>) dst(%arg13 : memref<32x512xf32, #tpu.memory_space<vmem>>)
      %dma_wait3A_274 = tpu.memref_slice %arg12[%mul3A_269] : memref<128xi32, #tpu.memory_space<vmem>> -> memref<32xi32, #tpu.memory_space<vmem>>
      %dma_wait3A_275 = arith.constant 0 : i32
      %dma_wait3A_276 = arith.constant 0 : i32
      %dma_wait3A_277 = tpu.memref_slice %arg7[%dma_wait3A_275, %dma_wait3A_276] : memref<512x512xf32, #tpu.memory_space<hbm>> -> memref<512x512xf32, #tpu.memory_space<hbm>>
      tpu.wait_indirect_dma semaphore(%arg21 : memref<!tpu.dma_semaphore, #tpu.memory_space<semaphore_mem>>) src(%dma_wait3A_277 : memref<512x512xf32, #tpu.memory_space<hbm>>) dst(%arg15 : memref<32x512xf32, #tpu.memory_space<vmem>>)
      %not3A = arith.constant true
      %not3A_278 = arith.xori %eq3A_265, %not3A : i1
      %convert_element_type3A = arith.extui %not3A_278 : i1 to i32
      %cond3A = arith.constant 0 : i32
      %cond3A_279 = arith.cmpi ne, %convert_element_type3A, %cond3A : i32
      scf.if %cond3A_279 {
        %sub3A = arith.constant 2 : i32
        %sub3A_343 = arith.subi %mul3A_264, %sub3A : i32
        %mul3A_344 = arith.constant 32 : i32
        %mul3A_345 = arith.muli %sub3A_343, %mul3A_344 : i32
        %add3A_346 = arith.addi %mul3A_2, %mul3A_345 : i32
        %dma_wait3A_347 = arith.constant 0 : i32
        %dma_wait3A_348 = tpu.memref_slice %arg8[%add3A_346, %dma_wait3A_347] : memref<16384x512xf32, #tpu.memory_space<hbm>> -> memref<32x512xf32, #tpu.memory_space<hbm>>
        %dma_wait3A_349 = arith.constant 0 : i32
        %dma_wait3A_350 = tpu.memref_slice %arg8[%add3A_346, %dma_wait3A_349] : memref<16384x512xf32, #tpu.memory_space<hbm>> -> memref<32x512xf32, #tpu.memory_space<hbm>>
        tpu.wait_dma2 semaphore(%arg23 : memref<!tpu.dma_semaphore, #tpu.memory_space<semaphore_mem>>) src(%arg17 : memref<32x512xf32, #tpu.memory_space<vmem>>) dst(%dma_wait3A_350 : memref<32x512xf32, #tpu.memory_space<hbm>>)
      } else {
      }
      %scan3A_280 = arith.constant 0 : i32
      %scan3A_281 = arith.constant 0 : i32
      %scan3A_282 = arith.constant 32 : i32
      %scan3A_283 = arith.addi %scan3A_281, %scan3A_282 : i32
      %scan3A_284 = arith.constant 1 : i32
      %scan3A_285 = scf.for %scan3A_343 = %scan3A_281 to %scan3A_283 step %scan3A_284 iter_args(%scan3A_344 = %scan3A_280) -> (i32)  : i32 {
        %get3A_345 = arith.index_cast %scan3A_343 : i32 to index
        %get3A_346 = arith.constant 0 : index
        %get3A_347 = tpu.vector_load %arg13[%get3A_345, %get3A_346] {strides = array<i32>} : memref<32x512xf32, #tpu.memory_space<vmem>>, vector<1x16xf32>,
        %get3A_348 = vector.shape_cast %get3A_347 : vector<1x16xf32> to vector<16xf32>
        %get3A_349 = arith.index_cast %scan3A_343 : i32 to index
        %get3A_350 = arith.constant 0 : index
        %get3A_351 = tpu.vector_load %arg15[%get3A_349, %get3A_350] {strides = array<i32>} : memref<32x512xf32, #tpu.memory_space<vmem>>, vector<1x16xf32>,
        %get3A_352 = vector.shape_cast %get3A_351 : vector<1x16xf32> to vector<16xf32>
        %add3A_353 = arith.addf %get3A_348, %get3A_352 : vector<16xf32>
        %max3A = arith.constant 0.000000e+00 : f32
        %max3A_354 = vector.broadcast %max3A : f32 to vector<16xf32>
        %max3A_355 = arith.maximumf %add3A_353, %max3A_354 : vector<16xf32>
        %swap3A_356 = arith.index_cast %scan3A_343 : i32 to index
        %swap3A_357 = arith.constant 0 : index
        %swap3A_358 = tpu.vector_load %arg17[%swap3A_356, %swap3A_357] {strides = array<i32>} : memref<32x512xf32, #tpu.memory_space<vmem>>, vector<1x16xf32>,
        %swap3A_359 = vector.shape_cast %swap3A_358 : vector<1x16xf32> to vector<16xf32>
        %swap3A_360 = vector.shape_cast %max3A_355 : vector<16xf32> to vector<1x16xf32>
        tpu.vector_store %arg17[%swap3A_356, %swap3A_357], %swap3A_360 {strides = array<i32>} : memref<32x512xf32, #tpu.memory_space<vmem>>, vector<1x16xf32>,
        %get3A_361 = arith.index_cast %scan3A_343 : i32 to index
        %get3A_362 = arith.constant 16 : index
        %get3A_363 = tpu.vector_load %arg13[%get3A_361, %get3A_362] {strides = array<i32>} : memref<32x512xf32, #tpu.memory_space<vmem>>, vector<1x16xf32>,
        %get3A_364 = vector.shape_cast %get3A_363 : vector<1x16xf32> to vector<16xf32>
        %get3A_365 = arith.index_cast %scan3A_343 : i32 to index
        %get3A_366 = arith.constant 16 : index
        %get3A_367 = tpu.vector_load %arg15[%get3A_365, %get3A_366] {strides = array<i32>} : memref<32x512xf32, #tpu.memory_space<vmem>>, vector<1x16xf32>,
        %get3A_368 = vector.shape_cast %get3A_367 : vector<1x16xf32> to vector<16xf32>
        %add3A_369 = arith.addf %get3A_364, %get3A_368 : vector<16xf32>
        %max3A_370 = arith.constant 0.000000e+00 : f32
        %max3A_371 = vector.broadcast %max3A_370 : f32 to vector<16xf32>
        %max3A_372 = arith.maximumf %add3A_369, %max3A_371 : vector<16xf32>
        %swap3A_373 = arith.index_cast %scan3A_343 : i32 to index
        %swap3A_374 = arith.constant 16 : index
        %swap3A_375 = tpu.vector_load %arg17[%swap3A_373, %swap3A_374] {strides = array<i32>} : memref<32x512xf32, #tpu.memory_space<vmem>>, vector<1x16xf32>,
        %swap3A_376 = vector.shape_cast %swap3A_375 : vector<1x16xf32> to vector<16xf32>
        %swap3A_377 = vector.shape_cast %max3A_372 : vector<16xf32> to vector<1x16xf32>
        tpu.vector_store %arg17[%swap3A_373, %swap3A_374], %swap3A_377 {strides = array<i32>} : memref<32x512xf32, #tpu.memory_space<vmem>>, vector<1x16xf32>,
        %get3A_378 = arith.index_cast %scan3A_343 : i32 to index
        %get3A_379 = arith.constant 32 : index
        %get3A_380 = tpu.vector_load %arg13[%get3A_378, %get3A_379] {strides = array<i32>} : memref<32x512xf32, #tpu.memory_space<vmem>>, vector<1x16xf32>,
        %get3A_381 = vector.shape_cast %get3A_380 : vector<1x16xf32> to vector<16xf32>
        %get3A_382 = arith.index_cast %scan3A_343 : i32 to index
        %get3A_383 = arith.constant 32 : index
        %get3A_384 = tpu.vector_load %arg15[%get3A_382, %get3A_383] {strides = array<i32>} : memref<32x512xf32, #tpu.memory_space<vmem>>, vector<1x16xf32>,
        %get3A_385 = vector.shape_cast %get3A_384 : vector<1x16xf32> to vector<16xf32>
        %add3A_386 = arith.addf %get3A_381, %get3A_385 : vector<16xf32>
        %max3A_387 = arith.constant 0.000000e+00 : f32
        %max3A_388 = vector.broadcast %max3A_387 : f32 to vector<16xf32>
        %max3A_389 = arith.maximumf %add3A_386, %max3A_388 : vector<16xf32>
        %swap3A_390 = arith.index_cast %scan3A_343 : i32 to index
        %swap3A_391 = arith.constant 32 : index
        %swap3A_392 = tpu.vector_load %arg17[%swap3A_390, %swap3A_391] {strides = array<i32>} : memref<32x512xf32, #tpu.memory_space<vmem>>, vector<1x16xf32>,
        %swap3A_393 = vector.shape_cast %swap3A_392 : vector<1x16xf32> to vector<16xf32>
        %swap3A_394 = vector.shape_cast %max3A_389 : vector<16xf32> to vector<1x16xf32>
        tpu.vector_store %arg17[%swap3A_390, %swap3A_391], %swap3A_394 {strides = array<i32>} : memref<32x512xf32, #tpu.memory_space<vmem>>, vector<1x16xf32>,
        %get3A_395 = arith.index_cast %scan3A_343 : i32 to index
        %get3A_396 = arith.constant 48 : index
        %get3A_397 = tpu.vector_load %arg13[%get3A_395, %get3A_396] {strides = array<i32>} : memref<32x512xf32, #tpu.memory_space<vmem>>, vector<1x16xf32>,
        %get3A_398 = vector.shape_cast %get3A_397 : vector<1x16xf32> to vector<16xf32>
        %get3A_399 = arith.index_cast %scan3A_343 : i32 to index
        %get3A_400 = arith.constant 48 : index
        %get3A_401 = tpu.vector_load %arg15[%get3A_399, %get3A_400] {strides = array<i32>} : memref<32x512xf32, #tpu.memory_space<vmem>>, vector<1x16xf32>,
        %get3A_402 = vector.shape_cast %get3A_401 : vector<1x16xf32> to vector<16xf32>
        %add3A_403 = arith.addf %get3A_398, %get3A_402 : vector<16xf32>
        %max3A_404 = arith.constant 0.000000e+00 : f32
        %max3A_405 = vector.broadcast %max3A_404 : f32 to vector<16xf32>
        %max3A_406 = arith.maximumf %add3A_403, %max3A_405 : vector<16xf32>
        %swap3A_407 = arith.index_cast %scan3A_343 : i32 to index
        %swap3A_408 = arith.constant 48 : index
        %swap3A_409 = tpu.vector_load %arg17[%swap3A_407, %swap3A_408] {strides = array<i32>} : memref<32x512xf32, #tpu.memory_space<vmem>>, vector<1x16xf32>,
        %swap3A_410 = vector.shape_cast %swap3A_409 : vector<1x16xf32> to vector<16xf32>
        %swap3A_411 = vector.shape_cast %max3A_406 : vector<16xf32> to vector<1x16xf32>
        tpu.vector_store %arg17[%swap3A_407, %swap3A_408], %swap3A_411 {strides = array<i32>} : memref<32x512xf32, #tpu.memory_space<vmem>>, vector<1x16xf32>,
        %get3A_412 = arith.index_cast %scan3A_343 : i32 to index
        %get3A_413 = arith.constant 64 : index
        %get3A_414 = tpu.vector_load %arg13[%get3A_412, %get3A_413] {strides = array<i32>} : memref<32x512xf32, #tpu.memory_space<vmem>>, vector<1x16xf32>,
        %get3A_415 = vector.shape_cast %get3A_414 : vector<1x16xf32> to vector<16xf32>
        %get3A_416 = arith.index_cast %scan3A_343 : i32 to index
        %get3A_417 = arith.constant 64 : index
        %get3A_418 = tpu.vector_load %arg15[%get3A_416, %get3A_417] {strides = array<i32>} : memref<32x512xf32, #tpu.memory_space<vmem>>, vector<1x16xf32>,
        %get3A_419 = vector.shape_cast %get3A_418 : vector<1x16xf32> to vector<16xf32>
        %add3A_420 = arith.addf %get3A_415, %get3A_419 : vector<16xf32>
        %max3A_421 = arith.constant 0.000000e+00 : f32
        %max3A_422 = vector.broadcast %max3A_421 : f32 to vector<16xf32>
        %max3A_423 = arith.maximumf %add3A_420, %max3A_422 : vector<16xf32>
        %swap3A_424 = arith.index_cast %scan3A_343 : i32 to index
        %swap3A_425 = arith.constant 64 : index
        %swap3A_426 = tpu.vector_load %arg17[%swap3A_424, %swap3A_425] {strides = array<i32>} : memref<32x512xf32, #tpu.memory_space<vmem>>, vector<1x16xf32>,
        %swap3A_427 = vector.shape_cast %swap3A_426 : vector<1x16xf32> to vector<16xf32>
        %swap3A_428 = vector.shape_cast %max3A_423 : vector<16xf32> to vector<1x16xf32>
        tpu.vector_store %arg17[%swap3A_424, %swap3A_425], %swap3A_428 {strides = array<i32>} : memref<32x512xf32, #tpu.memory_space<vmem>>, vector<1x16xf32>,
        %get3A_429 = arith.index_cast %scan3A_343 : i32 to index
        %get3A_430 = arith.constant 80 : index
        %get3A_431 = tpu.vector_load %arg13[%get3A_429, %get3A_430] {strides = array<i32>} : memref<32x512xf32, #tpu.memory_space<vmem>>, vector<1x16xf32>,
        %get3A_432 = vector.shape_cast %get3A_431 : vector<1x16xf32> to vector<16xf32>
        %get3A_433 = arith.index_cast %scan3A_343 : i32 to index
        %get3A_434 = arith.constant 80 : index
        %get3A_435 = tpu.vector_load %arg15[%get3A_433, %get3A_434] {strides = array<i32>} : memref<32x512xf32, #tpu.memory_space<vmem>>, vector<1x16xf32>,
        %get3A_436 = vector.shape_cast %get3A_435 : vector<1x16xf32> to vector<16xf32>
        %add3A_437 = arith.addf %get3A_432, %get3A_436 : vector<16xf32>
        %max3A_438 = arith.constant 0.000000e+00 : f32
        %max3A_439 = vector.broadcast %max3A_438 : f32 to vector<16xf32>
        %max3A_440 = arith.maximumf %add3A_437, %max3A_439 : vector<16xf32>
        %swap3A_441 = arith.index_cast %scan3A_343 : i32 to index
        %swap3A_442 = arith.constant 80 : index
        %swap3A_443 = tpu.vector_load %arg17[%swap3A_441, %swap3A_442] {strides = array<i32>} : memref<32x512xf32, #tpu.memory_space<vmem>>, vector<1x16xf32>,
        %swap3A_444 = vector.shape_cast %swap3A_443 : vector<1x16xf32> to vector<16xf32>
        %swap3A_445 = vector.shape_cast %max3A_440 : vector<16xf32> to vector<1x16xf32>
        tpu.vector_store %arg17[%swap3A_441, %swap3A_442], %swap3A_445 {strides = array<i32>} : memref<32x512xf32, #tpu.memory_space<vmem>>, vector<1x16xf32>,
        %get3A_446 = arith.index_cast %scan3A_343 : i32 to index
        %get3A_447 = arith.constant 96 : index
        %get3A_448 = tpu.vector_load %arg13[%get3A_446, %get3A_447] {strides = array<i32>} : memref<32x512xf32, #tpu.memory_space<vmem>>, vector<1x16xf32>,
        %get3A_449 = vector.shape_cast %get3A_448 : vector<1x16xf32> to vector<16xf32>
        %get3A_450 = arith.index_cast %scan3A_343 : i32 to index
        %get3A_451 = arith.constant 96 : index
        %get3A_452 = tpu.vector_load %arg15[%get3A_450, %get3A_451] {strides = array<i32>} : memref<32x512xf32, #tpu.memory_space<vmem>>, vector<1x16xf32>,
        %get3A_453 = vector.shape_cast %get3A_452 : vector<1x16xf32> to vector<16xf32>
        %add3A_454 = arith.addf %get3A_449, %get3A_453 : vector<16xf32>
        %max3A_455 = arith.constant 0.000000e+00 : f32
        %max3A_456 = vector.broadcast %max3A_455 : f32 to vector<16xf32>
        %max3A_457 = arith.maximumf %add3A_454, %max3A_456 : vector<16xf32>
        %swap3A_458 = arith.index_cast %scan3A_343 : i32 to index
        %swap3A_459 = arith.constant 96 : index
        %swap3A_460 = tpu.vector_load %arg17[%swap3A_458, %swap3A_459] {strides = array<i32>} : memref<32x512xf32, #tpu.memory_space<vmem>>, vector<1x16xf32>,
        %swap3A_461 = vector.shape_cast %swap3A_460 : vector<1x16xf32> to vector<16xf32>
        %swap3A_462 = vector.shape_cast %max3A_457 : vector<16xf32> to vector<1x16xf32>
        tpu.vector_store %arg17[%swap3A_458, %swap3A_459], %swap3A_462 {strides = array<i32>} : memref<32x512xf32, #tpu.memory_space<vmem>>, vector<1x16xf32>,
        %get3A_463 = arith.index_cast %scan3A_343 : i32 to index
        %get3A_464 = arith.constant 112 : index
        %get3A_465 = tpu.vector_load %arg13[%get3A_463, %get3A_464] {strides = array<i32>} : memref<32x512xf32, #tpu.memory_space<vmem>>, vector<1x16xf32>,
        %get3A_466 = vector.shape_cast %get3A_465 : vector<1x16xf32> to vector<16xf32>
        %get3A_467 = arith.index_cast %scan3A_343 : i32 to index
        %get3A_468 = arith.constant 112 : index
        %get3A_469 = tpu.vector_load %arg15[%get3A_467, %get3A_468] {strides = array<i32>} : memref<32x512xf32, #tpu.memory_space<vmem>>, vector<1x16xf32>,
        %get3A_470 = vector.shape_cast %get3A_469 : vector<1x16xf32> to vector<16xf32>
        %add3A_471 = arith.addf %get3A_466, %get3A_470 : vector<16xf32>
        %max3A_472 = arith.constant 0.000000e+00 : f32
        %max3A_473 = vector.broadcast %max3A_472 : f32 to vector<16xf32>
        %max3A_474 = arith.maximumf %add3A_471, %max3A_473 : vector<16xf32>
        %swap3A_475 = arith.index_cast %scan3A_343 : i32 to index
        %swap3A_476 = arith.constant 112 : index
        %swap3A_477 = tpu.vector_load %arg17[%swap3A_475, %swap3A_476] {strides = array<i32>} : memref<32x512xf32, #tpu.memory_space<vmem>>, vector<1x16xf32>,
        %swap3A_478 = vector.shape_cast %swap3A_477 : vector<1x16xf32> to vector<16xf32>
        %swap3A_479 = vector.shape_cast %max3A_474 : vector<16xf32> to vector<1x16xf32>
        tpu.vector_store %arg17[%swap3A_475, %swap3A_476], %swap3A_479 {strides = array<i32>} : memref<32x512xf32, #tpu.memory_space<vmem>>, vector<1x16xf32>,
        %get3A_480 = arith.index_cast %scan3A_343 : i32 to index
        %get3A_481 = arith.constant 128 : index
        %get3A_482 = tpu.vector_load %arg13[%get3A_480, %get3A_481] {strides = array<i32>} : memref<32x512xf32, #tpu.memory_space<vmem>>, vector<1x16xf32>,
        %get3A_483 = vector.shape_cast %get3A_482 : vector<1x16xf32> to vector<16xf32>
        %get3A_484 = arith.index_cast %scan3A_343 : i32 to index
        %get3A_485 = arith.constant 128 : index
        %get3A_486 = tpu.vector_load %arg15[%get3A_484, %get3A_485] {strides = array<i32>} : memref<32x512xf32, #tpu.memory_space<vmem>>, vector<1x16xf32>,
        %get3A_487 = vector.shape_cast %get3A_486 : vector<1x16xf32> to vector<16xf32>
        %add3A_488 = arith.addf %get3A_483, %get3A_487 : vector<16xf32>
        %max3A_489 = arith.constant 0.000000e+00 : f32
        %max3A_490 = vector.broadcast %max3A_489 : f32 to vector<16xf32>
        %max3A_491 = arith.maximumf %add3A_488, %max3A_490 : vector<16xf32>
        %swap3A_492 = arith.index_cast %scan3A_343 : i32 to index
        %swap3A_493 = arith.constant 128 : index
        %swap3A_494 = tpu.vector_load %arg17[%swap3A_492, %swap3A_493] {strides = array<i32>} : memref<32x512xf32, #tpu.memory_space<vmem>>, vector<1x16xf32>,
        %swap3A_495 = vector.shape_cast %swap3A_494 : vector<1x16xf32> to vector<16xf32>
        %swap3A_496 = vector.shape_cast %max3A_491 : vector<16xf32> to vector<1x16xf32>
        tpu.vector_store %arg17[%swap3A_492, %swap3A_493], %swap3A_496 {strides = array<i32>} : memref<32x512xf32, #tpu.memory_space<vmem>>, vector<1x16xf32>,
        %get3A_497 = arith.index_cast %scan3A_343 : i32 to index
        %get3A_498 = arith.constant 144 : index
        %get3A_499 = tpu.vector_load %arg13[%get3A_497, %get3A_498] {strides = array<i32>} : memref<32x512xf32, #tpu.memory_space<vmem>>, vector<1x16xf32>,
        %get3A_500 = vector.shape_cast %get3A_499 : vector<1x16xf32> to vector<16xf32>
        %get3A_501 = arith.index_cast %scan3A_343 : i32 to index
        %get3A_502 = arith.constant 144 : index
        %get3A_503 = tpu.vector_load %arg15[%get3A_501, %get3A_502] {strides = array<i32>} : memref<32x512xf32, #tpu.memory_space<vmem>>, vector<1x16xf32>,
        %get3A_504 = vector.shape_cast %get3A_503 : vector<1x16xf32> to vector<16xf32>
        %add3A_505 = arith.addf %get3A_500, %get3A_504 : vector<16xf32>
        %max3A_506 = arith.constant 0.000000e+00 : f32
        %max3A_507 = vector.broadcast %max3A_506 : f32 to vector<16xf32>
        %max3A_508 = arith.maximumf %add3A_505, %max3A_507 : vector<16xf32>
        %swap3A_509 = arith.index_cast %scan3A_343 : i32 to index
        %swap3A_510 = arith.constant 144 : index
        %swap3A_511 = tpu.vector_load %arg17[%swap3A_509, %swap3A_510] {strides = array<i32>} : memref<32x512xf32, #tpu.memory_space<vmem>>, vector<1x16xf32>,
        %swap3A_512 = vector.shape_cast %swap3A_511 : vector<1x16xf32> to vector<16xf32>
        %swap3A_513 = vector.shape_cast %max3A_508 : vector<16xf32> to vector<1x16xf32>
        tpu.vector_store %arg17[%swap3A_509, %swap3A_510], %swap3A_513 {strides = array<i32>} : memref<32x512xf32, #tpu.memory_space<vmem>>, vector<1x16xf32>,
        %get3A_514 = arith.index_cast %scan3A_343 : i32 to index
        %get3A_515 = arith.constant 160 : index
        %get3A_516 = tpu.vector_load %arg13[%get3A_514, %get3A_515] {strides = array<i32>} : memref<32x512xf32, #tpu.memory_space<vmem>>, vector<1x16xf32>,
        %get3A_517 = vector.shape_cast %get3A_516 : vector<1x16xf32> to vector<16xf32>
        %get3A_518 = arith.index_cast %scan3A_343 : i32 to index
        %get3A_519 = arith.constant 160 : index
        %get3A_520 = tpu.vector_load %arg15[%get3A_518, %get3A_519] {strides = array<i32>} : memref<32x512xf32, #tpu.memory_space<vmem>>, vector<1x16xf32>,
        %get3A_521 = vector.shape_cast %get3A_520 : vector<1x16xf32> to vector<16xf32>
        %add3A_522 = arith.addf %get3A_517, %get3A_521 : vector<16xf32>
        %max3A_523 = arith.constant 0.000000e+00 : f32
        %max3A_524 = vector.broadcast %max3A_523 : f32 to vector<16xf32>
        %max3A_525 = arith.maximumf %add3A_522, %max3A_524 : vector<16xf32>
        %swap3A_526 = arith.index_cast %scan3A_343 : i32 to index
        %swap3A_527 = arith.constant 160 : index
        %swap3A_528 = tpu.vector_load %arg17[%swap3A_526, %swap3A_527] {strides = array<i32>} : memref<32x512xf32, #tpu.memory_space<vmem>>, vector<1x16xf32>,
        %swap3A_529 = vector.shape_cast %swap3A_528 : vector<1x16xf32> to vector<16xf32>
        %swap3A_530 = vector.shape_cast %max3A_525 : vector<16xf32> to vector<1x16xf32>
        tpu.vector_store %arg17[%swap3A_526, %swap3A_527], %swap3A_530 {strides = array<i32>} : memref<32x512xf32, #tpu.memory_space<vmem>>, vector<1x16xf32>,
        %get3A_531 = arith.index_cast %scan3A_343 : i32 to index
        %get3A_532 = arith.constant 176 : index
        %get3A_533 = tpu.vector_load %arg13[%get3A_531, %get3A_532] {strides = array<i32>} : memref<32x512xf32, #tpu.memory_space<vmem>>, vector<1x16xf32>,
        %get3A_534 = vector.shape_cast %get3A_533 : vector<1x16xf32> to vector<16xf32>
        %get3A_535 = arith.index_cast %scan3A_343 : i32 to index
        %get3A_536 = arith.constant 176 : index
        %get3A_537 = tpu.vector_load %arg15[%get3A_535, %get3A_536] {strides = array<i32>} : memref<32x512xf32, #tpu.memory_space<vmem>>, vector<1x16xf32>,
        %get3A_538 = vector.shape_cast %get3A_537 : vector<1x16xf32> to vector<16xf32>
        %add3A_539 = arith.addf %get3A_534, %get3A_538 : vector<16xf32>
        %max3A_540 = arith.constant 0.000000e+00 : f32
        %max3A_541 = vector.broadcast %max3A_540 : f32 to vector<16xf32>
        %max3A_542 = arith.maximumf %add3A_539, %max3A_541 : vector<16xf32>
        %swap3A_543 = arith.index_cast %scan3A_343 : i32 to index
        %swap3A_544 = arith.constant 176 : index
        %swap3A_545 = tpu.vector_load %arg17[%swap3A_543, %swap3A_544] {strides = array<i32>} : memref<32x512xf32, #tpu.memory_space<vmem>>, vector<1x16xf32>,
        %swap3A_546 = vector.shape_cast %swap3A_545 : vector<1x16xf32> to vector<16xf32>
        %swap3A_547 = vector.shape_cast %max3A_542 : vector<16xf32> to vector<1x16xf32>
        tpu.vector_store %arg17[%swap3A_543, %swap3A_544], %swap3A_547 {strides = array<i32>} : memref<32x512xf32, #tpu.memory_space<vmem>>, vector<1x16xf32>,
        %get3A_548 = arith.index_cast %scan3A_343 : i32 to index
        %get3A_549 = arith.constant 192 : index
        %get3A_550 = tpu.vector_load %arg13[%get3A_548, %get3A_549] {strides = array<i32>} : memref<32x512xf32, #tpu.memory_space<vmem>>, vector<1x16xf32>,
        %get3A_551 = vector.shape_cast %get3A_550 : vector<1x16xf32> to vector<16xf32>
        %get3A_552 = arith.index_cast %scan3A_343 : i32 to index
        %get3A_553 = arith.constant 192 : index
        %get3A_554 = tpu.vector_load %arg15[%get3A_552, %get3A_553] {strides = array<i32>} : memref<32x512xf32, #tpu.memory_space<vmem>>, vector<1x16xf32>,
        %get3A_555 = vector.shape_cast %get3A_554 : vector<1x16xf32> to vector<16xf32>
        %add3A_556 = arith.addf %get3A_551, %get3A_555 : vector<16xf32>
        %max3A_557 = arith.constant 0.000000e+00 : f32
        %max3A_558 = vector.broadcast %max3A_557 : f32 to vector<16xf32>
        %max3A_559 = arith.maximumf %add3A_556, %max3A_558 : vector<16xf32>
        %swap3A_560 = arith.index_cast %scan3A_343 : i32 to index
        %swap3A_561 = arith.constant 192 : index
        %swap3A_562 = tpu.vector_load %arg17[%swap3A_560, %swap3A_561] {strides = array<i32>} : memref<32x512xf32, #tpu.memory_space<vmem>>, vector<1x16xf32>,
        %swap3A_563 = vector.shape_cast %swap3A_562 : vector<1x16xf32> to vector<16xf32>
        %swap3A_564 = vector.shape_cast %max3A_559 : vector<16xf32> to vector<1x16xf32>
        tpu.vector_store %arg17[%swap3A_560, %swap3A_561], %swap3A_564 {strides = array<i32>} : memref<32x512xf32, #tpu.memory_space<vmem>>, vector<1x16xf32>,
        %get3A_565 = arith.index_cast %scan3A_343 : i32 to index
        %get3A_566 = arith.constant 208 : index
        %get3A_567 = tpu.vector_load %arg13[%get3A_565, %get3A_566] {strides = array<i32>} : memref<32x512xf32, #tpu.memory_space<vmem>>, vector<1x16xf32>,
        %get3A_568 = vector.shape_cast %get3A_567 : vector<1x16xf32> to vector<16xf32>
        %get3A_569 = arith.index_cast %scan3A_343 : i32 to index
        %get3A_570 = arith.constant 208 : index
        %get3A_571 = tpu.vector_load %arg15[%get3A_569, %get3A_570] {strides = array<i32>} : memref<32x512xf32, #tpu.memory_space<vmem>>, vector<1x16xf32>,
        %get3A_572 = vector.shape_cast %get3A_571 : vector<1x16xf32> to vector<16xf32>
        %add3A_573 = arith.addf %get3A_568, %get3A_572 : vector<16xf32>
        %max3A_574 = arith.constant 0.000000e+00 : f32
        %max3A_575 = vector.broadcast %max3A_574 : f32 to vector<16xf32>
        %max3A_576 = arith.maximumf %add3A_573, %max3A_575 : vector<16xf32>
        %swap3A_577 = arith.index_cast %scan3A_343 : i32 to index
        %swap3A_578 = arith.constant 208 : index
        %swap3A_579 = tpu.vector_load %arg17[%swap3A_577, %swap3A_578] {strides = array<i32>} : memref<32x512xf32, #tpu.memory_space<vmem>>, vector<1x16xf32>,
        %swap3A_580 = vector.shape_cast %swap3A_579 : vector<1x16xf32> to vector<16xf32>
        %swap3A_581 = vector.shape_cast %max3A_576 : vector<16xf32> to vector<1x16xf32>
        tpu.vector_store %arg17[%swap3A_577, %swap3A_578], %swap3A_581 {strides = array<i32>} : memref<32x512xf32, #tpu.memory_space<vmem>>, vector<1x16xf32>,
        %get3A_582 = arith.index_cast %scan3A_343 : i32 to index
        %get3A_583 = arith.constant 224 : index
        %get3A_584 = tpu.vector_load %arg13[%get3A_582, %get3A_583] {strides = array<i32>} : memref<32x512xf32, #tpu.memory_space<vmem>>, vector<1x16xf32>,
        %get3A_585 = vector.shape_cast %get3A_584 : vector<1x16xf32> to vector<16xf32>
        %get3A_586 = arith.index_cast %scan3A_343 : i32 to index
        %get3A_587 = arith.constant 224 : index
        %get3A_588 = tpu.vector_load %arg15[%get3A_586, %get3A_587] {strides = array<i32>} : memref<32x512xf32, #tpu.memory_space<vmem>>, vector<1x16xf32>,
        %get3A_589 = vector.shape_cast %get3A_588 : vector<1x16xf32> to vector<16xf32>
        %add3A_590 = arith.addf %get3A_585, %get3A_589 : vector<16xf32>
        %max3A_591 = arith.constant 0.000000e+00 : f32
        %max3A_592 = vector.broadcast %max3A_591 : f32 to vector<16xf32>
        %max3A_593 = arith.maximumf %add3A_590, %max3A_592 : vector<16xf32>
        %swap3A_594 = arith.index_cast %scan3A_343 : i32 to index
        %swap3A_595 = arith.constant 224 : index
        %swap3A_596 = tpu.vector_load %arg17[%swap3A_594, %swap3A_595] {strides = array<i32>} : memref<32x512xf32, #tpu.memory_space<vmem>>, vector<1x16xf32>,
        %swap3A_597 = vector.shape_cast %swap3A_596 : vector<1x16xf32> to vector<16xf32>
        %swap3A_598 = vector.shape_cast %max3A_593 : vector<16xf32> to vector<1x16xf32>
        tpu.vector_store %arg17[%swap3A_594, %swap3A_595], %swap3A_598 {strides = array<i32>} : memref<32x512xf32, #tpu.memory_space<vmem>>, vector<1x16xf32>,
        %get3A_599 = arith.index_cast %scan3A_343 : i32 to index
        %get3A_600 = arith.constant 240 : index
        %get3A_601 = tpu.vector_load %arg13[%get3A_599, %get3A_600] {strides = array<i32>} : memref<32x512xf32, #tpu.memory_space<vmem>>, vector<1x16xf32>,
        %get3A_602 = vector.shape_cast %get3A_601 : vector<1x16xf32> to vector<16xf32>
        %get3A_603 = arith.index_cast %scan3A_343 : i32 to index
        %get3A_604 = arith.constant 240 : index
        %get3A_605 = tpu.vector_load %arg15[%get3A_603, %get3A_604] {strides = array<i32>} : memref<32x512xf32, #tpu.memory_space<vmem>>, vector<1x16xf32>,
        %get3A_606 = vector.shape_cast %get3A_605 : vector<1x16xf32> to vector<16xf32>
        %add3A_607 = arith.addf %get3A_602, %get3A_606 : vector<16xf32>
        %max3A_608 = arith.constant 0.000000e+00 : f32
        %max3A_609 = vector.broadcast %max3A_608 : f32 to vector<16xf32>
        %max3A_610 = arith.maximumf %add3A_607, %max3A_609 : vector<16xf32>
        %swap3A_611 = arith.index_cast %scan3A_343 : i32 to index
        %swap3A_612 = arith.constant 240 : index
        %swap3A_613 = tpu.vector_load %arg17[%swap3A_611, %swap3A_612] {strides = array<i32>} : memref<32x512xf32, #tpu.memory_space<vmem>>, vector<1x16xf32>,
        %swap3A_614 = vector.shape_cast %swap3A_613 : vector<1x16xf32> to vector<16xf32>
        %swap3A_615 = vector.shape_cast %max3A_610 : vector<16xf32> to vector<1x16xf32>
        tpu.vector_store %arg17[%swap3A_611, %swap3A_612], %swap3A_615 {strides = array<i32>} : memref<32x512xf32, #tpu.memory_space<vmem>>, vector<1x16xf32>,
        %get3A_616 = arith.index_cast %scan3A_343 : i32 to index
        %get3A_617 = arith.constant 256 : index
        %get3A_618 = tpu.vector_load %arg13[%get3A_616, %get3A_617] {strides = array<i32>} : memref<32x512xf32, #tpu.memory_space<vmem>>, vector<1x16xf32>,
        %get3A_619 = vector.shape_cast %get3A_618 : vector<1x16xf32> to vector<16xf32>
        %get3A_620 = arith.index_cast %scan3A_343 : i32 to index
        %get3A_621 = arith.constant 256 : index
        %get3A_622 = tpu.vector_load %arg15[%get3A_620, %get3A_621] {strides = array<i32>} : memref<32x512xf32, #tpu.memory_space<vmem>>, vector<1x16xf32>,
        %get3A_623 = vector.shape_cast %get3A_622 : vector<1x16xf32> to vector<16xf32>
        %add3A_624 = arith.addf %get3A_619, %get3A_623 : vector<16xf32>
        %max3A_625 = arith.constant 0.000000e+00 : f32
        %max3A_626 = vector.broadcast %max3A_625 : f32 to vector<16xf32>
        %max3A_627 = arith.maximumf %add3A_624, %max3A_626 : vector<16xf32>
        %swap3A_628 = arith.index_cast %scan3A_343 : i32 to index
        %swap3A_629 = arith.constant 256 : index
        %swap3A_630 = tpu.vector_load %arg17[%swap3A_628, %swap3A_629] {strides = array<i32>} : memref<32x512xf32, #tpu.memory_space<vmem>>, vector<1x16xf32>,
        %swap3A_631 = vector.shape_cast %swap3A_630 : vector<1x16xf32> to vector<16xf32>
        %swap3A_632 = vector.shape_cast %max3A_627 : vector<16xf32> to vector<1x16xf32>
        tpu.vector_store %arg17[%swap3A_628, %swap3A_629], %swap3A_632 {strides = array<i32>} : memref<32x512xf32, #tpu.memory_space<vmem>>, vector<1x16xf32>,
        %get3A_633 = arith.index_cast %scan3A_343 : i32 to index
        %get3A_634 = arith.constant 272 : index
        %get3A_635 = tpu.vector_load %arg13[%get3A_633, %get3A_634] {strides = array<i32>} : memref<32x512xf32, #tpu.memory_space<vmem>>, vector<1x16xf32>,
        %get3A_636 = vector.shape_cast %get3A_635 : vector<1x16xf32> to vector<16xf32>
        %get3A_637 = arith.index_cast %scan3A_343 : i32 to index
        %get3A_638 = arith.constant 272 : index
        %get3A_639 = tpu.vector_load %arg15[%get3A_637, %get3A_638] {strides = array<i32>} : memref<32x512xf32, #tpu.memory_space<vmem>>, vector<1x16xf32>,
        %get3A_640 = vector.shape_cast %get3A_639 : vector<1x16xf32> to vector<16xf32>
        %add3A_641 = arith.addf %get3A_636, %get3A_640 : vector<16xf32>
        %max3A_642 = arith.constant 0.000000e+00 : f32
        %max3A_643 = vector.broadcast %max3A_642 : f32 to vector<16xf32>
        %max3A_644 = arith.maximumf %add3A_641, %max3A_643 : vector<16xf32>
        %swap3A_645 = arith.index_cast %scan3A_343 : i32 to index
        %swap3A_646 = arith.constant 272 : index
        %swap3A_647 = tpu.vector_load %arg17[%swap3A_645, %swap3A_646] {strides = array<i32>} : memref<32x512xf32, #tpu.memory_space<vmem>>, vector<1x16xf32>,
        %swap3A_648 = vector.shape_cast %swap3A_647 : vector<1x16xf32> to vector<16xf32>
        %swap3A_649 = vector.shape_cast %max3A_644 : vector<16xf32> to vector<1x16xf32>
        tpu.vector_store %arg17[%swap3A_645, %swap3A_646], %swap3A_649 {strides = array<i32>} : memref<32x512xf32, #tpu.memory_space<vmem>>, vector<1x16xf32>,
        %get3A_650 = arith.index_cast %scan3A_343 : i32 to index
        %get3A_651 = arith.constant 288 : index
        %get3A_652 = tpu.vector_load %arg13[%get3A_650, %get3A_651] {strides = array<i32>} : memref<32x512xf32, #tpu.memory_space<vmem>>, vector<1x16xf32>,
        %get3A_653 = vector.shape_cast %get3A_652 : vector<1x16xf32> to vector<16xf32>
        %get3A_654 = arith.index_cast %scan3A_343 : i32 to index
        %get3A_655 = arith.constant 288 : index
        %get3A_656 = tpu.vector_load %arg15[%get3A_654, %get3A_655] {strides = array<i32>} : memref<32x512xf32, #tpu.memory_space<vmem>>, vector<1x16xf32>,
        %get3A_657 = vector.shape_cast %get3A_656 : vector<1x16xf32> to vector<16xf32>
        %add3A_658 = arith.addf %get3A_653, %get3A_657 : vector<16xf32>
        %max3A_659 = arith.constant 0.000000e+00 : f32
        %max3A_660 = vector.broadcast %max3A_659 : f32 to vector<16xf32>
        %max3A_661 = arith.maximumf %add3A_658, %max3A_660 : vector<16xf32>
        %swap3A_662 = arith.index_cast %scan3A_343 : i32 to index
        %swap3A_663 = arith.constant 288 : index
        %swap3A_664 = tpu.vector_load %arg17[%swap3A_662, %swap3A_663] {strides = array<i32>} : memref<32x512xf32, #tpu.memory_space<vmem>>, vector<1x16xf32>,
        %swap3A_665 = vector.shape_cast %swap3A_664 : vector<1x16xf32> to vector<16xf32>
        %swap3A_666 = vector.shape_cast %max3A_661 : vector<16xf32> to vector<1x16xf32>
        tpu.vector_store %arg17[%swap3A_662, %swap3A_663], %swap3A_666 {strides = array<i32>} : memref<32x512xf32, #tpu.memory_space<vmem>>, vector<1x16xf32>,
        %get3A_667 = arith.index_cast %scan3A_343 : i32 to index
        %get3A_668 = arith.constant 304 : index
        %get3A_669 = tpu.vector_load %arg13[%get3A_667, %get3A_668] {strides = array<i32>} : memref<32x512xf32, #tpu.memory_space<vmem>>, vector<1x16xf32>,
        %get3A_670 = vector.shape_cast %get3A_669 : vector<1x16xf32> to vector<16xf32>
        %get3A_671 = arith.index_cast %scan3A_343 : i32 to index
        %get3A_672 = arith.constant 304 : index
        %get3A_673 = tpu.vector_load %arg15[%get3A_671, %get3A_672] {strides = array<i32>} : memref<32x512xf32, #tpu.memory_space<vmem>>, vector<1x16xf32>,
        %get3A_674 = vector.shape_cast %get3A_673 : vector<1x16xf32> to vector<16xf32>
        %add3A_675 = arith.addf %get3A_670, %get3A_674 : vector<16xf32>
        %max3A_676 = arith.constant 0.000000e+00 : f32
        %max3A_677 = vector.broadcast %max3A_676 : f32 to vector<16xf32>
        %max3A_678 = arith.maximumf %add3A_675, %max3A_677 : vector<16xf32>
        %swap3A_679 = arith.index_cast %scan3A_343 : i32 to index
        %swap3A_680 = arith.constant 304 : index
        %swap3A_681 = tpu.vector_load %arg17[%swap3A_679, %swap3A_680] {strides = array<i32>} : memref<32x512xf32, #tpu.memory_space<vmem>>, vector<1x16xf32>,
        %swap3A_682 = vector.shape_cast %swap3A_681 : vector<1x16xf32> to vector<16xf32>
        %swap3A_683 = vector.shape_cast %max3A_678 : vector<16xf32> to vector<1x16xf32>
        tpu.vector_store %arg17[%swap3A_679, %swap3A_680], %swap3A_683 {strides = array<i32>} : memref<32x512xf32, #tpu.memory_space<vmem>>, vector<1x16xf32>,
        %get3A_684 = arith.index_cast %scan3A_343 : i32 to index
        %get3A_685 = arith.constant 320 : index
        %get3A_686 = tpu.vector_load %arg13[%get3A_684, %get3A_685] {strides = array<i32>} : memref<32x512xf32, #tpu.memory_space<vmem>>, vector<1x16xf32>,
        %get3A_687 = vector.shape_cast %get3A_686 : vector<1x16xf32> to vector<16xf32>
        %get3A_688 = arith.index_cast %scan3A_343 : i32 to index
        %get3A_689 = arith.constant 320 : index
        %get3A_690 = tpu.vector_load %arg15[%get3A_688, %get3A_689] {strides = array<i32>} : memref<32x512xf32, #tpu.memory_space<vmem>>, vector<1x16xf32>,
        %get3A_691 = vector.shape_cast %get3A_690 : vector<1x16xf32> to vector<16xf32>
        %add3A_692 = arith.addf %get3A_687, %get3A_691 : vector<16xf32>
        %max3A_693 = arith.constant 0.000000e+00 : f32
        %max3A_694 = vector.broadcast %max3A_693 : f32 to vector<16xf32>
        %max3A_695 = arith.maximumf %add3A_692, %max3A_694 : vector<16xf32>
        %swap3A_696 = arith.index_cast %scan3A_343 : i32 to index
        %swap3A_697 = arith.constant 320 : index
        %swap3A_698 = tpu.vector_load %arg17[%swap3A_696, %swap3A_697] {strides = array<i32>} : memref<32x512xf32, #tpu.memory_space<vmem>>, vector<1x16xf32>,
        %swap3A_699 = vector.shape_cast %swap3A_698 : vector<1x16xf32> to vector<16xf32>
        %swap3A_700 = vector.shape_cast %max3A_695 : vector<16xf32> to vector<1x16xf32>
        tpu.vector_store %arg17[%swap3A_696, %swap3A_697], %swap3A_700 {strides = array<i32>} : memref<32x512xf32, #tpu.memory_space<vmem>>, vector<1x16xf32>,
        %get3A_701 = arith.index_cast %scan3A_343 : i32 to index
        %get3A_702 = arith.constant 336 : index
        %get3A_703 = tpu.vector_load %arg13[%get3A_701, %get3A_702] {strides = array<i32>} : memref<32x512xf32, #tpu.memory_space<vmem>>, vector<1x16xf32>,
        %get3A_704 = vector.shape_cast %get3A_703 : vector<1x16xf32> to vector<16xf32>
        %get3A_705 = arith.index_cast %scan3A_343 : i32 to index
        %get3A_706 = arith.constant 336 : index
        %get3A_707 = tpu.vector_load %arg15[%get3A_705, %get3A_706] {strides = array<i32>} : memref<32x512xf32, #tpu.memory_space<vmem>>, vector<1x16xf32>,
        %get3A_708 = vector.shape_cast %get3A_707 : vector<1x16xf32> to vector<16xf32>
        %add3A_709 = arith.addf %get3A_704, %get3A_708 : vector<16xf32>
        %max3A_710 = arith.constant 0.000000e+00 : f32
        %max3A_711 = vector.broadcast %max3A_710 : f32 to vector<16xf32>
        %max3A_712 = arith.maximumf %add3A_709, %max3A_711 : vector<16xf32>
        %swap3A_713 = arith.index_cast %scan3A_343 : i32 to index
        %swap3A_714 = arith.constant 336 : index
        %swap3A_715 = tpu.vector_load %arg17[%swap3A_713, %swap3A_714] {strides = array<i32>} : memref<32x512xf32, #tpu.memory_space<vmem>>, vector<1x16xf32>,
        %swap3A_716 = vector.shape_cast %swap3A_715 : vector<1x16xf32> to vector<16xf32>
        %swap3A_717 = vector.shape_cast %max3A_712 : vector<16xf32> to vector<1x16xf32>
        tpu.vector_store %arg17[%swap3A_713, %swap3A_714], %swap3A_717 {strides = array<i32>} : memref<32x512xf32, #tpu.memory_space<vmem>>, vector<1x16xf32>,
        %get3A_718 = arith.index_cast %scan3A_343 : i32 to index
        %get3A_719 = arith.constant 352 : index
        %get3A_720 = tpu.vector_load %arg13[%get3A_718, %get3A_719] {strides = array<i32>} : memref<32x512xf32, #tpu.memory_space<vmem>>, vector<1x16xf32>,
        %get3A_721 = vector.shape_cast %get3A_720 : vector<1x16xf32> to vector<16xf32>
        %get3A_722 = arith.index_cast %scan3A_343 : i32 to index
        %get3A_723 = arith.constant 352 : index
        %get3A_724 = tpu.vector_load %arg15[%get3A_722, %get3A_723] {strides = array<i32>} : memref<32x512xf32, #tpu.memory_space<vmem>>, vector<1x16xf32>,
        %get3A_725 = vector.shape_cast %get3A_724 : vector<1x16xf32> to vector<16xf32>
        %add3A_726 = arith.addf %get3A_721, %get3A_725 : vector<16xf32>
        %max3A_727 = arith.constant 0.000000e+00 : f32
        %max3A_728 = vector.broadcast %max3A_727 : f32 to vector<16xf32>
        %max3A_729 = arith.maximumf %add3A_726, %max3A_728 : vector<16xf32>
        %swap3A_730 = arith.index_cast %scan3A_343 : i32 to index
        %swap3A_731 = arith.constant 352 : index
        %swap3A_732 = tpu.vector_load %arg17[%swap3A_730, %swap3A_731] {strides = array<i32>} : memref<32x512xf32, #tpu.memory_space<vmem>>, vector<1x16xf32>,
        %swap3A_733 = vector.shape_cast %swap3A_732 : vector<1x16xf32> to vector<16xf32>
        %swap3A_734 = vector.shape_cast %max3A_729 : vector<16xf32> to vector<1x16xf32>
        tpu.vector_store %arg17[%swap3A_730, %swap3A_731], %swap3A_734 {strides = array<i32>} : memref<32x512xf32, #tpu.memory_space<vmem>>, vector<1x16xf32>,
        %get3A_735 = arith.index_cast %scan3A_343 : i32 to index
        %get3A_736 = arith.constant 368 : index
        %get3A_737 = tpu.vector_load %arg13[%get3A_735, %get3A_736] {strides = array<i32>} : memref<32x512xf32, #tpu.memory_space<vmem>>, vector<1x16xf32>,
        %get3A_738 = vector.shape_cast %get3A_737 : vector<1x16xf32> to vector<16xf32>
        %get3A_739 = arith.index_cast %scan3A_343 : i32 to index
        %get3A_740 = arith.constant 368 : index
        %get3A_741 = tpu.vector_load %arg15[%get3A_739, %get3A_740] {strides = array<i32>} : memref<32x512xf32, #tpu.memory_space<vmem>>, vector<1x16xf32>,
        %get3A_742 = vector.shape_cast %get3A_741 : vector<1x16xf32> to vector<16xf32>
        %add3A_743 = arith.addf %get3A_738, %get3A_742 : vector<16xf32>
        %max3A_744 = arith.constant 0.000000e+00 : f32
        %max3A_745 = vector.broadcast %max3A_744 : f32 to vector<16xf32>
        %max3A_746 = arith.maximumf %add3A_743, %max3A_745 : vector<16xf32>
        %swap3A_747 = arith.index_cast %scan3A_343 : i32 to index
        %swap3A_748 = arith.constant 368 : index
        %swap3A_749 = tpu.vector_load %arg17[%swap3A_747, %swap3A_748] {strides = array<i32>} : memref<32x512xf32, #tpu.memory_space<vmem>>, vector<1x16xf32>,
        %swap3A_750 = vector.shape_cast %swap3A_749 : vector<1x16xf32> to vector<16xf32>
        %swap3A_751 = vector.shape_cast %max3A_746 : vector<16xf32> to vector<1x16xf32>
        tpu.vector_store %arg17[%swap3A_747, %swap3A_748], %swap3A_751 {strides = array<i32>} : memref<32x512xf32, #tpu.memory_space<vmem>>, vector<1x16xf32>,
        %get3A_752 = arith.index_cast %scan3A_343 : i32 to index
        %get3A_753 = arith.constant 384 : index
        %get3A_754 = tpu.vector_load %arg13[%get3A_752, %get3A_753] {strides = array<i32>} : memref<32x512xf32, #tpu.memory_space<vmem>>, vector<1x16xf32>,
        %get3A_755 = vector.shape_cast %get3A_754 : vector<1x16xf32> to vector<16xf32>
        %get3A_756 = arith.index_cast %scan3A_343 : i32 to index
        %get3A_757 = arith.constant 384 : index
        %get3A_758 = tpu.vector_load %arg15[%get3A_756, %get3A_757] {strides = array<i32>} : memref<32x512xf32, #tpu.memory_space<vmem>>, vector<1x16xf32>,
        %get3A_759 = vector.shape_cast %get3A_758 : vector<1x16xf32> to vector<16xf32>
        %add3A_760 = arith.addf %get3A_755, %get3A_759 : vector<16xf32>
        %max3A_761 = arith.constant 0.000000e+00 : f32
        %max3A_762 = vector.broadcast %max3A_761 : f32 to vector<16xf32>
        %max3A_763 = arith.maximumf %add3A_760, %max3A_762 : vector<16xf32>
        %swap3A_764 = arith.index_cast %scan3A_343 : i32 to index
        %swap3A_765 = arith.constant 384 : index
        %swap3A_766 = tpu.vector_load %arg17[%swap3A_764, %swap3A_765] {strides = array<i32>} : memref<32x512xf32, #tpu.memory_space<vmem>>, vector<1x16xf32>,
        %swap3A_767 = vector.shape_cast %swap3A_766 : vector<1x16xf32> to vector<16xf32>
        %swap3A_768 = vector.shape_cast %max3A_763 : vector<16xf32> to vector<1x16xf32>
        tpu.vector_store %arg17[%swap3A_764, %swap3A_765], %swap3A_768 {strides = array<i32>} : memref<32x512xf32, #tpu.memory_space<vmem>>, vector<1x16xf32>,
        %get3A_769 = arith.index_cast %scan3A_343 : i32 to index
        %get3A_770 = arith.constant 400 : index
        %get3A_771 = tpu.vector_load %arg13[%get3A_769, %get3A_770] {strides = array<i32>} : memref<32x512xf32, #tpu.memory_space<vmem>>, vector<1x16xf32>,
        %get3A_772 = vector.shape_cast %get3A_771 : vector<1x16xf32> to vector<16xf32>
        %get3A_773 = arith.index_cast %scan3A_343 : i32 to index
        %get3A_774 = arith.constant 400 : index
        %get3A_775 = tpu.vector_load %arg15[%get3A_773, %get3A_774] {strides = array<i32>} : memref<32x512xf32, #tpu.memory_space<vmem>>, vector<1x16xf32>,
        %get3A_776 = vector.shape_cast %get3A_775 : vector<1x16xf32> to vector<16xf32>
        %add3A_777 = arith.addf %get3A_772, %get3A_776 : vector<16xf32>
        %max3A_778 = arith.constant 0.000000e+00 : f32
        %max3A_779 = vector.broadcast %max3A_778 : f32 to vector<16xf32>
        %max3A_780 = arith.maximumf %add3A_777, %max3A_779 : vector<16xf32>
        %swap3A_781 = arith.index_cast %scan3A_343 : i32 to index
        %swap3A_782 = arith.constant 400 : index
        %swap3A_783 = tpu.vector_load %arg17[%swap3A_781, %swap3A_782] {strides = array<i32>} : memref<32x512xf32, #tpu.memory_space<vmem>>, vector<1x16xf32>,
        %swap3A_784 = vector.shape_cast %swap3A_783 : vector<1x16xf32> to vector<16xf32>
        %swap3A_785 = vector.shape_cast %max3A_780 : vector<16xf32> to vector<1x16xf32>
        tpu.vector_store %arg17[%swap3A_781, %swap3A_782], %swap3A_785 {strides = array<i32>} : memref<32x512xf32, #tpu.memory_space<vmem>>, vector<1x16xf32>,
        %get3A_786 = arith.index_cast %scan3A_343 : i32 to index
        %get3A_787 = arith.constant 416 : index
        %get3A_788 = tpu.vector_load %arg13[%get3A_786, %get3A_787] {strides = array<i32>} : memref<32x512xf32, #tpu.memory_space<vmem>>, vector<1x16xf32>,
        %get3A_789 = vector.shape_cast %get3A_788 : vector<1x16xf32> to vector<16xf32>
        %get3A_790 = arith.index_cast %scan3A_343 : i32 to index
        %get3A_791 = arith.constant 416 : index
        %get3A_792 = tpu.vector_load %arg15[%get3A_790, %get3A_791] {strides = array<i32>} : memref<32x512xf32, #tpu.memory_space<vmem>>, vector<1x16xf32>,
        %get3A_793 = vector.shape_cast %get3A_792 : vector<1x16xf32> to vector<16xf32>
        %add3A_794 = arith.addf %get3A_789, %get3A_793 : vector<16xf32>
        %max3A_795 = arith.constant 0.000000e+00 : f32
        %max3A_796 = vector.broadcast %max3A_795 : f32 to vector<16xf32>
        %max3A_797 = arith.maximumf %add3A_794, %max3A_796 : vector<16xf32>
        %swap3A_798 = arith.index_cast %scan3A_343 : i32 to index
        %swap3A_799 = arith.constant 416 : index
        %swap3A_800 = tpu.vector_load %arg17[%swap3A_798, %swap3A_799] {strides = array<i32>} : memref<32x512xf32, #tpu.memory_space<vmem>>, vector<1x16xf32>,
        %swap3A_801 = vector.shape_cast %swap3A_800 : vector<1x16xf32> to vector<16xf32>
        %swap3A_802 = vector.shape_cast %max3A_797 : vector<16xf32> to vector<1x16xf32>
        tpu.vector_store %arg17[%swap3A_798, %swap3A_799], %swap3A_802 {strides = array<i32>} : memref<32x512xf32, #tpu.memory_space<vmem>>, vector<1x16xf32>,
        %get3A_803 = arith.index_cast %scan3A_343 : i32 to index
        %get3A_804 = arith.constant 432 : index
        %get3A_805 = tpu.vector_load %arg13[%get3A_803, %get3A_804] {strides = array<i32>} : memref<32x512xf32, #tpu.memory_space<vmem>>, vector<1x16xf32>,
        %get3A_806 = vector.shape_cast %get3A_805 : vector<1x16xf32> to vector<16xf32>
        %get3A_807 = arith.index_cast %scan3A_343 : i32 to index
        %get3A_808 = arith.constant 432 : index
        %get3A_809 = tpu.vector_load %arg15[%get3A_807, %get3A_808] {strides = array<i32>} : memref<32x512xf32, #tpu.memory_space<vmem>>, vector<1x16xf32>,
        %get3A_810 = vector.shape_cast %get3A_809 : vector<1x16xf32> to vector<16xf32>
        %add3A_811 = arith.addf %get3A_806, %get3A_810 : vector<16xf32>
        %max3A_812 = arith.constant 0.000000e+00 : f32
        %max3A_813 = vector.broadcast %max3A_812 : f32 to vector<16xf32>
        %max3A_814 = arith.maximumf %add3A_811, %max3A_813 : vector<16xf32>
        %swap3A_815 = arith.index_cast %scan3A_343 : i32 to index
        %swap3A_816 = arith.constant 432 : index
        %swap3A_817 = tpu.vector_load %arg17[%swap3A_815, %swap3A_816] {strides = array<i32>} : memref<32x512xf32, #tpu.memory_space<vmem>>, vector<1x16xf32>,
        %swap3A_818 = vector.shape_cast %swap3A_817 : vector<1x16xf32> to vector<16xf32>
        %swap3A_819 = vector.shape_cast %max3A_814 : vector<16xf32> to vector<1x16xf32>
        tpu.vector_store %arg17[%swap3A_815, %swap3A_816], %swap3A_819 {strides = array<i32>} : memref<32x512xf32, #tpu.memory_space<vmem>>, vector<1x16xf32>,
        %get3A_820 = arith.index_cast %scan3A_343 : i32 to index
        %get3A_821 = arith.constant 448 : index
        %get3A_822 = tpu.vector_load %arg13[%get3A_820, %get3A_821] {strides = array<i32>} : memref<32x512xf32, #tpu.memory_space<vmem>>, vector<1x16xf32>,
        %get3A_823 = vector.shape_cast %get3A_822 : vector<1x16xf32> to vector<16xf32>
        %get3A_824 = arith.index_cast %scan3A_343 : i32 to index
        %get3A_825 = arith.constant 448 : index
        %get3A_826 = tpu.vector_load %arg15[%get3A_824, %get3A_825] {strides = array<i32>} : memref<32x512xf32, #tpu.memory_space<vmem>>, vector<1x16xf32>,
        %get3A_827 = vector.shape_cast %get3A_826 : vector<1x16xf32> to vector<16xf32>
        %add3A_828 = arith.addf %get3A_823, %get3A_827 : vector<16xf32>
        %max3A_829 = arith.constant 0.000000e+00 : f32
        %max3A_830 = vector.broadcast %max3A_829 : f32 to vector<16xf32>
        %max3A_831 = arith.maximumf %add3A_828, %max3A_830 : vector<16xf32>
        %swap3A_832 = arith.index_cast %scan3A_343 : i32 to index
        %swap3A_833 = arith.constant 448 : index
        %swap3A_834 = tpu.vector_load %arg17[%swap3A_832, %swap3A_833] {strides = array<i32>} : memref<32x512xf32, #tpu.memory_space<vmem>>, vector<1x16xf32>,
        %swap3A_835 = vector.shape_cast %swap3A_834 : vector<1x16xf32> to vector<16xf32>
        %swap3A_836 = vector.shape_cast %max3A_831 : vector<16xf32> to vector<1x16xf32>
        tpu.vector_store %arg17[%swap3A_832, %swap3A_833], %swap3A_836 {strides = array<i32>} : memref<32x512xf32, #tpu.memory_space<vmem>>, vector<1x16xf32>,
        %get3A_837 = arith.index_cast %scan3A_343 : i32 to index
        %get3A_838 = arith.constant 464 : index
        %get3A_839 = tpu.vector_load %arg13[%get3A_837, %get3A_838] {strides = array<i32>} : memref<32x512xf32, #tpu.memory_space<vmem>>, vector<1x16xf32>,
        %get3A_840 = vector.shape_cast %get3A_839 : vector<1x16xf32> to vector<16xf32>
        %get3A_841 = arith.index_cast %scan3A_343 : i32 to index
        %get3A_842 = arith.constant 464 : index
        %get3A_843 = tpu.vector_load %arg15[%get3A_841, %get3A_842] {strides = array<i32>} : memref<32x512xf32, #tpu.memory_space<vmem>>, vector<1x16xf32>,
        %get3A_844 = vector.shape_cast %get3A_843 : vector<1x16xf32> to vector<16xf32>
        %add3A_845 = arith.addf %get3A_840, %get3A_844 : vector<16xf32>
        %max3A_846 = arith.constant 0.000000e+00 : f32
        %max3A_847 = vector.broadcast %max3A_846 : f32 to vector<16xf32>
        %max3A_848 = arith.maximumf %add3A_845, %max3A_847 : vector<16xf32>
        %swap3A_849 = arith.index_cast %scan3A_343 : i32 to index
        %swap3A_850 = arith.constant 464 : index
        %swap3A_851 = tpu.vector_load %arg17[%swap3A_849, %swap3A_850] {strides = array<i32>} : memref<32x512xf32, #tpu.memory_space<vmem>>, vector<1x16xf32>,
        %swap3A_852 = vector.shape_cast %swap3A_851 : vector<1x16xf32> to vector<16xf32>
        %swap3A_853 = vector.shape_cast %max3A_848 : vector<16xf32> to vector<1x16xf32>
        tpu.vector_store %arg17[%swap3A_849, %swap3A_850], %swap3A_853 {strides = array<i32>} : memref<32x512xf32, #tpu.memory_space<vmem>>, vector<1x16xf32>,
        %get3A_854 = arith.index_cast %scan3A_343 : i32 to index
        %get3A_855 = arith.constant 480 : index
        %get3A_856 = tpu.vector_load %arg13[%get3A_854, %get3A_855] {strides = array<i32>} : memref<32x512xf32, #tpu.memory_space<vmem>>, vector<1x16xf32>,
        %get3A_857 = vector.shape_cast %get3A_856 : vector<1x16xf32> to vector<16xf32>
        %get3A_858 = arith.index_cast %scan3A_343 : i32 to index
        %get3A_859 = arith.constant 480 : index
        %get3A_860 = tpu.vector_load %arg15[%get3A_858, %get3A_859] {strides = array<i32>} : memref<32x512xf32, #tpu.memory_space<vmem>>, vector<1x16xf32>,
        %get3A_861 = vector.shape_cast %get3A_860 : vector<1x16xf32> to vector<16xf32>
        %add3A_862 = arith.addf %get3A_857, %get3A_861 : vector<16xf32>
        %max3A_863 = arith.constant 0.000000e+00 : f32
        %max3A_864 = vector.broadcast %max3A_863 : f32 to vector<16xf32>
        %max3A_865 = arith.maximumf %add3A_862, %max3A_864 : vector<16xf32>
        %swap3A_866 = arith.index_cast %scan3A_343 : i32 to index
        %swap3A_867 = arith.constant 480 : index
        %swap3A_868 = tpu.vector_load %arg17[%swap3A_866, %swap3A_867] {strides = array<i32>} : memref<32x512xf32, #tpu.memory_space<vmem>>, vector<1x16xf32>,
        %swap3A_869 = vector.shape_cast %swap3A_868 : vector<1x16xf32> to vector<16xf32>
        %swap3A_870 = vector.shape_cast %max3A_865 : vector<16xf32> to vector<1x16xf32>
        tpu.vector_store %arg17[%swap3A_866, %swap3A_867], %swap3A_870 {strides = array<i32>} : memref<32x512xf32, #tpu.memory_space<vmem>>, vector<1x16xf32>,
        %get3A_871 = arith.index_cast %scan3A_343 : i32 to index
        %get3A_872 = arith.constant 496 : index
        %get3A_873 = tpu.vector_load %arg13[%get3A_871, %get3A_872] {strides = array<i32>} : memref<32x512xf32, #tpu.memory_space<vmem>>, vector<1x16xf32>,
        %get3A_874 = vector.shape_cast %get3A_873 : vector<1x16xf32> to vector<16xf32>
        %get3A_875 = arith.index_cast %scan3A_343 : i32 to index
        %get3A_876 = arith.constant 496 : index
        %get3A_877 = tpu.vector_load %arg15[%get3A_875, %get3A_876] {strides = array<i32>} : memref<32x512xf32, #tpu.memory_space<vmem>>, vector<1x16xf32>,
        %get3A_878 = vector.shape_cast %get3A_877 : vector<1x16xf32> to vector<16xf32>
        %add3A_879 = arith.addf %get3A_874, %get3A_878 : vector<16xf32>
        %max3A_880 = arith.constant 0.000000e+00 : f32
        %max3A_881 = vector.broadcast %max3A_880 : f32 to vector<16xf32>
        %max3A_882 = arith.maximumf %add3A_879, %max3A_881 : vector<16xf32>
        %swap3A_883 = arith.index_cast %scan3A_343 : i32 to index
        %swap3A_884 = arith.constant 496 : index
        %swap3A_885 = tpu.vector_load %arg17[%swap3A_883, %swap3A_884] {strides = array<i32>} : memref<32x512xf32, #tpu.memory_space<vmem>>, vector<1x16xf32>,
        %swap3A_886 = vector.shape_cast %swap3A_885 : vector<1x16xf32> to vector<16xf32>
        %swap3A_887 = vector.shape_cast %max3A_882 : vector<16xf32> to vector<1x16xf32>
        tpu.vector_store %arg17[%swap3A_883, %swap3A_884], %swap3A_887 {strides = array<i32>} : memref<32x512xf32, #tpu.memory_space<vmem>>, vector<1x16xf32>,
        %scan3A_888 = arith.constant 0 : i32
        scf.yield %scan3A_888 : i32
      }
      %scan3A_286 = arith.constant 32 : i32
      %mul3A_287 = arith.constant 32 : i32
      %mul3A_288 = arith.muli %mul3A_264, %mul3A_287 : i32
      %add3A_289 = arith.addi %mul3A_2, %mul3A_288 : i32
      %dma_start3A_290 = arith.constant 0 : i32
      %dma_start3A_291 = tpu.memref_slice %arg8[%add3A_289, %dma_start3A_290] : memref<16384x512xf32, #tpu.memory_space<hbm>> -> memref<32x512xf32, #tpu.memory_space<hbm>>
      %dma_start3A_292 = arith.constant 0 : i32
      %dma_start3A_293 = tpu.memref_slice %arg8[%add3A_289, %dma_start3A_292] : memref<16384x512xf32, #tpu.memory_space<hbm>> -> memref<32x512xf32, #tpu.memory_space<hbm>>
      tpu.enqueue_dma source(%arg17 : memref<32x512xf32, #tpu.memory_space<vmem>>) target(%dma_start3A_293 : memref<32x512xf32, #tpu.memory_space<hbm>>) target_semaphore(%arg23 : memref<!tpu.dma_semaphore, #tpu.memory_space<semaphore_mem>>)
      %add3A_294 = arith.constant 2 : i32
      %add3A_295 = arith.addi %mul3A_264, %add3A_294 : i32
      %lt3A = arith.constant 4 : i32
      %lt3A_296 = arith.cmpi slt, %add3A_295, %lt3A : i32
      %convert_element_type3A_297 = arith.extui %lt3A_296 : i1 to i32
      %cond3A_298 = arith.constant 0 : i32
      %cond3A_299 = arith.cmpi ne, %convert_element_type3A_297, %cond3A_298 : i32
      scf.if %cond3A_299 {
        %add3A_343 = arith.constant 2 : i32
        %add3A_344 = arith.addi %mul3A_264, %add3A_343 : i32
        %mul3A_345 = arith.constant 32 : i32
        %mul3A_346 = arith.muli %add3A_344, %mul3A_345 : i32
        %mul3A_347 = arith.constant 32 : i32
        %mul3A_348 = arith.muli %add3A_344, %mul3A_347 : i32
        %dma_start3A_349 = tpu.memref_slice %arg11[%mul3A_346] : memref<128xi32, #tpu.memory_space<vmem>> -> memref<32xi32, #tpu.memory_space<vmem>>
        %dma_start3A_350 = arith.constant 0 : i32
        %dma_start3A_351 = arith.constant 0 : i32
        %dma_start3A_352 = tpu.memref_slice %arg6[%dma_start3A_350, %dma_start3A_351] : memref<684x512xf32, #tpu.memory_space<hbm>> -> memref<684x512xf32, #tpu.memory_space<hbm>>
        tpu.enqueue_indirect_dma source(%dma_start3A_352 : memref<684x512xf32, #tpu.memory_space<hbm>>) target(%arg13 : memref<32x512xf32, #tpu.memory_space<vmem>>) offsets(%dma_start3A_349 : memref<32xi32, #tpu.memory_space<vmem>>) semaphore(%arg19 : memref<!tpu.dma_semaphore, #tpu.memory_space<semaphore_mem>>)
        %dma_start3A_353 = tpu.memref_slice %arg12[%mul3A_348] : memref<128xi32, #tpu.memory_space<vmem>> -> memref<32xi32, #tpu.memory_space<vmem>>
        %dma_start3A_354 = arith.constant 0 : i32
        %dma_start3A_355 = arith.constant 0 : i32
        %dma_start3A_356 = tpu.memref_slice %arg7[%dma_start3A_354, %dma_start3A_355] : memref<512x512xf32, #tpu.memory_space<hbm>> -> memref<512x512xf32, #tpu.memory_space<hbm>>
        tpu.enqueue_indirect_dma source(%dma_start3A_356 : memref<512x512xf32, #tpu.memory_space<hbm>>) target(%arg15 : memref<32x512xf32, #tpu.memory_space<vmem>>) offsets(%dma_start3A_353 : memref<32xi32, #tpu.memory_space<vmem>>) semaphore(%arg21 : memref<!tpu.dma_semaphore, #tpu.memory_space<semaphore_mem>>)
      } else {
      }
      %add3A_300 = arith.constant 1 : i32
      %add3A_301 = arith.addi %mul3A_264, %add3A_300 : i32
      %eq3A_302 = arith.constant 0 : i32
      %eq3A_303 = arith.cmpi eq, %scan3A_261, %eq3A_302 : i32
      %mul3A_304 = arith.constant 32 : i32
      %mul3A_305 = arith.muli %add3A_301, %mul3A_304 : i32
      %mul3A_306 = arith.constant 32 : i32
      %mul3A_307 = arith.muli %add3A_301, %mul3A_306 : i32
      %dma_wait3A_308 = tpu.memref_slice %arg11[%mul3A_305] : memref<128xi32, #tpu.memory_space<vmem>> -> memref<32xi32, #tpu.memory_space<vmem>>
      %dma_wait3A_309 = arith.constant 0 : i32
      %dma_wait3A_310 = arith.constant 0 : i32
      %dma_wait3A_311 = tpu.memref_slice %arg6[%dma_wait3A_309, %dma_wait3A_310] : memref<684x512xf32, #tpu.memory_space<hbm>> -> memref<684x512xf32, #tpu.memory_space<hbm>>
      tpu.wait_indirect_dma semaphore(%arg20 : memref<!tpu.dma_semaphore, #tpu.memory_space<semaphore_mem>>) src(%dma_wait3A_311 : memref<684x512xf32, #tpu.memory_space<hbm>>) dst(%arg14 : memref<32x512xf32, #tpu.memory_space<vmem>>)
      %dma_wait3A_312 = tpu.memref_slice %arg12[%mul3A_307] : memref<128xi32, #tpu.memory_space<vmem>> -> memref<32xi32, #tpu.memory_space<vmem>>
      %dma_wait3A_313 = arith.constant 0 : i32
      %dma_wait3A_314 = arith.constant 0 : i32
      %dma_wait3A_315 = tpu.memref_slice %arg7[%dma_wait3A_313, %dma_wait3A_314] : memref<512x512xf32, #tpu.memory_space<hbm>> -> memref<512x512xf32, #tpu.memory_space<hbm>>
      tpu.wait_indirect_dma semaphore(%arg22 : memref<!tpu.dma_semaphore, #tpu.memory_space<semaphore_mem>>) src(%dma_wait3A_315 : memref<512x512xf32, #tpu.memory_space<hbm>>) dst(%arg16 : memref<32x512xf32, #tpu.memory_space<vmem>>)
      %not3A_316 = arith.constant true
      %not3A_317 = arith.xori %eq3A_303, %not3A_316 : i1
      %convert_element_type3A_318 = arith.extui %not3A_317 : i1 to i32
      %cond3A_319 = arith.constant 0 : i32
      %cond3A_320 = arith.cmpi ne, %convert_element_type3A_318, %cond3A_319 : i32
      scf.if %cond3A_320 {
        %sub3A = arith.constant 2 : i32
        %sub3A_343 = arith.subi %add3A_301, %sub3A : i32
        %mul3A_344 = arith.constant 32 : i32
        %mul3A_345 = arith.muli %sub3A_343, %mul3A_344 : i32
        %add3A_346 = arith.addi %mul3A_2, %mul3A_345 : i32
        %dma_wait3A_347 = arith.constant 0 : i32
        %dma_wait3A_348 = tpu.memref_slice %arg8[%add3A_346, %dma_wait3A_347] : memref<16384x512xf32, #tpu.memory_space<hbm>> -> memref<32x512xf32, #tpu.memory_space<hbm>>
        %dma_wait3A_349 = arith.constant 0 : i32
        %dma_wait3A_350 = tpu.memref_slice %arg8[%add3A_346, %dma_wait3A_349] : memref<16384x512xf32, #tpu.memory_space<hbm>> -> memref<32x512xf32, #tpu.memory_space<hbm>>
        tpu.wait_dma2 semaphore(%arg24 : memref<!tpu.dma_semaphore, #tpu.memory_space<semaphore_mem>>) src(%arg18 : memref<32x512xf32, #tpu.memory_space<vmem>>) dst(%dma_wait3A_350 : memref<32x512xf32, #tpu.memory_space<hbm>>)
      } else {
      }
      %scan3A_321 = arith.constant 0 : i32
      %scan3A_322 = arith.constant 0 : i32
      %scan3A_323 = arith.constant 32 : i32
      %scan3A_324 = arith.addi %scan3A_322, %scan3A_323 : i32
      %scan3A_325 = arith.constant 1 : i32
      %scan3A_326 = scf.for %scan3A_343 = %scan3A_322 to %scan3A_324 step %scan3A_325 iter_args(%scan3A_344 = %scan3A_321) -> (i32)  : i32 {
        %get3A_345 = arith.index_cast %scan3A_343 : i32 to index
        %get3A_346 = arith.constant 0 : index
        %get3A_347 = tpu.vector_load %arg14[%get3A_345, %get3A_346] {strides = array<i32>} : memref<32x512xf32, #tpu.memory_space<vmem>>, vector<1x16xf32>,
        %get3A_348 = vector.shape_cast %get3A_347 : vector<1x16xf32> to vector<16xf32>
        %get3A_349 = arith.index_cast %scan3A_343 : i32 to index
        %get3A_350 = arith.constant 0 : index
        %get3A_351 = tpu.vector_load %arg16[%get3A_349, %get3A_350] {strides = array<i32>} : memref<32x512xf32, #tpu.memory_space<vmem>>, vector<1x16xf32>,
        %get3A_352 = vector.shape_cast %get3A_351 : vector<1x16xf32> to vector<16xf32>
        %add3A_353 = arith.addf %get3A_348, %get3A_352 : vector<16xf32>
        %max3A = arith.constant 0.000000e+00 : f32
        %max3A_354 = vector.broadcast %max3A : f32 to vector<16xf32>
        %max3A_355 = arith.maximumf %add3A_353, %max3A_354 : vector<16xf32>
        %swap3A_356 = arith.index_cast %scan3A_343 : i32 to index
        %swap3A_357 = arith.constant 0 : index
        %swap3A_358 = tpu.vector_load %arg18[%swap3A_356, %swap3A_357] {strides = array<i32>} : memref<32x512xf32, #tpu.memory_space<vmem>>, vector<1x16xf32>,
        %swap3A_359 = vector.shape_cast %swap3A_358 : vector<1x16xf32> to vector<16xf32>
        %swap3A_360 = vector.shape_cast %max3A_355 : vector<16xf32> to vector<1x16xf32>
        tpu.vector_store %arg18[%swap3A_356, %swap3A_357], %swap3A_360 {strides = array<i32>} : memref<32x512xf32, #tpu.memory_space<vmem>>, vector<1x16xf32>,
        %get3A_361 = arith.index_cast %scan3A_343 : i32 to index
        %get3A_362 = arith.constant 16 : index
        %get3A_363 = tpu.vector_load %arg14[%get3A_361, %get3A_362] {strides = array<i32>} : memref<32x512xf32, #tpu.memory_space<vmem>>, vector<1x16xf32>,
        %get3A_364 = vector.shape_cast %get3A_363 : vector<1x16xf32> to vector<16xf32>
        %get3A_365 = arith.index_cast %scan3A_343 : i32 to index
        %get3A_366 = arith.constant 16 : index
        %get3A_367 = tpu.vector_load %arg16[%get3A_365, %get3A_366] {strides = array<i32>} : memref<32x512xf32, #tpu.memory_space<vmem>>, vector<1x16xf32>,
        %get3A_368 = vector.shape_cast %get3A_367 : vector<1x16xf32> to vector<16xf32>
        %add3A_369 = arith.addf %get3A_364, %get3A_368 : vector<16xf32>
        %max3A_370 = arith.constant 0.000000e+00 : f32
        %max3A_371 = vector.broadcast %max3A_370 : f32 to vector<16xf32>
        %max3A_372 = arith.maximumf %add3A_369, %max3A_371 : vector<16xf32>
        %swap3A_373 = arith.index_cast %scan3A_343 : i32 to index
        %swap3A_374 = arith.constant 16 : index
        %swap3A_375 = tpu.vector_load %arg18[%swap3A_373, %swap3A_374] {strides = array<i32>} : memref<32x512xf32, #tpu.memory_space<vmem>>, vector<1x16xf32>,
        %swap3A_376 = vector.shape_cast %swap3A_375 : vector<1x16xf32> to vector<16xf32>
        %swap3A_377 = vector.shape_cast %max3A_372 : vector<16xf32> to vector<1x16xf32>
        tpu.vector_store %arg18[%swap3A_373, %swap3A_374], %swap3A_377 {strides = array<i32>} : memref<32x512xf32, #tpu.memory_space<vmem>>, vector<1x16xf32>,
        %get3A_378 = arith.index_cast %scan3A_343 : i32 to index
        %get3A_379 = arith.constant 32 : index
        %get3A_380 = tpu.vector_load %arg14[%get3A_378, %get3A_379] {strides = array<i32>} : memref<32x512xf32, #tpu.memory_space<vmem>>, vector<1x16xf32>,
        %get3A_381 = vector.shape_cast %get3A_380 : vector<1x16xf32> to vector<16xf32>
        %get3A_382 = arith.index_cast %scan3A_343 : i32 to index
        %get3A_383 = arith.constant 32 : index
        %get3A_384 = tpu.vector_load %arg16[%get3A_382, %get3A_383] {strides = array<i32>} : memref<32x512xf32, #tpu.memory_space<vmem>>, vector<1x16xf32>,
        %get3A_385 = vector.shape_cast %get3A_384 : vector<1x16xf32> to vector<16xf32>
        %add3A_386 = arith.addf %get3A_381, %get3A_385 : vector<16xf32>
        %max3A_387 = arith.constant 0.000000e+00 : f32
        %max3A_388 = vector.broadcast %max3A_387 : f32 to vector<16xf32>
        %max3A_389 = arith.maximumf %add3A_386, %max3A_388 : vector<16xf32>
        %swap3A_390 = arith.index_cast %scan3A_343 : i32 to index
        %swap3A_391 = arith.constant 32 : index
        %swap3A_392 = tpu.vector_load %arg18[%swap3A_390, %swap3A_391] {strides = array<i32>} : memref<32x512xf32, #tpu.memory_space<vmem>>, vector<1x16xf32>,
        %swap3A_393 = vector.shape_cast %swap3A_392 : vector<1x16xf32> to vector<16xf32>
        %swap3A_394 = vector.shape_cast %max3A_389 : vector<16xf32> to vector<1x16xf32>
        tpu.vector_store %arg18[%swap3A_390, %swap3A_391], %swap3A_394 {strides = array<i32>} : memref<32x512xf32, #tpu.memory_space<vmem>>, vector<1x16xf32>,
        %get3A_395 = arith.index_cast %scan3A_343 : i32 to index
        %get3A_396 = arith.constant 48 : index
        %get3A_397 = tpu.vector_load %arg14[%get3A_395, %get3A_396] {strides = array<i32>} : memref<32x512xf32, #tpu.memory_space<vmem>>, vector<1x16xf32>,
        %get3A_398 = vector.shape_cast %get3A_397 : vector<1x16xf32> to vector<16xf32>
        %get3A_399 = arith.index_cast %scan3A_343 : i32 to index
        %get3A_400 = arith.constant 48 : index
        %get3A_401 = tpu.vector_load %arg16[%get3A_399, %get3A_400] {strides = array<i32>} : memref<32x512xf32, #tpu.memory_space<vmem>>, vector<1x16xf32>,
        %get3A_402 = vector.shape_cast %get3A_401 : vector<1x16xf32> to vector<16xf32>
        %add3A_403 = arith.addf %get3A_398, %get3A_402 : vector<16xf32>
        %max3A_404 = arith.constant 0.000000e+00 : f32
        %max3A_405 = vector.broadcast %max3A_404 : f32 to vector<16xf32>
        %max3A_406 = arith.maximumf %add3A_403, %max3A_405 : vector<16xf32>
        %swap3A_407 = arith.index_cast %scan3A_343 : i32 to index
        %swap3A_408 = arith.constant 48 : index
        %swap3A_409 = tpu.vector_load %arg18[%swap3A_407, %swap3A_408] {strides = array<i32>} : memref<32x512xf32, #tpu.memory_space<vmem>>, vector<1x16xf32>,
        %swap3A_410 = vector.shape_cast %swap3A_409 : vector<1x16xf32> to vector<16xf32>
        %swap3A_411 = vector.shape_cast %max3A_406 : vector<16xf32> to vector<1x16xf32>
        tpu.vector_store %arg18[%swap3A_407, %swap3A_408], %swap3A_411 {strides = array<i32>} : memref<32x512xf32, #tpu.memory_space<vmem>>, vector<1x16xf32>,
        %get3A_412 = arith.index_cast %scan3A_343 : i32 to index
        %get3A_413 = arith.constant 64 : index
        %get3A_414 = tpu.vector_load %arg14[%get3A_412, %get3A_413] {strides = array<i32>} : memref<32x512xf32, #tpu.memory_space<vmem>>, vector<1x16xf32>,
        %get3A_415 = vector.shape_cast %get3A_414 : vector<1x16xf32> to vector<16xf32>
        %get3A_416 = arith.index_cast %scan3A_343 : i32 to index
        %get3A_417 = arith.constant 64 : index
        %get3A_418 = tpu.vector_load %arg16[%get3A_416, %get3A_417] {strides = array<i32>} : memref<32x512xf32, #tpu.memory_space<vmem>>, vector<1x16xf32>,
        %get3A_419 = vector.shape_cast %get3A_418 : vector<1x16xf32> to vector<16xf32>
        %add3A_420 = arith.addf %get3A_415, %get3A_419 : vector<16xf32>
        %max3A_421 = arith.constant 0.000000e+00 : f32
        %max3A_422 = vector.broadcast %max3A_421 : f32 to vector<16xf32>
        %max3A_423 = arith.maximumf %add3A_420, %max3A_422 : vector<16xf32>
        %swap3A_424 = arith.index_cast %scan3A_343 : i32 to index
        %swap3A_425 = arith.constant 64 : index
        %swap3A_426 = tpu.vector_load %arg18[%swap3A_424, %swap3A_425] {strides = array<i32>} : memref<32x512xf32, #tpu.memory_space<vmem>>, vector<1x16xf32>,
        %swap3A_427 = vector.shape_cast %swap3A_426 : vector<1x16xf32> to vector<16xf32>
        %swap3A_428 = vector.shape_cast %max3A_423 : vector<16xf32> to vector<1x16xf32>
        tpu.vector_store %arg18[%swap3A_424, %swap3A_425], %swap3A_428 {strides = array<i32>} : memref<32x512xf32, #tpu.memory_space<vmem>>, vector<1x16xf32>,
        %get3A_429 = arith.index_cast %scan3A_343 : i32 to index
        %get3A_430 = arith.constant 80 : index
        %get3A_431 = tpu.vector_load %arg14[%get3A_429, %get3A_430] {strides = array<i32>} : memref<32x512xf32, #tpu.memory_space<vmem>>, vector<1x16xf32>,
        %get3A_432 = vector.shape_cast %get3A_431 : vector<1x16xf32> to vector<16xf32>
        %get3A_433 = arith.index_cast %scan3A_343 : i32 to index
        %get3A_434 = arith.constant 80 : index
        %get3A_435 = tpu.vector_load %arg16[%get3A_433, %get3A_434] {strides = array<i32>} : memref<32x512xf32, #tpu.memory_space<vmem>>, vector<1x16xf32>,
        %get3A_436 = vector.shape_cast %get3A_435 : vector<1x16xf32> to vector<16xf32>
        %add3A_437 = arith.addf %get3A_432, %get3A_436 : vector<16xf32>
        %max3A_438 = arith.constant 0.000000e+00 : f32
        %max3A_439 = vector.broadcast %max3A_438 : f32 to vector<16xf32>
        %max3A_440 = arith.maximumf %add3A_437, %max3A_439 : vector<16xf32>
        %swap3A_441 = arith.index_cast %scan3A_343 : i32 to index
        %swap3A_442 = arith.constant 80 : index
        %swap3A_443 = tpu.vector_load %arg18[%swap3A_441, %swap3A_442] {strides = array<i32>} : memref<32x512xf32, #tpu.memory_space<vmem>>, vector<1x16xf32>,
        %swap3A_444 = vector.shape_cast %swap3A_443 : vector<1x16xf32> to vector<16xf32>
        %swap3A_445 = vector.shape_cast %max3A_440 : vector<16xf32> to vector<1x16xf32>
        tpu.vector_store %arg18[%swap3A_441, %swap3A_442], %swap3A_445 {strides = array<i32>} : memref<32x512xf32, #tpu.memory_space<vmem>>, vector<1x16xf32>,
        %get3A_446 = arith.index_cast %scan3A_343 : i32 to index
        %get3A_447 = arith.constant 96 : index
        %get3A_448 = tpu.vector_load %arg14[%get3A_446, %get3A_447] {strides = array<i32>} : memref<32x512xf32, #tpu.memory_space<vmem>>, vector<1x16xf32>,
        %get3A_449 = vector.shape_cast %get3A_448 : vector<1x16xf32> to vector<16xf32>
        %get3A_450 = arith.index_cast %scan3A_343 : i32 to index
        %get3A_451 = arith.constant 96 : index
        %get3A_452 = tpu.vector_load %arg16[%get3A_450, %get3A_451] {strides = array<i32>} : memref<32x512xf32, #tpu.memory_space<vmem>>, vector<1x16xf32>,
        %get3A_453 = vector.shape_cast %get3A_452 : vector<1x16xf32> to vector<16xf32>
        %add3A_454 = arith.addf %get3A_449, %get3A_453 : vector<16xf32>
        %max3A_455 = arith.constant 0.000000e+00 : f32
        %max3A_456 = vector.broadcast %max3A_455 : f32 to vector<16xf32>
        %max3A_457 = arith.maximumf %add3A_454, %max3A_456 : vector<16xf32>
        %swap3A_458 = arith.index_cast %scan3A_343 : i32 to index
        %swap3A_459 = arith.constant 96 : index
        %swap3A_460 = tpu.vector_load %arg18[%swap3A_458, %swap3A_459] {strides = array<i32>} : memref<32x512xf32, #tpu.memory_space<vmem>>, vector<1x16xf32>,
        %swap3A_461 = vector.shape_cast %swap3A_460 : vector<1x16xf32> to vector<16xf32>
        %swap3A_462 = vector.shape_cast %max3A_457 : vector<16xf32> to vector<1x16xf32>
        tpu.vector_store %arg18[%swap3A_458, %swap3A_459], %swap3A_462 {strides = array<i32>} : memref<32x512xf32, #tpu.memory_space<vmem>>, vector<1x16xf32>,
        %get3A_463 = arith.index_cast %scan3A_343 : i32 to index
        %get3A_464 = arith.constant 112 : index
        %get3A_465 = tpu.vector_load %arg14[%get3A_463, %get3A_464] {strides = array<i32>} : memref<32x512xf32, #tpu.memory_space<vmem>>, vector<1x16xf32>,
        %get3A_466 = vector.shape_cast %get3A_465 : vector<1x16xf32> to vector<16xf32>
        %get3A_467 = arith.index_cast %scan3A_343 : i32 to index
        %get3A_468 = arith.constant 112 : index
        %get3A_469 = tpu.vector_load %arg16[%get3A_467, %get3A_468] {strides = array<i32>} : memref<32x512xf32, #tpu.memory_space<vmem>>, vector<1x16xf32>,
        %get3A_470 = vector.shape_cast %get3A_469 : vector<1x16xf32> to vector<16xf32>
        %add3A_471 = arith.addf %get3A_466, %get3A_470 : vector<16xf32>
        %max3A_472 = arith.constant 0.000000e+00 : f32
        %max3A_473 = vector.broadcast %max3A_472 : f32 to vector<16xf32>
        %max3A_474 = arith.maximumf %add3A_471, %max3A_473 : vector<16xf32>
        %swap3A_475 = arith.index_cast %scan3A_343 : i32 to index
        %swap3A_476 = arith.constant 112 : index
        %swap3A_477 = tpu.vector_load %arg18[%swap3A_475, %swap3A_476] {strides = array<i32>} : memref<32x512xf32, #tpu.memory_space<vmem>>, vector<1x16xf32>,
        %swap3A_478 = vector.shape_cast %swap3A_477 : vector<1x16xf32> to vector<16xf32>
        %swap3A_479 = vector.shape_cast %max3A_474 : vector<16xf32> to vector<1x16xf32>
        tpu.vector_store %arg18[%swap3A_475, %swap3A_476], %swap3A_479 {strides = array<i32>} : memref<32x512xf32, #tpu.memory_space<vmem>>, vector<1x16xf32>,
        %get3A_480 = arith.index_cast %scan3A_343 : i32 to index
        %get3A_481 = arith.constant 128 : index
        %get3A_482 = tpu.vector_load %arg14[%get3A_480, %get3A_481] {strides = array<i32>} : memref<32x512xf32, #tpu.memory_space<vmem>>, vector<1x16xf32>,
        %get3A_483 = vector.shape_cast %get3A_482 : vector<1x16xf32> to vector<16xf32>
        %get3A_484 = arith.index_cast %scan3A_343 : i32 to index
        %get3A_485 = arith.constant 128 : index
        %get3A_486 = tpu.vector_load %arg16[%get3A_484, %get3A_485] {strides = array<i32>} : memref<32x512xf32, #tpu.memory_space<vmem>>, vector<1x16xf32>,
        %get3A_487 = vector.shape_cast %get3A_486 : vector<1x16xf32> to vector<16xf32>
        %add3A_488 = arith.addf %get3A_483, %get3A_487 : vector<16xf32>
        %max3A_489 = arith.constant 0.000000e+00 : f32
        %max3A_490 = vector.broadcast %max3A_489 : f32 to vector<16xf32>
        %max3A_491 = arith.maximumf %add3A_488, %max3A_490 : vector<16xf32>
        %swap3A_492 = arith.index_cast %scan3A_343 : i32 to index
        %swap3A_493 = arith.constant 128 : index
        %swap3A_494 = tpu.vector_load %arg18[%swap3A_492, %swap3A_493] {strides = array<i32>} : memref<32x512xf32, #tpu.memory_space<vmem>>, vector<1x16xf32>,
        %swap3A_495 = vector.shape_cast %swap3A_494 : vector<1x16xf32> to vector<16xf32>
        %swap3A_496 = vector.shape_cast %max3A_491 : vector<16xf32> to vector<1x16xf32>
        tpu.vector_store %arg18[%swap3A_492, %swap3A_493], %swap3A_496 {strides = array<i32>} : memref<32x512xf32, #tpu.memory_space<vmem>>, vector<1x16xf32>,
        %get3A_497 = arith.index_cast %scan3A_343 : i32 to index
        %get3A_498 = arith.constant 144 : index
        %get3A_499 = tpu.vector_load %arg14[%get3A_497, %get3A_498] {strides = array<i32>} : memref<32x512xf32, #tpu.memory_space<vmem>>, vector<1x16xf32>,
        %get3A_500 = vector.shape_cast %get3A_499 : vector<1x16xf32> to vector<16xf32>
        %get3A_501 = arith.index_cast %scan3A_343 : i32 to index
        %get3A_502 = arith.constant 144 : index
        %get3A_503 = tpu.vector_load %arg16[%get3A_501, %get3A_502] {strides = array<i32>} : memref<32x512xf32, #tpu.memory_space<vmem>>, vector<1x16xf32>,
        %get3A_504 = vector.shape_cast %get3A_503 : vector<1x16xf32> to vector<16xf32>
        %add3A_505 = arith.addf %get3A_500, %get3A_504 : vector<16xf32>
        %max3A_506 = arith.constant 0.000000e+00 : f32
        %max3A_507 = vector.broadcast %max3A_506 : f32 to vector<16xf32>
        %max3A_508 = arith.maximumf %add3A_505, %max3A_507 : vector<16xf32>
        %swap3A_509 = arith.index_cast %scan3A_343 : i32 to index
        %swap3A_510 = arith.constant 144 : index
        %swap3A_511 = tpu.vector_load %arg18[%swap3A_509, %swap3A_510] {strides = array<i32>} : memref<32x512xf32, #tpu.memory_space<vmem>>, vector<1x16xf32>,
        %swap3A_512 = vector.shape_cast %swap3A_511 : vector<1x16xf32> to vector<16xf32>
        %swap3A_513 = vector.shape_cast %max3A_508 : vector<16xf32> to vector<1x16xf32>
        tpu.vector_store %arg18[%swap3A_509, %swap3A_510], %swap3A_513 {strides = array<i32>} : memref<32x512xf32, #tpu.memory_space<vmem>>, vector<1x16xf32>,
        %get3A_514 = arith.index_cast %scan3A_343 : i32 to index
        %get3A_515 = arith.constant 160 : index
        %get3A_516 = tpu.vector_load %arg14[%get3A_514, %get3A_515] {strides = array<i32>} : memref<32x512xf32, #tpu.memory_space<vmem>>, vector<1x16xf32>,
        %get3A_517 = vector.shape_cast %get3A_516 : vector<1x16xf32> to vector<16xf32>
        %get3A_518 = arith.index_cast %scan3A_343 : i32 to index
        %get3A_519 = arith.constant 160 : index
        %get3A_520 = tpu.vector_load %arg16[%get3A_518, %get3A_519] {strides = array<i32>} : memref<32x512xf32, #tpu.memory_space<vmem>>, vector<1x16xf32>,
        %get3A_521 = vector.shape_cast %get3A_520 : vector<1x16xf32> to vector<16xf32>
        %add3A_522 = arith.addf %get3A_517, %get3A_521 : vector<16xf32>
        %max3A_523 = arith.constant 0.000000e+00 : f32
        %max3A_524 = vector.broadcast %max3A_523 : f32 to vector<16xf32>
        %max3A_525 = arith.maximumf %add3A_522, %max3A_524 : vector<16xf32>
        %swap3A_526 = arith.index_cast %scan3A_343 : i32 to index
        %swap3A_527 = arith.constant 160 : index
        %swap3A_528 = tpu.vector_load %arg18[%swap3A_526, %swap3A_527] {strides = array<i32>} : memref<32x512xf32, #tpu.memory_space<vmem>>, vector<1x16xf32>,
        %swap3A_529 = vector.shape_cast %swap3A_528 : vector<1x16xf32> to vector<16xf32>
        %swap3A_530 = vector.shape_cast %max3A_525 : vector<16xf32> to vector<1x16xf32>
        tpu.vector_store %arg18[%swap3A_526, %swap3A_527], %swap3A_530 {strides = array<i32>} : memref<32x512xf32, #tpu.memory_space<vmem>>, vector<1x16xf32>,
        %get3A_531 = arith.index_cast %scan3A_343 : i32 to index
        %get3A_532 = arith.constant 176 : index
        %get3A_533 = tpu.vector_load %arg14[%get3A_531, %get3A_532] {strides = array<i32>} : memref<32x512xf32, #tpu.memory_space<vmem>>, vector<1x16xf32>,
        %get3A_534 = vector.shape_cast %get3A_533 : vector<1x16xf32> to vector<16xf32>
        %get3A_535 = arith.index_cast %scan3A_343 : i32 to index
        %get3A_536 = arith.constant 176 : index
        %get3A_537 = tpu.vector_load %arg16[%get3A_535, %get3A_536] {strides = array<i32>} : memref<32x512xf32, #tpu.memory_space<vmem>>, vector<1x16xf32>,
        %get3A_538 = vector.shape_cast %get3A_537 : vector<1x16xf32> to vector<16xf32>
        %add3A_539 = arith.addf %get3A_534, %get3A_538 : vector<16xf32>
        %max3A_540 = arith.constant 0.000000e+00 : f32
        %max3A_541 = vector.broadcast %max3A_540 : f32 to vector<16xf32>
        %max3A_542 = arith.maximumf %add3A_539, %max3A_541 : vector<16xf32>
        %swap3A_543 = arith.index_cast %scan3A_343 : i32 to index
        %swap3A_544 = arith.constant 176 : index
        %swap3A_545 = tpu.vector_load %arg18[%swap3A_543, %swap3A_544] {strides = array<i32>} : memref<32x512xf32, #tpu.memory_space<vmem>>, vector<1x16xf32>,
        %swap3A_546 = vector.shape_cast %swap3A_545 : vector<1x16xf32> to vector<16xf32>
        %swap3A_547 = vector.shape_cast %max3A_542 : vector<16xf32> to vector<1x16xf32>
        tpu.vector_store %arg18[%swap3A_543, %swap3A_544], %swap3A_547 {strides = array<i32>} : memref<32x512xf32, #tpu.memory_space<vmem>>, vector<1x16xf32>,
        %get3A_548 = arith.index_cast %scan3A_343 : i32 to index
        %get3A_549 = arith.constant 192 : index
        %get3A_550 = tpu.vector_load %arg14[%get3A_548, %get3A_549] {strides = array<i32>} : memref<32x512xf32, #tpu.memory_space<vmem>>, vector<1x16xf32>,
        %get3A_551 = vector.shape_cast %get3A_550 : vector<1x16xf32> to vector<16xf32>
        %get3A_552 = arith.index_cast %scan3A_343 : i32 to index
        %get3A_553 = arith.constant 192 : index
        %get3A_554 = tpu.vector_load %arg16[%get3A_552, %get3A_553] {strides = array<i32>} : memref<32x512xf32, #tpu.memory_space<vmem>>, vector<1x16xf32>,
        %get3A_555 = vector.shape_cast %get3A_554 : vector<1x16xf32> to vector<16xf32>
        %add3A_556 = arith.addf %get3A_551, %get3A_555 : vector<16xf32>
        %max3A_557 = arith.constant 0.000000e+00 : f32
        %max3A_558 = vector.broadcast %max3A_557 : f32 to vector<16xf32>
        %max3A_559 = arith.maximumf %add3A_556, %max3A_558 : vector<16xf32>
        %swap3A_560 = arith.index_cast %scan3A_343 : i32 to index
        %swap3A_561 = arith.constant 192 : index
        %swap3A_562 = tpu.vector_load %arg18[%swap3A_560, %swap3A_561] {strides = array<i32>} : memref<32x512xf32, #tpu.memory_space<vmem>>, vector<1x16xf32>,
        %swap3A_563 = vector.shape_cast %swap3A_562 : vector<1x16xf32> to vector<16xf32>
        %swap3A_564 = vector.shape_cast %max3A_559 : vector<16xf32> to vector<1x16xf32>
        tpu.vector_store %arg18[%swap3A_560, %swap3A_561], %swap3A_564 {strides = array<i32>} : memref<32x512xf32, #tpu.memory_space<vmem>>, vector<1x16xf32>,
        %get3A_565 = arith.index_cast %scan3A_343 : i32 to index
        %get3A_566 = arith.constant 208 : index
        %get3A_567 = tpu.vector_load %arg14[%get3A_565, %get3A_566] {strides = array<i32>} : memref<32x512xf32, #tpu.memory_space<vmem>>, vector<1x16xf32>,
        %get3A_568 = vector.shape_cast %get3A_567 : vector<1x16xf32> to vector<16xf32>
        %get3A_569 = arith.index_cast %scan3A_343 : i32 to index
        %get3A_570 = arith.constant 208 : index
        %get3A_571 = tpu.vector_load %arg16[%get3A_569, %get3A_570] {strides = array<i32>} : memref<32x512xf32, #tpu.memory_space<vmem>>, vector<1x16xf32>,
        %get3A_572 = vector.shape_cast %get3A_571 : vector<1x16xf32> to vector<16xf32>
        %add3A_573 = arith.addf %get3A_568, %get3A_572 : vector<16xf32>
        %max3A_574 = arith.constant 0.000000e+00 : f32
        %max3A_575 = vector.broadcast %max3A_574 : f32 to vector<16xf32>
        %max3A_576 = arith.maximumf %add3A_573, %max3A_575 : vector<16xf32>
        %swap3A_577 = arith.index_cast %scan3A_343 : i32 to index
        %swap3A_578 = arith.constant 208 : index
        %swap3A_579 = tpu.vector_load %arg18[%swap3A_577, %swap3A_578] {strides = array<i32>} : memref<32x512xf32, #tpu.memory_space<vmem>>, vector<1x16xf32>,
        %swap3A_580 = vector.shape_cast %swap3A_579 : vector<1x16xf32> to vector<16xf32>
        %swap3A_581 = vector.shape_cast %max3A_576 : vector<16xf32> to vector<1x16xf32>
        tpu.vector_store %arg18[%swap3A_577, %swap3A_578], %swap3A_581 {strides = array<i32>} : memref<32x512xf32, #tpu.memory_space<vmem>>, vector<1x16xf32>,
        %get3A_582 = arith.index_cast %scan3A_343 : i32 to index
        %get3A_583 = arith.constant 224 : index
        %get3A_584 = tpu.vector_load %arg14[%get3A_582, %get3A_583] {strides = array<i32>} : memref<32x512xf32, #tpu.memory_space<vmem>>, vector<1x16xf32>,
        %get3A_585 = vector.shape_cast %get3A_584 : vector<1x16xf32> to vector<16xf32>
        %get3A_586 = arith.index_cast %scan3A_343 : i32 to index
        %get3A_587 = arith.constant 224 : index
        %get3A_588 = tpu.vector_load %arg16[%get3A_586, %get3A_587] {strides = array<i32>} : memref<32x512xf32, #tpu.memory_space<vmem>>, vector<1x16xf32>,
        %get3A_589 = vector.shape_cast %get3A_588 : vector<1x16xf32> to vector<16xf32>
        %add3A_590 = arith.addf %get3A_585, %get3A_589 : vector<16xf32>
        %max3A_591 = arith.constant 0.000000e+00 : f32
        %max3A_592 = vector.broadcast %max3A_591 : f32 to vector<16xf32>
        %max3A_593 = arith.maximumf %add3A_590, %max3A_592 : vector<16xf32>
        %swap3A_594 = arith.index_cast %scan3A_343 : i32 to index
        %swap3A_595 = arith.constant 224 : index
        %swap3A_596 = tpu.vector_load %arg18[%swap3A_594, %swap3A_595] {strides = array<i32>} : memref<32x512xf32, #tpu.memory_space<vmem>>, vector<1x16xf32>,
        %swap3A_597 = vector.shape_cast %swap3A_596 : vector<1x16xf32> to vector<16xf32>
        %swap3A_598 = vector.shape_cast %max3A_593 : vector<16xf32> to vector<1x16xf32>
        tpu.vector_store %arg18[%swap3A_594, %swap3A_595], %swap3A_598 {strides = array<i32>} : memref<32x512xf32, #tpu.memory_space<vmem>>, vector<1x16xf32>,
        %get3A_599 = arith.index_cast %scan3A_343 : i32 to index
        %get3A_600 = arith.constant 240 : index
        %get3A_601 = tpu.vector_load %arg14[%get3A_599, %get3A_600] {strides = array<i32>} : memref<32x512xf32, #tpu.memory_space<vmem>>, vector<1x16xf32>,
        %get3A_602 = vector.shape_cast %get3A_601 : vector<1x16xf32> to vector<16xf32>
        %get3A_603 = arith.index_cast %scan3A_343 : i32 to index
        %get3A_604 = arith.constant 240 : index
        %get3A_605 = tpu.vector_load %arg16[%get3A_603, %get3A_604] {strides = array<i32>} : memref<32x512xf32, #tpu.memory_space<vmem>>, vector<1x16xf32>,
        %get3A_606 = vector.shape_cast %get3A_605 : vector<1x16xf32> to vector<16xf32>
        %add3A_607 = arith.addf %get3A_602, %get3A_606 : vector<16xf32>
        %max3A_608 = arith.constant 0.000000e+00 : f32
        %max3A_609 = vector.broadcast %max3A_608 : f32 to vector<16xf32>
        %max3A_610 = arith.maximumf %add3A_607, %max3A_609 : vector<16xf32>
        %swap3A_611 = arith.index_cast %scan3A_343 : i32 to index
        %swap3A_612 = arith.constant 240 : index
        %swap3A_613 = tpu.vector_load %arg18[%swap3A_611, %swap3A_612] {strides = array<i32>} : memref<32x512xf32, #tpu.memory_space<vmem>>, vector<1x16xf32>,
        %swap3A_614 = vector.shape_cast %swap3A_613 : vector<1x16xf32> to vector<16xf32>
        %swap3A_615 = vector.shape_cast %max3A_610 : vector<16xf32> to vector<1x16xf32>
        tpu.vector_store %arg18[%swap3A_611, %swap3A_612], %swap3A_615 {strides = array<i32>} : memref<32x512xf32, #tpu.memory_space<vmem>>, vector<1x16xf32>,
        %get3A_616 = arith.index_cast %scan3A_343 : i32 to index
        %get3A_617 = arith.constant 256 : index
        %get3A_618 = tpu.vector_load %arg14[%get3A_616, %get3A_617] {strides = array<i32>} : memref<32x512xf32, #tpu.memory_space<vmem>>, vector<1x16xf32>,
        %get3A_619 = vector.shape_cast %get3A_618 : vector<1x16xf32> to vector<16xf32>
        %get3A_620 = arith.index_cast %scan3A_343 : i32 to index
        %get3A_621 = arith.constant 256 : index
        %get3A_622 = tpu.vector_load %arg16[%get3A_620, %get3A_621] {strides = array<i32>} : memref<32x512xf32, #tpu.memory_space<vmem>>, vector<1x16xf32>,
        %get3A_623 = vector.shape_cast %get3A_622 : vector<1x16xf32> to vector<16xf32>
        %add3A_624 = arith.addf %get3A_619, %get3A_623 : vector<16xf32>
        %max3A_625 = arith.constant 0.000000e+00 : f32
        %max3A_626 = vector.broadcast %max3A_625 : f32 to vector<16xf32>
        %max3A_627 = arith.maximumf %add3A_624, %max3A_626 : vector<16xf32>
        %swap3A_628 = arith.index_cast %scan3A_343 : i32 to index
        %swap3A_629 = arith.constant 256 : index
        %swap3A_630 = tpu.vector_load %arg18[%swap3A_628, %swap3A_629] {strides = array<i32>} : memref<32x512xf32, #tpu.memory_space<vmem>>, vector<1x16xf32>,
        %swap3A_631 = vector.shape_cast %swap3A_630 : vector<1x16xf32> to vector<16xf32>
        %swap3A_632 = vector.shape_cast %max3A_627 : vector<16xf32> to vector<1x16xf32>
        tpu.vector_store %arg18[%swap3A_628, %swap3A_629], %swap3A_632 {strides = array<i32>} : memref<32x512xf32, #tpu.memory_space<vmem>>, vector<1x16xf32>,
        %get3A_633 = arith.index_cast %scan3A_343 : i32 to index
        %get3A_634 = arith.constant 272 : index
        %get3A_635 = tpu.vector_load %arg14[%get3A_633, %get3A_634] {strides = array<i32>} : memref<32x512xf32, #tpu.memory_space<vmem>>, vector<1x16xf32>,
        %get3A_636 = vector.shape_cast %get3A_635 : vector<1x16xf32> to vector<16xf32>
        %get3A_637 = arith.index_cast %scan3A_343 : i32 to index
        %get3A_638 = arith.constant 272 : index
        %get3A_639 = tpu.vector_load %arg16[%get3A_637, %get3A_638] {strides = array<i32>} : memref<32x512xf32, #tpu.memory_space<vmem>>, vector<1x16xf32>,
        %get3A_640 = vector.shape_cast %get3A_639 : vector<1x16xf32> to vector<16xf32>
        %add3A_641 = arith.addf %get3A_636, %get3A_640 : vector<16xf32>
        %max3A_642 = arith.constant 0.000000e+00 : f32
        %max3A_643 = vector.broadcast %max3A_642 : f32 to vector<16xf32>
        %max3A_644 = arith.maximumf %add3A_641, %max3A_643 : vector<16xf32>
        %swap3A_645 = arith.index_cast %scan3A_343 : i32 to index
        %swap3A_646 = arith.constant 272 : index
        %swap3A_647 = tpu.vector_load %arg18[%swap3A_645, %swap3A_646] {strides = array<i32>} : memref<32x512xf32, #tpu.memory_space<vmem>>, vector<1x16xf32>,
        %swap3A_648 = vector.shape_cast %swap3A_647 : vector<1x16xf32> to vector<16xf32>
        %swap3A_649 = vector.shape_cast %max3A_644 : vector<16xf32> to vector<1x16xf32>
        tpu.vector_store %arg18[%swap3A_645, %swap3A_646], %swap3A_649 {strides = array<i32>} : memref<32x512xf32, #tpu.memory_space<vmem>>, vector<1x16xf32>,
        %get3A_650 = arith.index_cast %scan3A_343 : i32 to index
        %get3A_651 = arith.constant 288 : index
        %get3A_652 = tpu.vector_load %arg14[%get3A_650, %get3A_651] {strides = array<i32>} : memref<32x512xf32, #tpu.memory_space<vmem>>, vector<1x16xf32>,
        %get3A_653 = vector.shape_cast %get3A_652 : vector<1x16xf32> to vector<16xf32>
        %get3A_654 = arith.index_cast %scan3A_343 : i32 to index
        %get3A_655 = arith.constant 288 : index
        %get3A_656 = tpu.vector_load %arg16[%get3A_654, %get3A_655] {strides = array<i32>} : memref<32x512xf32, #tpu.memory_space<vmem>>, vector<1x16xf32>,
        %get3A_657 = vector.shape_cast %get3A_656 : vector<1x16xf32> to vector<16xf32>
        %add3A_658 = arith.addf %get3A_653, %get3A_657 : vector<16xf32>
        %max3A_659 = arith.constant 0.000000e+00 : f32
        %max3A_660 = vector.broadcast %max3A_659 : f32 to vector<16xf32>
        %max3A_661 = arith.maximumf %add3A_658, %max3A_660 : vector<16xf32>
        %swap3A_662 = arith.index_cast %scan3A_343 : i32 to index
        %swap3A_663 = arith.constant 288 : index
        %swap3A_664 = tpu.vector_load %arg18[%swap3A_662, %swap3A_663] {strides = array<i32>} : memref<32x512xf32, #tpu.memory_space<vmem>>, vector<1x16xf32>,
        %swap3A_665 = vector.shape_cast %swap3A_664 : vector<1x16xf32> to vector<16xf32>
        %swap3A_666 = vector.shape_cast %max3A_661 : vector<16xf32> to vector<1x16xf32>
        tpu.vector_store %arg18[%swap3A_662, %swap3A_663], %swap3A_666 {strides = array<i32>} : memref<32x512xf32, #tpu.memory_space<vmem>>, vector<1x16xf32>,
        %get3A_667 = arith.index_cast %scan3A_343 : i32 to index
        %get3A_668 = arith.constant 304 : index
        %get3A_669 = tpu.vector_load %arg14[%get3A_667, %get3A_668] {strides = array<i32>} : memref<32x512xf32, #tpu.memory_space<vmem>>, vector<1x16xf32>,
        %get3A_670 = vector.shape_cast %get3A_669 : vector<1x16xf32> to vector<16xf32>
        %get3A_671 = arith.index_cast %scan3A_343 : i32 to index
        %get3A_672 = arith.constant 304 : index
        %get3A_673 = tpu.vector_load %arg16[%get3A_671, %get3A_672] {strides = array<i32>} : memref<32x512xf32, #tpu.memory_space<vmem>>, vector<1x16xf32>,
        %get3A_674 = vector.shape_cast %get3A_673 : vector<1x16xf32> to vector<16xf32>
        %add3A_675 = arith.addf %get3A_670, %get3A_674 : vector<16xf32>
        %max3A_676 = arith.constant 0.000000e+00 : f32
        %max3A_677 = vector.broadcast %max3A_676 : f32 to vector<16xf32>
        %max3A_678 = arith.maximumf %add3A_675, %max3A_677 : vector<16xf32>
        %swap3A_679 = arith.index_cast %scan3A_343 : i32 to index
        %swap3A_680 = arith.constant 304 : index
        %swap3A_681 = tpu.vector_load %arg18[%swap3A_679, %swap3A_680] {strides = array<i32>} : memref<32x512xf32, #tpu.memory_space<vmem>>, vector<1x16xf32>,
        %swap3A_682 = vector.shape_cast %swap3A_681 : vector<1x16xf32> to vector<16xf32>
        %swap3A_683 = vector.shape_cast %max3A_678 : vector<16xf32> to vector<1x16xf32>
        tpu.vector_store %arg18[%swap3A_679, %swap3A_680], %swap3A_683 {strides = array<i32>} : memref<32x512xf32, #tpu.memory_space<vmem>>, vector<1x16xf32>,
        %get3A_684 = arith.index_cast %scan3A_343 : i32 to index
        %get3A_685 = arith.constant 320 : index
        %get3A_686 = tpu.vector_load %arg14[%get3A_684, %get3A_685] {strides = array<i32>} : memref<32x512xf32, #tpu.memory_space<vmem>>, vector<1x16xf32>,
        %get3A_687 = vector.shape_cast %get3A_686 : vector<1x16xf32> to vector<16xf32>
        %get3A_688 = arith.index_cast %scan3A_343 : i32 to index
        %get3A_689 = arith.constant 320 : index
        %get3A_690 = tpu.vector_load %arg16[%get3A_688, %get3A_689] {strides = array<i32>} : memref<32x512xf32, #tpu.memory_space<vmem>>, vector<1x16xf32>,
        %get3A_691 = vector.shape_cast %get3A_690 : vector<1x16xf32> to vector<16xf32>
        %add3A_692 = arith.addf %get3A_687, %get3A_691 : vector<16xf32>
        %max3A_693 = arith.constant 0.000000e+00 : f32
        %max3A_694 = vector.broadcast %max3A_693 : f32 to vector<16xf32>
        %max3A_695 = arith.maximumf %add3A_692, %max3A_694 : vector<16xf32>
        %swap3A_696 = arith.index_cast %scan3A_343 : i32 to index
        %swap3A_697 = arith.constant 320 : index
        %swap3A_698 = tpu.vector_load %arg18[%swap3A_696, %swap3A_697] {strides = array<i32>} : memref<32x512xf32, #tpu.memory_space<vmem>>, vector<1x16xf32>,
        %swap3A_699 = vector.shape_cast %swap3A_698 : vector<1x16xf32> to vector<16xf32>
        %swap3A_700 = vector.shape_cast %max3A_695 : vector<16xf32> to vector<1x16xf32>
        tpu.vector_store %arg18[%swap3A_696, %swap3A_697], %swap3A_700 {strides = array<i32>} : memref<32x512xf32, #tpu.memory_space<vmem>>, vector<1x16xf32>,
        %get3A_701 = arith.index_cast %scan3A_343 : i32 to index
        %get3A_702 = arith.constant 336 : index
        %get3A_703 = tpu.vector_load %arg14[%get3A_701, %get3A_702] {strides = array<i32>} : memref<32x512xf32, #tpu.memory_space<vmem>>, vector<1x16xf32>,
        %get3A_704 = vector.shape_cast %get3A_703 : vector<1x16xf32> to vector<16xf32>
        %get3A_705 = arith.index_cast %scan3A_343 : i32 to index
        %get3A_706 = arith.constant 336 : index
        %get3A_707 = tpu.vector_load %arg16[%get3A_705, %get3A_706] {strides = array<i32>} : memref<32x512xf32, #tpu.memory_space<vmem>>, vector<1x16xf32>,
        %get3A_708 = vector.shape_cast %get3A_707 : vector<1x16xf32> to vector<16xf32>
        %add3A_709 = arith.addf %get3A_704, %get3A_708 : vector<16xf32>
        %max3A_710 = arith.constant 0.000000e+00 : f32
        %max3A_711 = vector.broadcast %max3A_710 : f32 to vector<16xf32>
        %max3A_712 = arith.maximumf %add3A_709, %max3A_711 : vector<16xf32>
        %swap3A_713 = arith.index_cast %scan3A_343 : i32 to index
        %swap3A_714 = arith.constant 336 : index
        %swap3A_715 = tpu.vector_load %arg18[%swap3A_713, %swap3A_714] {strides = array<i32>} : memref<32x512xf32, #tpu.memory_space<vmem>>, vector<1x16xf32>,
        %swap3A_716 = vector.shape_cast %swap3A_715 : vector<1x16xf32> to vector<16xf32>
        %swap3A_717 = vector.shape_cast %max3A_712 : vector<16xf32> to vector<1x16xf32>
        tpu.vector_store %arg18[%swap3A_713, %swap3A_714], %swap3A_717 {strides = array<i32>} : memref<32x512xf32, #tpu.memory_space<vmem>>, vector<1x16xf32>,
        %get3A_718 = arith.index_cast %scan3A_343 : i32 to index
        %get3A_719 = arith.constant 352 : index
        %get3A_720 = tpu.vector_load %arg14[%get3A_718, %get3A_719] {strides = array<i32>} : memref<32x512xf32, #tpu.memory_space<vmem>>, vector<1x16xf32>,
        %get3A_721 = vector.shape_cast %get3A_720 : vector<1x16xf32> to vector<16xf32>
        %get3A_722 = arith.index_cast %scan3A_343 : i32 to index
        %get3A_723 = arith.constant 352 : index
        %get3A_724 = tpu.vector_load %arg16[%get3A_722, %get3A_723] {strides = array<i32>} : memref<32x512xf32, #tpu.memory_space<vmem>>, vector<1x16xf32>,
        %get3A_725 = vector.shape_cast %get3A_724 : vector<1x16xf32> to vector<16xf32>
        %add3A_726 = arith.addf %get3A_721, %get3A_725 : vector<16xf32>
        %max3A_727 = arith.constant 0.000000e+00 : f32
        %max3A_728 = vector.broadcast %max3A_727 : f32 to vector<16xf32>
        %max3A_729 = arith.maximumf %add3A_726, %max3A_728 : vector<16xf32>
        %swap3A_730 = arith.index_cast %scan3A_343 : i32 to index
        %swap3A_731 = arith.constant 352 : index
        %swap3A_732 = tpu.vector_load %arg18[%swap3A_730, %swap3A_731] {strides = array<i32>} : memref<32x512xf32, #tpu.memory_space<vmem>>, vector<1x16xf32>,
        %swap3A_733 = vector.shape_cast %swap3A_732 : vector<1x16xf32> to vector<16xf32>
        %swap3A_734 = vector.shape_cast %max3A_729 : vector<16xf32> to vector<1x16xf32>
        tpu.vector_store %arg18[%swap3A_730, %swap3A_731], %swap3A_734 {strides = array<i32>} : memref<32x512xf32, #tpu.memory_space<vmem>>, vector<1x16xf32>,
        %get3A_735 = arith.index_cast %scan3A_343 : i32 to index
        %get3A_736 = arith.constant 368 : index
        %get3A_737 = tpu.vector_load %arg14[%get3A_735, %get3A_736] {strides = array<i32>} : memref<32x512xf32, #tpu.memory_space<vmem>>, vector<1x16xf32>,
        %get3A_738 = vector.shape_cast %get3A_737 : vector<1x16xf32> to vector<16xf32>
        %get3A_739 = arith.index_cast %scan3A_343 : i32 to index
        %get3A_740 = arith.constant 368 : index
        %get3A_741 = tpu.vector_load %arg16[%get3A_739, %get3A_740] {strides = array<i32>} : memref<32x512xf32, #tpu.memory_space<vmem>>, vector<1x16xf32>,
        %get3A_742 = vector.shape_cast %get3A_741 : vector<1x16xf32> to vector<16xf32>
        %add3A_743 = arith.addf %get3A_738, %get3A_742 : vector<16xf32>
        %max3A_744 = arith.constant 0.000000e+00 : f32
        %max3A_745 = vector.broadcast %max3A_744 : f32 to vector<16xf32>
        %max3A_746 = arith.maximumf %add3A_743, %max3A_745 : vector<16xf32>
        %swap3A_747 = arith.index_cast %scan3A_343 : i32 to index
        %swap3A_748 = arith.constant 368 : index
        %swap3A_749 = tpu.vector_load %arg18[%swap3A_747, %swap3A_748] {strides = array<i32>} : memref<32x512xf32, #tpu.memory_space<vmem>>, vector<1x16xf32>,
        %swap3A_750 = vector.shape_cast %swap3A_749 : vector<1x16xf32> to vector<16xf32>
        %swap3A_751 = vector.shape_cast %max3A_746 : vector<16xf32> to vector<1x16xf32>
        tpu.vector_store %arg18[%swap3A_747, %swap3A_748], %swap3A_751 {strides = array<i32>} : memref<32x512xf32, #tpu.memory_space<vmem>>, vector<1x16xf32>,
        %get3A_752 = arith.index_cast %scan3A_343 : i32 to index
        %get3A_753 = arith.constant 384 : index
        %get3A_754 = tpu.vector_load %arg14[%get3A_752, %get3A_753] {strides = array<i32>} : memref<32x512xf32, #tpu.memory_space<vmem>>, vector<1x16xf32>,
        %get3A_755 = vector.shape_cast %get3A_754 : vector<1x16xf32> to vector<16xf32>
        %get3A_756 = arith.index_cast %scan3A_343 : i32 to index
        %get3A_757 = arith.constant 384 : index
        %get3A_758 = tpu.vector_load %arg16[%get3A_756, %get3A_757] {strides = array<i32>} : memref<32x512xf32, #tpu.memory_space<vmem>>, vector<1x16xf32>,
        %get3A_759 = vector.shape_cast %get3A_758 : vector<1x16xf32> to vector<16xf32>
        %add3A_760 = arith.addf %get3A_755, %get3A_759 : vector<16xf32>
        %max3A_761 = arith.constant 0.000000e+00 : f32
        %max3A_762 = vector.broadcast %max3A_761 : f32 to vector<16xf32>
        %max3A_763 = arith.maximumf %add3A_760, %max3A_762 : vector<16xf32>
        %swap3A_764 = arith.index_cast %scan3A_343 : i32 to index
        %swap3A_765 = arith.constant 384 : index
        %swap3A_766 = tpu.vector_load %arg18[%swap3A_764, %swap3A_765] {strides = array<i32>} : memref<32x512xf32, #tpu.memory_space<vmem>>, vector<1x16xf32>,
        %swap3A_767 = vector.shape_cast %swap3A_766 : vector<1x16xf32> to vector<16xf32>
        %swap3A_768 = vector.shape_cast %max3A_763 : vector<16xf32> to vector<1x16xf32>
        tpu.vector_store %arg18[%swap3A_764, %swap3A_765], %swap3A_768 {strides = array<i32>} : memref<32x512xf32, #tpu.memory_space<vmem>>, vector<1x16xf32>,
        %get3A_769 = arith.index_cast %scan3A_343 : i32 to index
        %get3A_770 = arith.constant 400 : index
        %get3A_771 = tpu.vector_load %arg14[%get3A_769, %get3A_770] {strides = array<i32>} : memref<32x512xf32, #tpu.memory_space<vmem>>, vector<1x16xf32>,
        %get3A_772 = vector.shape_cast %get3A_771 : vector<1x16xf32> to vector<16xf32>
        %get3A_773 = arith.index_cast %scan3A_343 : i32 to index
        %get3A_774 = arith.constant 400 : index
        %get3A_775 = tpu.vector_load %arg16[%get3A_773, %get3A_774] {strides = array<i32>} : memref<32x512xf32, #tpu.memory_space<vmem>>, vector<1x16xf32>,
        %get3A_776 = vector.shape_cast %get3A_775 : vector<1x16xf32> to vector<16xf32>
        %add3A_777 = arith.addf %get3A_772, %get3A_776 : vector<16xf32>
        %max3A_778 = arith.constant 0.000000e+00 : f32
        %max3A_779 = vector.broadcast %max3A_778 : f32 to vector<16xf32>
        %max3A_780 = arith.maximumf %add3A_777, %max3A_779 : vector<16xf32>
        %swap3A_781 = arith.index_cast %scan3A_343 : i32 to index
        %swap3A_782 = arith.constant 400 : index
        %swap3A_783 = tpu.vector_load %arg18[%swap3A_781, %swap3A_782] {strides = array<i32>} : memref<32x512xf32, #tpu.memory_space<vmem>>, vector<1x16xf32>,
        %swap3A_784 = vector.shape_cast %swap3A_783 : vector<1x16xf32> to vector<16xf32>
        %swap3A_785 = vector.shape_cast %max3A_780 : vector<16xf32> to vector<1x16xf32>
        tpu.vector_store %arg18[%swap3A_781, %swap3A_782], %swap3A_785 {strides = array<i32>} : memref<32x512xf32, #tpu.memory_space<vmem>>, vector<1x16xf32>,
        %get3A_786 = arith.index_cast %scan3A_343 : i32 to index
        %get3A_787 = arith.constant 416 : index
        %get3A_788 = tpu.vector_load %arg14[%get3A_786, %get3A_787] {strides = array<i32>} : memref<32x512xf32, #tpu.memory_space<vmem>>, vector<1x16xf32>,
        %get3A_789 = vector.shape_cast %get3A_788 : vector<1x16xf32> to vector<16xf32>
        %get3A_790 = arith.index_cast %scan3A_343 : i32 to index
        %get3A_791 = arith.constant 416 : index
        %get3A_792 = tpu.vector_load %arg16[%get3A_790, %get3A_791] {strides = array<i32>} : memref<32x512xf32, #tpu.memory_space<vmem>>, vector<1x16xf32>,
        %get3A_793 = vector.shape_cast %get3A_792 : vector<1x16xf32> to vector<16xf32>
        %add3A_794 = arith.addf %get3A_789, %get3A_793 : vector<16xf32>
        %max3A_795 = arith.constant 0.000000e+00 : f32
        %max3A_796 = vector.broadcast %max3A_795 : f32 to vector<16xf32>
        %max3A_797 = arith.maximumf %add3A_794, %max3A_796 : vector<16xf32>
        %swap3A_798 = arith.index_cast %scan3A_343 : i32 to index
        %swap3A_799 = arith.constant 416 : index
        %swap3A_800 = tpu.vector_load %arg18[%swap3A_798, %swap3A_799] {strides = array<i32>} : memref<32x512xf32, #tpu.memory_space<vmem>>, vector<1x16xf32>,
        %swap3A_801 = vector.shape_cast %swap3A_800 : vector<1x16xf32> to vector<16xf32>
        %swap3A_802 = vector.shape_cast %max3A_797 : vector<16xf32> to vector<1x16xf32>
        tpu.vector_store %arg18[%swap3A_798, %swap3A_799], %swap3A_802 {strides = array<i32>} : memref<32x512xf32, #tpu.memory_space<vmem>>, vector<1x16xf32>,
        %get3A_803 = arith.index_cast %scan3A_343 : i32 to index
        %get3A_804 = arith.constant 432 : index
        %get3A_805 = tpu.vector_load %arg14[%get3A_803, %get3A_804] {strides = array<i32>} : memref<32x512xf32, #tpu.memory_space<vmem>>, vector<1x16xf32>,
        %get3A_806 = vector.shape_cast %get3A_805 : vector<1x16xf32> to vector<16xf32>
        %get3A_807 = arith.index_cast %scan3A_343 : i32 to index
        %get3A_808 = arith.constant 432 : index
        %get3A_809 = tpu.vector_load %arg16[%get3A_807, %get3A_808] {strides = array<i32>} : memref<32x512xf32, #tpu.memory_space<vmem>>, vector<1x16xf32>,
        %get3A_810 = vector.shape_cast %get3A_809 : vector<1x16xf32> to vector<16xf32>
        %add3A_811 = arith.addf %get3A_806, %get3A_810 : vector<16xf32>
        %max3A_812 = arith.constant 0.000000e+00 : f32
        %max3A_813 = vector.broadcast %max3A_812 : f32 to vector<16xf32>
        %max3A_814 = arith.maximumf %add3A_811, %max3A_813 : vector<16xf32>
        %swap3A_815 = arith.index_cast %scan3A_343 : i32 to index
        %swap3A_816 = arith.constant 432 : index
        %swap3A_817 = tpu.vector_load %arg18[%swap3A_815, %swap3A_816] {strides = array<i32>} : memref<32x512xf32, #tpu.memory_space<vmem>>, vector<1x16xf32>,
        %swap3A_818 = vector.shape_cast %swap3A_817 : vector<1x16xf32> to vector<16xf32>
        %swap3A_819 = vector.shape_cast %max3A_814 : vector<16xf32> to vector<1x16xf32>
        tpu.vector_store %arg18[%swap3A_815, %swap3A_816], %swap3A_819 {strides = array<i32>} : memref<32x512xf32, #tpu.memory_space<vmem>>, vector<1x16xf32>,
        %get3A_820 = arith.index_cast %scan3A_343 : i32 to index
        %get3A_821 = arith.constant 448 : index
        %get3A_822 = tpu.vector_load %arg14[%get3A_820, %get3A_821] {strides = array<i32>} : memref<32x512xf32, #tpu.memory_space<vmem>>, vector<1x16xf32>,
        %get3A_823 = vector.shape_cast %get3A_822 : vector<1x16xf32> to vector<16xf32>
        %get3A_824 = arith.index_cast %scan3A_343 : i32 to index
        %get3A_825 = arith.constant 448 : index
        %get3A_826 = tpu.vector_load %arg16[%get3A_824, %get3A_825] {strides = array<i32>} : memref<32x512xf32, #tpu.memory_space<vmem>>, vector<1x16xf32>,
        %get3A_827 = vector.shape_cast %get3A_826 : vector<1x16xf32> to vector<16xf32>
        %add3A_828 = arith.addf %get3A_823, %get3A_827 : vector<16xf32>
        %max3A_829 = arith.constant 0.000000e+00 : f32
        %max3A_830 = vector.broadcast %max3A_829 : f32 to vector<16xf32>
        %max3A_831 = arith.maximumf %add3A_828, %max3A_830 : vector<16xf32>
        %swap3A_832 = arith.index_cast %scan3A_343 : i32 to index
        %swap3A_833 = arith.constant 448 : index
        %swap3A_834 = tpu.vector_load %arg18[%swap3A_832, %swap3A_833] {strides = array<i32>} : memref<32x512xf32, #tpu.memory_space<vmem>>, vector<1x16xf32>,
        %swap3A_835 = vector.shape_cast %swap3A_834 : vector<1x16xf32> to vector<16xf32>
        %swap3A_836 = vector.shape_cast %max3A_831 : vector<16xf32> to vector<1x16xf32>
        tpu.vector_store %arg18[%swap3A_832, %swap3A_833], %swap3A_836 {strides = array<i32>} : memref<32x512xf32, #tpu.memory_space<vmem>>, vector<1x16xf32>,
        %get3A_837 = arith.index_cast %scan3A_343 : i32 to index
        %get3A_838 = arith.constant 464 : index
        %get3A_839 = tpu.vector_load %arg14[%get3A_837, %get3A_838] {strides = array<i32>} : memref<32x512xf32, #tpu.memory_space<vmem>>, vector<1x16xf32>,
        %get3A_840 = vector.shape_cast %get3A_839 : vector<1x16xf32> to vector<16xf32>
        %get3A_841 = arith.index_cast %scan3A_343 : i32 to index
        %get3A_842 = arith.constant 464 : index
        %get3A_843 = tpu.vector_load %arg16[%get3A_841, %get3A_842] {strides = array<i32>} : memref<32x512xf32, #tpu.memory_space<vmem>>, vector<1x16xf32>,
        %get3A_844 = vector.shape_cast %get3A_843 : vector<1x16xf32> to vector<16xf32>
        %add3A_845 = arith.addf %get3A_840, %get3A_844 : vector<16xf32>
        %max3A_846 = arith.constant 0.000000e+00 : f32
        %max3A_847 = vector.broadcast %max3A_846 : f32 to vector<16xf32>
        %max3A_848 = arith.maximumf %add3A_845, %max3A_847 : vector<16xf32>
        %swap3A_849 = arith.index_cast %scan3A_343 : i32 to index
        %swap3A_850 = arith.constant 464 : index
        %swap3A_851 = tpu.vector_load %arg18[%swap3A_849, %swap3A_850] {strides = array<i32>} : memref<32x512xf32, #tpu.memory_space<vmem>>, vector<1x16xf32>,
        %swap3A_852 = vector.shape_cast %swap3A_851 : vector<1x16xf32> to vector<16xf32>
        %swap3A_853 = vector.shape_cast %max3A_848 : vector<16xf32> to vector<1x16xf32>
        tpu.vector_store %arg18[%swap3A_849, %swap3A_850], %swap3A_853 {strides = array<i32>} : memref<32x512xf32, #tpu.memory_space<vmem>>, vector<1x16xf32>,
        %get3A_854 = arith.index_cast %scan3A_343 : i32 to index
        %get3A_855 = arith.constant 480 : index
        %get3A_856 = tpu.vector_load %arg14[%get3A_854, %get3A_855] {strides = array<i32>} : memref<32x512xf32, #tpu.memory_space<vmem>>, vector<1x16xf32>,
        %get3A_857 = vector.shape_cast %get3A_856 : vector<1x16xf32> to vector<16xf32>
        %get3A_858 = arith.index_cast %scan3A_343 : i32 to index
        %get3A_859 = arith.constant 480 : index
        %get3A_860 = tpu.vector_load %arg16[%get3A_858, %get3A_859] {strides = array<i32>} : memref<32x512xf32, #tpu.memory_space<vmem>>, vector<1x16xf32>,
        %get3A_861 = vector.shape_cast %get3A_860 : vector<1x16xf32> to vector<16xf32>
        %add3A_862 = arith.addf %get3A_857, %get3A_861 : vector<16xf32>
        %max3A_863 = arith.constant 0.000000e+00 : f32
        %max3A_864 = vector.broadcast %max3A_863 : f32 to vector<16xf32>
        %max3A_865 = arith.maximumf %add3A_862, %max3A_864 : vector<16xf32>
        %swap3A_866 = arith.index_cast %scan3A_343 : i32 to index
        %swap3A_867 = arith.constant 480 : index
        %swap3A_868 = tpu.vector_load %arg18[%swap3A_866, %swap3A_867] {strides = array<i32>} : memref<32x512xf32, #tpu.memory_space<vmem>>, vector<1x16xf32>,
        %swap3A_869 = vector.shape_cast %swap3A_868 : vector<1x16xf32> to vector<16xf32>
        %swap3A_870 = vector.shape_cast %max3A_865 : vector<16xf32> to vector<1x16xf32>
        tpu.vector_store %arg18[%swap3A_866, %swap3A_867], %swap3A_870 {strides = array<i32>} : memref<32x512xf32, #tpu.memory_space<vmem>>, vector<1x16xf32>,
        %get3A_871 = arith.index_cast %scan3A_343 : i32 to index
        %get3A_872 = arith.constant 496 : index
        %get3A_873 = tpu.vector_load %arg14[%get3A_871, %get3A_872] {strides = array<i32>} : memref<32x512xf32, #tpu.memory_space<vmem>>, vector<1x16xf32>,
        %get3A_874 = vector.shape_cast %get3A_873 : vector<1x16xf32> to vector<16xf32>
        %get3A_875 = arith.index_cast %scan3A_343 : i32 to index
        %get3A_876 = arith.constant 496 : index
        %get3A_877 = tpu.vector_load %arg16[%get3A_875, %get3A_876] {strides = array<i32>} : memref<32x512xf32, #tpu.memory_space<vmem>>, vector<1x16xf32>,
        %get3A_878 = vector.shape_cast %get3A_877 : vector<1x16xf32> to vector<16xf32>
        %add3A_879 = arith.addf %get3A_874, %get3A_878 : vector<16xf32>
        %max3A_880 = arith.constant 0.000000e+00 : f32
        %max3A_881 = vector.broadcast %max3A_880 : f32 to vector<16xf32>
        %max3A_882 = arith.maximumf %add3A_879, %max3A_881 : vector<16xf32>
        %swap3A_883 = arith.index_cast %scan3A_343 : i32 to index
        %swap3A_884 = arith.constant 496 : index
        %swap3A_885 = tpu.vector_load %arg18[%swap3A_883, %swap3A_884] {strides = array<i32>} : memref<32x512xf32, #tpu.memory_space<vmem>>, vector<1x16xf32>,
        %swap3A_886 = vector.shape_cast %swap3A_885 : vector<1x16xf32> to vector<16xf32>
        %swap3A_887 = vector.shape_cast %max3A_882 : vector<16xf32> to vector<1x16xf32>
        tpu.vector_store %arg18[%swap3A_883, %swap3A_884], %swap3A_887 {strides = array<i32>} : memref<32x512xf32, #tpu.memory_space<vmem>>, vector<1x16xf32>,
        %scan3A_888 = arith.constant 0 : i32
        scf.yield %scan3A_888 : i32
      }
      %scan3A_327 = arith.constant 32 : i32
      %mul3A_328 = arith.constant 32 : i32
      %mul3A_329 = arith.muli %add3A_301, %mul3A_328 : i32
      %add3A_330 = arith.addi %mul3A_2, %mul3A_329 : i32
      %dma_start3A_331 = arith.constant 0 : i32
      %dma_start3A_332 = tpu.memref_slice %arg8[%add3A_330, %dma_start3A_331] : memref<16384x512xf32, #tpu.memory_space<hbm>> -> memref<32x512xf32, #tpu.memory_space<hbm>>
      %dma_start3A_333 = arith.constant 0 : i32
      %dma_start3A_334 = tpu.memref_slice %arg8[%add3A_330, %dma_start3A_333] : memref<16384x512xf32, #tpu.memory_space<hbm>> -> memref<32x512xf32, #tpu.memory_space<hbm>>
      tpu.enqueue_dma source(%arg18 : memref<32x512xf32, #tpu.memory_space<vmem>>) target(%dma_start3A_334 : memref<32x512xf32, #tpu.memory_space<hbm>>) target_semaphore(%arg24 : memref<!tpu.dma_semaphore, #tpu.memory_space<semaphore_mem>>)
      %add3A_335 = arith.constant 2 : i32
      %add3A_336 = arith.addi %add3A_301, %add3A_335 : i32
      %lt3A_337 = arith.constant 4 : i32
      %lt3A_338 = arith.cmpi slt, %add3A_336, %lt3A_337 : i32
      %convert_element_type3A_339 = arith.extui %lt3A_338 : i1 to i32
      %cond3A_340 = arith.constant 0 : i32
      %cond3A_341 = arith.cmpi ne, %convert_element_type3A_339, %cond3A_340 : i32
      scf.if %cond3A_341 {
        %add3A_343 = arith.constant 2 : i32
        %add3A_344 = arith.addi %add3A_301, %add3A_343 : i32
        %mul3A_345 = arith.constant 32 : i32
        %mul3A_346 = arith.muli %add3A_344, %mul3A_345 : i32
        %mul3A_347 = arith.constant 32 : i32
        %mul3A_348 = arith.muli %add3A_344, %mul3A_347 : i32
        %dma_start3A_349 = tpu.memref_slice %arg11[%mul3A_346] : memref<128xi32, #tpu.memory_space<vmem>> -> memref<32xi32, #tpu.memory_space<vmem>>
        %dma_start3A_350 = arith.constant 0 : i32
        %dma_start3A_351 = arith.constant 0 : i32
        %dma_start3A_352 = tpu.memref_slice %arg6[%dma_start3A_350, %dma_start3A_351] : memref<684x512xf32, #tpu.memory_space<hbm>> -> memref<684x512xf32, #tpu.memory_space<hbm>>
        tpu.enqueue_indirect_dma source(%dma_start3A_352 : memref<684x512xf32, #tpu.memory_space<hbm>>) target(%arg14 : memref<32x512xf32, #tpu.memory_space<vmem>>) offsets(%dma_start3A_349 : memref<32xi32, #tpu.memory_space<vmem>>) semaphore(%arg20 : memref<!tpu.dma_semaphore, #tpu.memory_space<semaphore_mem>>)
        %dma_start3A_353 = tpu.memref_slice %arg12[%mul3A_348] : memref<128xi32, #tpu.memory_space<vmem>> -> memref<32xi32, #tpu.memory_space<vmem>>
        %dma_start3A_354 = arith.constant 0 : i32
        %dma_start3A_355 = arith.constant 0 : i32
        %dma_start3A_356 = tpu.memref_slice %arg7[%dma_start3A_354, %dma_start3A_355] : memref<512x512xf32, #tpu.memory_space<hbm>> -> memref<512x512xf32, #tpu.memory_space<hbm>>
        tpu.enqueue_indirect_dma source(%dma_start3A_356 : memref<512x512xf32, #tpu.memory_space<hbm>>) target(%arg16 : memref<32x512xf32, #tpu.memory_space<vmem>>) offsets(%dma_start3A_353 : memref<32xi32, #tpu.memory_space<vmem>>) semaphore(%arg22 : memref<!tpu.dma_semaphore, #tpu.memory_space<semaphore_mem>>)
      } else {
      }
      %scan3A_342 = arith.constant 0 : i32
      scf.yield %scan3A_342 : i32
    }
    %scan3A_249 = arith.constant 2 : i32
    %add3A_250 = arith.constant 64 : i32
    %add3A_251 = arith.addi %mul3A_2, %add3A_250 : i32
    %dma_wait3A = arith.constant 0 : i32
    %dma_wait3A_252 = tpu.memref_slice %arg8[%add3A_251, %dma_wait3A] : memref<16384x512xf32, #tpu.memory_space<hbm>> -> memref<32x512xf32, #tpu.memory_space<hbm>>
    %dma_wait3A_253 = arith.constant 0 : i32
    %dma_wait3A_254 = tpu.memref_slice %arg8[%add3A_251, %dma_wait3A_253] : memref<16384x512xf32, #tpu.memory_space<hbm>> -> memref<32x512xf32, #tpu.memory_space<hbm>>
    tpu.wait_dma2 semaphore(%arg23 : memref<!tpu.dma_semaphore, #tpu.memory_space<semaphore_mem>>) src(%arg17 : memref<32x512xf32, #tpu.memory_space<vmem>>) dst(%dma_wait3A_254 : memref<32x512xf32, #tpu.memory_space<hbm>>)
    %add3A_255 = arith.constant 96 : i32
    %add3A_256 = arith.addi %mul3A_2, %add3A_255 : i32
    %dma_wait3A_257 = arith.constant 0 : i32
    %dma_wait3A_258 = tpu.memref_slice %arg8[%add3A_256, %dma_wait3A_257] : memref<16384x512xf32, #tpu.memory_space<hbm>> -> memref<32x512xf32, #tpu.memory_space<hbm>>
    %dma_wait3A_259 = arith.constant 0 : i32
    %dma_wait3A_260 = tpu.memref_slice %arg8[%add3A_256, %dma_wait3A_259] : memref<16384x512xf32, #tpu.memory_space<hbm>> -> memref<32x512xf32, #tpu.memory_space<hbm>>
    tpu.wait_dma2 semaphore(%arg24 : memref<!tpu.dma_semaphore, #tpu.memory_space<semaphore_mem>>) src(%arg18 : memref<32x512xf32, #tpu.memory_space<vmem>>) dst(%dma_wait3A_260 : memref<32x512xf32, #tpu.memory_space<hbm>>)
    return
  }
}

module attributes {stable_mosaic.version = 14 : i64} {
  func.func @_tc_fill_body(%arg0: i32, %arg1: memref<1x2048xi32, #tpu.memory_space<vmem>>, %arg2: memref<1x2048xi32, #tpu.memory_space<vmem>>, %arg3: memref<1x2048xi32, #tpu.memory_space<vmem>>, %arg4: memref<1x2048xi32, #tpu.memory_space<vmem>>, %arg5: memref<128x512xbf16, #tpu.memory_space<vmem>>, %arg6: memref<16384x512xf32, #tpu.memory_space<any>>, %arg7: memref<2048x512xf32, #tpu.memory_space<vmem>>) attributes {dimension_semantics = [#tpu.dimension_semantics<arbitrary>], iteration_bounds = array<i64: 6>, scalar_prefetch = 0 : i64, scratch_operands = 0 : i64, tpu.core_type = #tpu.core_type<tc>, window_params = [{transform_indices = @transform_0, window_bounds = array<i64: 1, 2048>}, {transform_indices = @transform_1, window_bounds = array<i64: 1, 2048>}, {transform_indices = @transform_2, window_bounds = array<i64: 1, 2048>}, {transform_indices = @transform_3, window_bounds = array<i64: 1, 2048>}, {pipeline_mode = #tpu.pipeline_mode<synchronous>, transform_indices = @transform_4, window_bounds = array<i64: 128, 512>}, {}, {transform_indices = @transform_6, window_bounds = array<i64: 2048, 512>}]} {
    %iota3A = tpu.iota {dimensions = array<i32: 0>} : vector<128x2048xi32>
    %get3A = arith.constant 0 : index
    %get3A_0 = arith.constant 0 : index
    %get3A_1 = vector.load %arg1[%get3A, %get3A_0] : memref<1x2048xi32, #tpu.memory_space<vmem>>, vector<1x2048xi32>
    %eq3A = vector.broadcast %get3A_1 : vector<1x2048xi32> to vector<128x2048xi32>
    %eq3A_2 = arith.cmpi eq, %iota3A, %eq3A : vector<128x2048xi32>
    %convert_element_type3A = arith.extui %eq3A_2 : vector<128x2048xi1> to vector<128x2048xi32>
    %convert_element_type3A_3 = arith.sitofp %convert_element_type3A : vector<128x2048xi32> to vector<128x2048xf32>
    %convert_element_type3A_4 = arith.truncf %convert_element_type3A_3 : vector<128x2048xf32> to vector<128x2048xbf16>
    %get3A_5 = arith.constant 0 : index
    %get3A_6 = arith.constant 0 : index
    %get3A_7 = vector.load %arg2[%get3A_5, %get3A_6] : memref<1x2048xi32, #tpu.memory_space<vmem>>, vector<1x2048xi32>
    %add3A = arith.constant 36 : i32
    %add3A_8 = vector.broadcast %add3A : i32 to vector<1x2048xi32>
    %add3A_9 = arith.addi %get3A_7, %add3A_8 : vector<1x2048xi32>
    %eq3A_10 = vector.broadcast %add3A_9 : vector<1x2048xi32> to vector<128x2048xi32>
    %eq3A_11 = arith.cmpi eq, %iota3A, %eq3A_10 : vector<128x2048xi32>
    %convert_element_type3A_12 = arith.extui %eq3A_11 : vector<128x2048xi1> to vector<128x2048xi32>
    %convert_element_type3A_13 = arith.sitofp %convert_element_type3A_12 : vector<128x2048xi32> to vector<128x2048xf32>
    %convert_element_type3A_14 = arith.truncf %convert_element_type3A_13 : vector<128x2048xf32> to vector<128x2048xbf16>
    %add3A_15 = arith.addf %convert_element_type3A_4, %convert_element_type3A_14 : vector<128x2048xbf16>
    %get3A_16 = arith.constant 0 : index
    %get3A_17 = arith.constant 0 : index
    %get3A_18 = vector.load %arg3[%get3A_16, %get3A_17] : memref<1x2048xi32, #tpu.memory_space<vmem>>, vector<1x2048xi32>
    %add3A_19 = arith.constant 55 : i32
    %add3A_20 = vector.broadcast %add3A_19 : i32 to vector<1x2048xi32>
    %add3A_21 = arith.addi %get3A_18, %add3A_20 : vector<1x2048xi32>
    %eq3A_22 = vector.broadcast %add3A_21 : vector<1x2048xi32> to vector<128x2048xi32>
    %eq3A_23 = arith.cmpi eq, %iota3A, %eq3A_22 : vector<128x2048xi32>
    %convert_element_type3A_24 = arith.extui %eq3A_23 : vector<128x2048xi1> to vector<128x2048xi32>
    %convert_element_type3A_25 = arith.sitofp %convert_element_type3A_24 : vector<128x2048xi32> to vector<128x2048xf32>
    %convert_element_type3A_26 = arith.truncf %convert_element_type3A_25 : vector<128x2048xf32> to vector<128x2048xbf16>
    %add3A_27 = arith.addf %add3A_15, %convert_element_type3A_26 : vector<128x2048xbf16>
    %get3A_28 = arith.constant 0 : index
    %get3A_29 = arith.constant 0 : index
    %get3A_30 = vector.load %arg4[%get3A_28, %get3A_29] : memref<1x2048xi32, #tpu.memory_space<vmem>>, vector<1x2048xi32>
    %add3A_31 = arith.constant 87 : i32
    %add3A_32 = vector.broadcast %add3A_31 : i32 to vector<1x2048xi32>
    %add3A_33 = arith.addi %get3A_30, %add3A_32 : vector<1x2048xi32>
    %eq3A_34 = vector.broadcast %add3A_33 : vector<1x2048xi32> to vector<128x2048xi32>
    %eq3A_35 = arith.cmpi eq, %iota3A, %eq3A_34 : vector<128x2048xi32>
    %convert_element_type3A_36 = arith.extui %eq3A_35 : vector<128x2048xi1> to vector<128x2048xi32>
    %convert_element_type3A_37 = arith.sitofp %convert_element_type3A_36 : vector<128x2048xi32> to vector<128x2048xf32>
    %convert_element_type3A_38 = arith.truncf %convert_element_type3A_37 : vector<128x2048xf32> to vector<128x2048xbf16>
    %add3A_39 = arith.addf %add3A_27, %convert_element_type3A_38 : vector<128x2048xbf16>
    %get3A_40 = arith.constant 0 : index
    %get3A_41 = arith.constant 0 : index
    %get3A_42 = vector.load %arg5[%get3A_40, %get3A_41] : memref<128x512xbf16, #tpu.memory_space<vmem>>, vector<128x512xbf16>
    %dot_general3A = arith.constant dense<0.000000e+00> : vector<2048x512xf32>
    %dot_general3A_43 = tpu.matmul %add3A_39, %get3A_42, %dot_general3A {dimension_numbers = #tpu.dot_dimension_numbers<[0], [0], [1], [1], [0, 1, 1, 1], [], []>, transpose_lhs_hint = false} : vector<128x2048xbf16>, vector<128x512xbf16>, vector<2048x512xf32> -> vector<2048x512xf32>
    %max3A = arith.constant 0.000000e+00 : f32
    %max3A_44 = vector.broadcast %max3A : f32 to vector<2048x512xf32>
    %max3A_45 = arith.maximumf %dot_general3A_43, %max3A_44 : vector<2048x512xf32>
    %swap3A = arith.constant 0 : index
    %swap3A_46 = arith.constant 0 : index
    %swap3A_47 = vector.load %arg7[%swap3A, %swap3A_46] : memref<2048x512xf32, #tpu.memory_space<vmem>>, vector<2048x512xf32>
    tpu.vector_store %arg7[%swap3A, %swap3A_46], %max3A_45 {strides = array<i32>} : memref<2048x512xf32, #tpu.memory_space<vmem>>, vector<2048x512xf32>,
    return
  }
  func.func @transform_0(%arg0: i32) -> (i32, i32) {
    %add3A = arith.constant 2 : i32
    %add3A_0 = arith.addi %add3A, %arg0 : i32
    %c0_i32 = arith.constant 0 : i32
    %c0_i32_1 = arith.constant 0 : i32
    return %c0_i32, %add3A_0 : i32, i32
  }
  func.func @transform_1(%arg0: i32) -> (i32, i32) {
    %add3A = arith.constant 2 : i32
    %add3A_0 = arith.addi %add3A, %arg0 : i32
    %c0_i32 = arith.constant 0 : i32
    %c0_i32_1 = arith.constant 0 : i32
    return %c0_i32, %add3A_0 : i32, i32
  }
  func.func @transform_2(%arg0: i32) -> (i32, i32) {
    %add3A = arith.constant 2 : i32
    %add3A_0 = arith.addi %add3A, %arg0 : i32
    %c0_i32 = arith.constant 0 : i32
    %c0_i32_1 = arith.constant 0 : i32
    return %c0_i32, %add3A_0 : i32, i32
  }
  func.func @transform_3(%arg0: i32) -> (i32, i32) {
    %add3A = arith.constant 2 : i32
    %add3A_0 = arith.addi %add3A, %arg0 : i32
    %c0_i32 = arith.constant 0 : i32
    %c0_i32_1 = arith.constant 0 : i32
    return %c0_i32, %add3A_0 : i32, i32
  }
  func.func @transform_4(%arg0: i32) -> (i32, i32) {
    %c0_i32 = arith.constant 0 : i32
    %c0_i32_0 = arith.constant 0 : i32
    %c0_i32_1 = arith.constant 0 : i32
    return %c0_i32, %c0_i32_0 : i32, i32
  }
  func.func @transform_6(%arg0: i32) -> (i32, i32) {
    %add3A = arith.constant 2 : i32
    %add3A_0 = arith.addi %add3A, %arg0 : i32
    %c0_i32 = arith.constant 0 : i32
    %c0_i32_1 = arith.constant 0 : i32
    return %add3A_0, %c0_i32 : i32, i32
  }
}

module attributes {stable_mosaic.version = 14 : i64} {
  func.func @_proj_body(%arg0: memref<36x64xf32, #tpu.memory_space<vmem>>, %arg1: memref<19x64xf32, #tpu.memory_space<vmem>>, %arg2: memref<32x32xf32, #tpu.memory_space<vmem>>, %arg3: memref<16x32xf32, #tpu.memory_space<vmem>>, %arg4: memref<192x512xf32, #tpu.memory_space<vmem>>, %arg5: memref<1x512xf32, #tpu.memory_space<vmem>>, %arg6: memref<684x512xf32, #tpu.memory_space<vmem>>, %arg7: memref<512x512xf32, #tpu.memory_space<vmem>>, %arg8: memref<128x512xbf16, #tpu.memory_space<vmem>>) attributes {dimension_semantics = [], scalar_prefetch = 0 : i64, scratch_operands = 0 : i64, tpu.core_type = #tpu.core_type<tc>} {
    %get3A = arith.constant 0 : index
    %get3A_0 = arith.constant 0 : index
    %get3A_1 = vector.load %arg0[%get3A, %get3A_0] : memref<36x64xf32, #tpu.memory_space<vmem>>, vector<36x64xf32>
    %get3A_2 = arith.constant 0 : index
    %get3A_3 = arith.constant 0 : index
    %get3A_4 = vector.load %arg4[%get3A_2, %get3A_3] : memref<192x512xf32, #tpu.memory_space<vmem>>, vector<64x512xf32>
    %dot_general3A = arith.constant dense<0.000000e+00> : vector<36x512xf32>
    %dot_general3A_5 = tpu.matmul %get3A_1, %get3A_4, %dot_general3A {dimension_numbers = #tpu.dot_dimension_numbers<[1], [0], [0], [1], [0, 0, 1, 1], [], []>, transpose_lhs_hint = false} : vector<36x64xf32>, vector<64x512xf32>, vector<36x512xf32> -> vector<36x512xf32>
    %get3A_6 = arith.constant 0 : index
    %get3A_7 = arith.constant 0 : index
    %get3A_8 = vector.load %arg1[%get3A_6, %get3A_7] : memref<19x64xf32, #tpu.memory_space<vmem>>, vector<19x64xf32>
    %get3A_9 = arith.constant 64 : index
    %get3A_10 = arith.constant 0 : index
    %get3A_11 = vector.load %arg4[%get3A_9, %get3A_10] : memref<192x512xf32, #tpu.memory_space<vmem>>, vector<64x512xf32>
    %dot_general3A_12 = arith.constant dense<0.000000e+00> : vector<19x512xf32>
    %dot_general3A_13 = tpu.matmul %get3A_8, %get3A_11, %dot_general3A_12 {dimension_numbers = #tpu.dot_dimension_numbers<[1], [0], [0], [1], [0, 0, 1, 1], [], []>, transpose_lhs_hint = false} : vector<19x64xf32>, vector<64x512xf32>, vector<19x512xf32> -> vector<19x512xf32>
    %get3A_14 = arith.constant 0 : index
    %get3A_15 = arith.constant 0 : index
    %get3A_16 = vector.load %arg2[%get3A_14, %get3A_15] : memref<32x32xf32, #tpu.memory_space<vmem>>, vector<32x32xf32>
    %get3A_17 = arith.constant 128 : index
    %get3A_18 = arith.constant 0 : index
    %get3A_19 = vector.load %arg4[%get3A_17, %get3A_18] : memref<192x512xf32, #tpu.memory_space<vmem>>, vector<32x512xf32>
    %dot_general3A_20 = arith.constant dense<0.000000e+00> : vector<32x512xf32>
    %dot_general3A_21 = tpu.matmul %get3A_16, %get3A_19, %dot_general3A_20 {dimension_numbers = #tpu.dot_dimension_numbers<[1], [0], [0], [1], [0, 0, 1, 1], [], []>, transpose_lhs_hint = false} : vector<32x32xf32>, vector<32x512xf32>, vector<32x512xf32> -> vector<32x512xf32>
    %get3A_22 = arith.constant 0 : index
    %get3A_23 = arith.constant 0 : index
    %get3A_24 = vector.load %arg3[%get3A_22, %get3A_23] : memref<16x32xf32, #tpu.memory_space<vmem>>, vector<16x32xf32>
    %get3A_25 = arith.constant 160 : index
    %get3A_26 = arith.constant 0 : index
    %get3A_27 = vector.load %arg4[%get3A_25, %get3A_26] : memref<192x512xf32, #tpu.memory_space<vmem>>, vector<32x512xf32>
    %dot_general3A_28 = arith.constant dense<0.000000e+00> : vector<16x512xf32>
    %dot_general3A_29 = tpu.matmul %get3A_24, %get3A_27, %dot_general3A_28 {dimension_numbers = #tpu.dot_dimension_numbers<[1], [0], [0], [1], [0, 0, 1, 1], [], []>, transpose_lhs_hint = false} : vector<16x32xf32>, vector<32x512xf32>, vector<16x512xf32> -> vector<16x512xf32>
    %iota3A = tpu.iota {dimensions = array<i32: 0>} : vector<684x36xi32>
    %iota3A_30 = tpu.iota {dimensions = array<i32: 1>} : vector<684x36xi32>
    %jit3A = arith.constant 19 : i32
    %div3A = vector.broadcast %jit3A : i32 to vector<684x36xi32>
    %div3A_31 = arith.divsi %iota3A, %div3A : vector<684x36xi32>
    %sign3A = arith.constant 0 : i32
    %sign3A_32 = vector.broadcast %sign3A : i32 to vector<684x36xi32>
    %sign3A_33 = arith.cmpi sgt, %iota3A, %sign3A_32 : vector<684x36xi32>
    %sign3A_34 = arith.extui %sign3A_33 : vector<684x36xi1> to vector<684x36xi32>
    %sign3A_35 = arith.constant 0 : i32
    %sign3A_36 = vector.broadcast %sign3A_35 : i32 to vector<684x36xi32>
    %sign3A_37 = arith.cmpi slt, %iota3A, %sign3A_36 : vector<684x36xi32>
    %sign3A_38 = arith.extui %sign3A_37 : vector<684x36xi1> to vector<684x36xi32>
    %sign3A_39 = arith.subi %sign3A_34, %sign3A_38 : vector<684x36xi32>
    %sign3A_40 = arith.constant 0 : i32
    %sign3A_41 = arith.cmpi sgt, %jit3A, %sign3A_40 : i32
    %sign3A_42 = arith.extui %sign3A_41 : i1 to i32
    %sign3A_43 = arith.constant 0 : i32
    %sign3A_44 = arith.cmpi slt, %jit3A, %sign3A_43 : i32
    %sign3A_45 = arith.extui %sign3A_44 : i1 to i32
    %sign3A_46 = arith.subi %sign3A_42, %sign3A_45 : i32
    %ne3A = vector.broadcast %sign3A_46 : i32 to vector<684x36xi32>
    %ne3A_47 = arith.cmpi ne, %sign3A_39, %ne3A : vector<684x36xi32>
    %rem3A = vector.broadcast %jit3A : i32 to vector<684x36xi32>
    %rem3A_48 = arith.remsi %iota3A, %rem3A : vector<684x36xi32>
    %ne3A_49 = arith.constant 0 : i32
    %ne3A_50 = vector.broadcast %ne3A_49 : i32 to vector<684x36xi32>
    %ne3A_51 = arith.cmpi ne, %rem3A_48, %ne3A_50 : vector<684x36xi32>
    %and3A = arith.andi %ne3A_47, %ne3A_51 : vector<684x36xi1>
    %sub3A = arith.constant 1 : i32
    %sub3A_52 = vector.broadcast %sub3A : i32 to vector<684x36xi32>
    %sub3A_53 = arith.subi %div3A_31, %sub3A_52 : vector<684x36xi32>
    %select_n3A = arith.select %and3A, %sub3A_53, %div3A_31 : vector<684x36xi1>, vector<684x36xi32>
    %eq3A = arith.cmpi eq, %select_n3A, %iota3A_30 : vector<684x36xi32>
    %convert_element_type3A = arith.extui %eq3A : vector<684x36xi1> to vector<684x36xi32>
    %convert_element_type3A_54 = arith.sitofp %convert_element_type3A : vector<684x36xi32> to vector<684x36xf32>
    %iota3A_55 = tpu.iota {dimensions = array<i32: 0>} : vector<684x19xi32>
    %iota3A_56 = tpu.iota {dimensions = array<i32: 1>} : vector<684x19xi32>
    %jit3A_57 = arith.constant 1 : i32
    %div3A_58 = vector.broadcast %jit3A_57 : i32 to vector<684x19xi32>
    %div3A_59 = arith.divsi %iota3A_55, %div3A_58 : vector<684x19xi32>
    %sign3A_60 = arith.constant 0 : i32
    %sign3A_61 = vector.broadcast %sign3A_60 : i32 to vector<684x19xi32>
    %sign3A_62 = arith.cmpi sgt, %iota3A_55, %sign3A_61 : vector<684x19xi32>
    %sign3A_63 = arith.extui %sign3A_62 : vector<684x19xi1> to vector<684x19xi32>
    %sign3A_64 = arith.constant 0 : i32
    %sign3A_65 = vector.broadcast %sign3A_64 : i32 to vector<684x19xi32>
    %sign3A_66 = arith.cmpi slt, %iota3A_55, %sign3A_65 : vector<684x19xi32>
    %sign3A_67 = arith.extui %sign3A_66 : vector<684x19xi1> to vector<684x19xi32>
    %sign3A_68 = arith.subi %sign3A_63, %sign3A_67 : vector<684x19xi32>
    %sign3A_69 = arith.constant 0 : i32
    %sign3A_70 = arith.cmpi sgt, %jit3A_57, %sign3A_69 : i32
    %sign3A_71 = arith.extui %sign3A_70 : i1 to i32
    %sign3A_72 = arith.constant 0 : i32
    %sign3A_73 = arith.cmpi slt, %jit3A_57, %sign3A_72 : i32
    %sign3A_74 = arith.extui %sign3A_73 : i1 to i32
    %sign3A_75 = arith.subi %sign3A_71, %sign3A_74 : i32
    %ne3A_76 = vector.broadcast %sign3A_75 : i32 to vector<684x19xi32>
    %ne3A_77 = arith.cmpi ne, %sign3A_68, %ne3A_76 : vector<684x19xi32>
    %rem3A_78 = vector.broadcast %jit3A_57 : i32 to vector<684x19xi32>
    %rem3A_79 = arith.remsi %iota3A_55, %rem3A_78 : vector<684x19xi32>
    %ne3A_80 = arith.constant 0 : i32
    %ne3A_81 = vector.broadcast %ne3A_80 : i32 to vector<684x19xi32>
    %ne3A_82 = arith.cmpi ne, %rem3A_79, %ne3A_81 : vector<684x19xi32>
    %and3A_83 = arith.andi %ne3A_77, %ne3A_82 : vector<684x19xi1>
    %sub3A_84 = arith.constant 1 : i32
    %sub3A_85 = vector.broadcast %sub3A_84 : i32 to vector<684x19xi32>
    %sub3A_86 = arith.subi %div3A_59, %sub3A_85 : vector<684x19xi32>
    %select_n3A_87 = arith.select %and3A_83, %sub3A_86, %div3A_59 : vector<684x19xi1>, vector<684x19xi32>
    %jit3A_88 = arith.constant 19 : i32
    %eq3A_89 = arith.constant 0 : i32
    %eq3A_90 = arith.cmpi eq, %jit3A_88, %eq3A_89 : i32
    %jit3A_91 = arith.constant 1 : i32
    %select_n3A_92 = arith.select %eq3A_90, %jit3A_91, %jit3A_88 : i32
    %rem3A_93 = vector.broadcast %select_n3A_92 : i32 to vector<684x19xi32>
    %rem3A_94 = arith.remsi %select_n3A_87, %rem3A_93 : vector<684x19xi32>
    %ne3A_95 = arith.constant 0 : i32
    %ne3A_96 = vector.broadcast %ne3A_95 : i32 to vector<684x19xi32>
    %ne3A_97 = arith.cmpi ne, %rem3A_94, %ne3A_96 : vector<684x19xi32>
    %lt3A = arith.constant 0 : i32
    %lt3A_98 = vector.broadcast %lt3A : i32 to vector<684x19xi32>
    %lt3A_99 = arith.cmpi slt, %rem3A_94, %lt3A_98 : vector<684x19xi32>
    %lt3A_100 = arith.constant 0 : i32
    %lt3A_101 = arith.cmpi slt, %select_n3A_92, %lt3A_100 : i32
    %ne3A_102 = vector.broadcast %lt3A_101 : i1 to vector<684x19xi1>
    %ne3A_103 = vector.broadcast %ne3A_102 : vector<684x19xi1> to vector<684x19xi1>
    %ne3A_104 = arith.xori %lt3A_99, %ne3A_103 : vector<684x19xi1>
    %and3A_105 = arith.andi %ne3A_104, %ne3A_97 : vector<684x19xi1>
    %add3A = vector.broadcast %select_n3A_92 : i32 to vector<684x19xi32>
    %add3A_106 = arith.addi %rem3A_94, %add3A : vector<684x19xi32>
    %select_n3A_107 = arith.select %and3A_105, %add3A_106, %rem3A_94 : vector<684x19xi1>, vector<684x19xi32>
    %eq3A_108 = arith.cmpi eq, %select_n3A_107, %iota3A_56 : vector<684x19xi32>
    %convert_element_type3A_109 = arith.extui %eq3A_108 : vector<684x19xi1> to vector<684x19xi32>
    %convert_element_type3A_110 = arith.sitofp %convert_element_type3A_109 : vector<684x19xi32> to vector<684x19xf32>
    %dot_general3A_111 = arith.constant dense<0.000000e+00> : vector<684x512xf32>
    %dot_general3A_112 = tpu.matmul %convert_element_type3A_54, %dot_general3A_5, %dot_general3A_111 {dimension_numbers = #tpu.dot_dimension_numbers<[1], [0], [0], [1], [0, 0, 1, 1], [], []>, transpose_lhs_hint = false} : vector<684x36xf32>, vector<36x512xf32>, vector<684x512xf32> -> vector<684x512xf32>
    %dot_general3A_113 = arith.constant dense<0.000000e+00> : vector<684x512xf32>
    %dot_general3A_114 = tpu.matmul %convert_element_type3A_110, %dot_general3A_13, %dot_general3A_113 {dimension_numbers = #tpu.dot_dimension_numbers<[1], [0], [0], [1], [0, 0, 1, 1], [], []>, transpose_lhs_hint = false} : vector<684x19xf32>, vector<19x512xf32>, vector<684x512xf32> -> vector<684x512xf32>
    %add3A_115 = arith.addf %dot_general3A_112, %dot_general3A_114 : vector<684x512xf32>
    %iota3A_116 = tpu.iota {dimensions = array<i32: 0>} : vector<512x32xi32>
    %iota3A_117 = tpu.iota {dimensions = array<i32: 1>} : vector<512x32xi32>
    %jit3A_118 = arith.constant 16 : i32
    %div3A_119 = vector.broadcast %jit3A_118 : i32 to vector<512x32xi32>
    %div3A_120 = arith.divsi %iota3A_116, %div3A_119 : vector<512x32xi32>
    %sign3A_121 = arith.constant 0 : i32
    %sign3A_122 = vector.broadcast %sign3A_121 : i32 to vector<512x32xi32>
    %sign3A_123 = arith.cmpi sgt, %iota3A_116, %sign3A_122 : vector<512x32xi32>
    %sign3A_124 = arith.extui %sign3A_123 : vector<512x32xi1> to vector<512x32xi32>
    %sign3A_125 = arith.constant 0 : i32
    %sign3A_126 = vector.broadcast %sign3A_125 : i32 to vector<512x32xi32>
    %sign3A_127 = arith.cmpi slt, %iota3A_116, %sign3A_126 : vector<512x32xi32>
    %sign3A_128 = arith.extui %sign3A_127 : vector<512x32xi1> to vector<512x32xi32>
    %sign3A_129 = arith.subi %sign3A_124, %sign3A_128 : vector<512x32xi32>
    %sign3A_130 = arith.constant 0 : i32
    %sign3A_131 = arith.cmpi sgt, %jit3A_118, %sign3A_130 : i32
    %sign3A_132 = arith.extui %sign3A_131 : i1 to i32
    %sign3A_133 = arith.constant 0 : i32
    %sign3A_134 = arith.cmpi slt, %jit3A_118, %sign3A_133 : i32
    %sign3A_135 = arith.extui %sign3A_134 : i1 to i32
    %sign3A_136 = arith.subi %sign3A_132, %sign3A_135 : i32
    %ne3A_137 = vector.broadcast %sign3A_136 : i32 to vector<512x32xi32>
    %ne3A_138 = arith.cmpi ne, %sign3A_129, %ne3A_137 : vector<512x32xi32>
    %rem3A_139 = vector.broadcast %jit3A_118 : i32 to vector<512x32xi32>
    %rem3A_140 = arith.remsi %iota3A_116, %rem3A_139 : vector<512x32xi32>
    %ne3A_141 = arith.constant 0 : i32
    %ne3A_142 = vector.broadcast %ne3A_141 : i32 to vector<512x32xi32>
    %ne3A_143 = arith.cmpi ne, %rem3A_140, %ne3A_142 : vector<512x32xi32>
    %and3A_144 = arith.andi %ne3A_138, %ne3A_143 : vector<512x32xi1>
    %sub3A_145 = arith.constant 1 : i32
    %sub3A_146 = vector.broadcast %sub3A_145 : i32 to vector<512x32xi32>
    %sub3A_147 = arith.subi %div3A_120, %sub3A_146 : vector<512x32xi32>
    %select_n3A_148 = arith.select %and3A_144, %sub3A_147, %div3A_120 : vector<512x32xi1>, vector<512x32xi32>
    %eq3A_149 = arith.cmpi eq, %select_n3A_148, %iota3A_117 : vector<512x32xi32>
    %convert_element_type3A_150 = arith.extui %eq3A_149 : vector<512x32xi1> to vector<512x32xi32>
    %convert_element_type3A_151 = arith.sitofp %convert_element_type3A_150 : vector<512x32xi32> to vector<512x32xf32>
    %iota3A_152 = tpu.iota {dimensions = array<i32: 0>} : vector<512x16xi32>
    %iota3A_153 = tpu.iota {dimensions = array<i32: 1>} : vector<512x16xi32>
    %jit3A_154 = arith.constant 1 : i32
    %div3A_155 = vector.broadcast %jit3A_154 : i32 to vector<512x16xi32>
    %div3A_156 = arith.divsi %iota3A_152, %div3A_155 : vector<512x16xi32>
    %sign3A_157 = arith.constant 0 : i32
    %sign3A_158 = vector.broadcast %sign3A_157 : i32 to vector<512x16xi32>
    %sign3A_159 = arith.cmpi sgt, %iota3A_152, %sign3A_158 : vector<512x16xi32>
    %sign3A_160 = arith.extui %sign3A_159 : vector<512x16xi1> to vector<512x16xi32>
    %sign3A_161 = arith.constant 0 : i32
    %sign3A_162 = vector.broadcast %sign3A_161 : i32 to vector<512x16xi32>
    %sign3A_163 = arith.cmpi slt, %iota3A_152, %sign3A_162 : vector<512x16xi32>
    %sign3A_164 = arith.extui %sign3A_163 : vector<512x16xi1> to vector<512x16xi32>
    %sign3A_165 = arith.subi %sign3A_160, %sign3A_164 : vector<512x16xi32>
    %sign3A_166 = arith.constant 0 : i32
    %sign3A_167 = arith.cmpi sgt, %jit3A_154, %sign3A_166 : i32
    %sign3A_168 = arith.extui %sign3A_167 : i1 to i32
    %sign3A_169 = arith.constant 0 : i32
    %sign3A_170 = arith.cmpi slt, %jit3A_154, %sign3A_169 : i32
    %sign3A_171 = arith.extui %sign3A_170 : i1 to i32
    %sign3A_172 = arith.subi %sign3A_168, %sign3A_171 : i32
    %ne3A_173 = vector.broadcast %sign3A_172 : i32 to vector<512x16xi32>
    %ne3A_174 = arith.cmpi ne, %sign3A_165, %ne3A_173 : vector<512x16xi32>
    %rem3A_175 = vector.broadcast %jit3A_154 : i32 to vector<512x16xi32>
    %rem3A_176 = arith.remsi %iota3A_152, %rem3A_175 : vector<512x16xi32>
    %ne3A_177 = arith.constant 0 : i32
    %ne3A_178 = vector.broadcast %ne3A_177 : i32 to vector<512x16xi32>
    %ne3A_179 = arith.cmpi ne, %rem3A_176, %ne3A_178 : vector<512x16xi32>
    %and3A_180 = arith.andi %ne3A_174, %ne3A_179 : vector<512x16xi1>
    %sub3A_181 = arith.constant 1 : i32
    %sub3A_182 = vector.broadcast %sub3A_181 : i32 to vector<512x16xi32>
    %sub3A_183 = arith.subi %div3A_156, %sub3A_182 : vector<512x16xi32>
    %select_n3A_184 = arith.select %and3A_180, %sub3A_183, %div3A_156 : vector<512x16xi1>, vector<512x16xi32>
    %jit3A_185 = arith.constant 16 : i32
    %eq3A_186 = arith.constant 0 : i32
    %eq3A_187 = arith.cmpi eq, %jit3A_185, %eq3A_186 : i32
    %jit3A_188 = arith.constant 1 : i32
    %select_n3A_189 = arith.select %eq3A_187, %jit3A_188, %jit3A_185 : i32
    %rem3A_190 = vector.broadcast %select_n3A_189 : i32 to vector<512x16xi32>
    %rem3A_191 = arith.remsi %select_n3A_184, %rem3A_190 : vector<512x16xi32>
    %ne3A_192 = arith.constant 0 : i32
    %ne3A_193 = vector.broadcast %ne3A_192 : i32 to vector<512x16xi32>
    %ne3A_194 = arith.cmpi ne, %rem3A_191, %ne3A_193 : vector<512x16xi32>
    %lt3A_195 = arith.constant 0 : i32
    %lt3A_196 = vector.broadcast %lt3A_195 : i32 to vector<512x16xi32>
    %lt3A_197 = arith.cmpi slt, %rem3A_191, %lt3A_196 : vector<512x16xi32>
    %lt3A_198 = arith.constant 0 : i32
    %lt3A_199 = arith.cmpi slt, %select_n3A_189, %lt3A_198 : i32
    %ne3A_200 = vector.broadcast %lt3A_199 : i1 to vector<512x16xi1>
    %ne3A_201 = vector.broadcast %ne3A_200 : vector<512x16xi1> to vector<512x16xi1>
    %ne3A_202 = arith.xori %lt3A_197, %ne3A_201 : vector<512x16xi1>
    %and3A_203 = arith.andi %ne3A_202, %ne3A_194 : vector<512x16xi1>
    %add3A_204 = vector.broadcast %select_n3A_189 : i32 to vector<512x16xi32>
    %add3A_205 = arith.addi %rem3A_191, %add3A_204 : vector<512x16xi32>
    %select_n3A_206 = arith.select %and3A_203, %add3A_205, %rem3A_191 : vector<512x16xi1>, vector<512x16xi32>
    %eq3A_207 = arith.cmpi eq, %select_n3A_206, %iota3A_153 : vector<512x16xi32>
    %convert_element_type3A_208 = arith.extui %eq3A_207 : vector<512x16xi1> to vector<512x16xi32>
    %convert_element_type3A_209 = arith.sitofp %convert_element_type3A_208 : vector<512x16xi32> to vector<512x16xf32>
    %dot_general3A_210 = arith.constant dense<0.000000e+00> : vector<512x512xf32>
    %dot_general3A_211 = tpu.matmul %convert_element_type3A_151, %dot_general3A_21, %dot_general3A_210 {dimension_numbers = #tpu.dot_dimension_numbers<[1], [0], [0], [1], [0, 0, 1, 1], [], []>, transpose_lhs_hint = false} : vector<512x32xf32>, vector<32x512xf32>, vector<512x512xf32> -> vector<512x512xf32>
    %dot_general3A_212 = arith.constant dense<0.000000e+00> : vector<512x512xf32>
    %dot_general3A_213 = tpu.matmul %convert_element_type3A_209, %dot_general3A_29, %dot_general3A_212 {dimension_numbers = #tpu.dot_dimension_numbers<[1], [0], [0], [1], [0, 0, 1, 1], [], []>, transpose_lhs_hint = false} : vector<512x16xf32>, vector<16x512xf32>, vector<512x512xf32> -> vector<512x512xf32>
    %add3A_214 = arith.addf %dot_general3A_211, %dot_general3A_213 : vector<512x512xf32>
    %get3A_215 = arith.constant 0 : index
    %get3A_216 = arith.constant 0 : index
    %get3A_217 = vector.load %arg5[%get3A_215, %get3A_216] : memref<1x512xf32, #tpu.memory_space<vmem>>, vector<1x512xf32>
    %add3A_218 = vector.broadcast %get3A_217 : vector<1x512xf32> to vector<512x512xf32>
    %add3A_219 = arith.addf %add3A_214, %add3A_218 : vector<512x512xf32>
    %swap3A = arith.constant 0 : index
    %swap3A_220 = arith.constant 0 : index
    %swap3A_221 = vector.load %arg6[%swap3A, %swap3A_220] : memref<684x512xf32, #tpu.memory_space<vmem>>, vector<684x512xf32>
    tpu.vector_store %arg6[%swap3A, %swap3A_220], %add3A_115 {strides = array<i32>} : memref<684x512xf32, #tpu.memory_space<vmem>>, vector<684x512xf32>,
    %swap3A_222 = arith.constant 0 : index
    %swap3A_223 = arith.constant 0 : index
    %swap3A_224 = vector.load %arg7[%swap3A_222, %swap3A_223] : memref<512x512xf32, #tpu.memory_space<vmem>>, vector<512x512xf32>
    tpu.vector_store %arg7[%swap3A_222, %swap3A_223], %add3A_219 {strides = array<i32>} : memref<512x512xf32, #tpu.memory_space<vmem>>, vector<512x512xf32>,
    %get3A_225 = arith.constant 0 : index
    %get3A_226 = arith.constant 0 : index
    %get3A_227 = vector.load %arg5[%get3A_225, %get3A_226] : memref<1x512xf32, #tpu.memory_space<vmem>>, vector<1x512xf32>
    %add3A_228 = vector.broadcast %get3A_227 : vector<1x512xf32> to vector<16x512xf32>
    %add3A_229 = arith.addf %dot_general3A_29, %add3A_228 : vector<16x512xf32>
    %broadcast_in_dim3A = arith.constant 0.000000e+00 : f32
    %broadcast_in_dim3A_230 = vector.broadcast %broadcast_in_dim3A : f32 to vector<25x512xf32>
    %concatenate3A = tpu.concatenate %dot_general3A_5, %dot_general3A_13, %dot_general3A_21, %add3A_229, %broadcast_in_dim3A_230 in 0 : vector<36x512xf32>, vector<19x512xf32>, vector<32x512xf32>, vector<16x512xf32>, vector<25x512xf32> -> vector<128x512xf32>
    %convert_element_type3A_231 = arith.truncf %concatenate3A : vector<128x512xf32> to vector<128x512xbf16>
    %swap3A_232 = arith.constant 0 : index
    %swap3A_233 = arith.constant 0 : index
    %swap3A_234 = vector.load %arg8[%swap3A_232, %swap3A_233] : memref<128x512xbf16, #tpu.memory_space<vmem>>, vector<128x512xbf16>
    tpu.vector_store %arg8[%swap3A_232, %swap3A_233], %convert_element_type3A_231 {strides = array<i32>} : memref<128x512xbf16, #tpu.memory_space<vmem>>, vector<128x512xbf16>,
    return
  }
}

</mosaic_0001>

<sc_bundles>
// kernel: kernel.5.cloned.1.call-start
scs
__scs_entry_jumppad:
0x0: {  	(pc) =	sbr.rel $0x88, $3  }
0x1: {  	(tag) =	ssettag $0x0;
	lr =	simm.s32 $0x1  }
0x2: {  	[smem:$0x3F97] =	sst lr;
	_ =	strace $0xD0000000  }
0x3: {  	_ = 	snop  }
0x4: {  	_ = 	snop  }
0x5: {  	_ = 	snop  }
0x6: {  	_ = 	snop  }
0x7: {  	_ = 	snop  }
__scs_overlays_trampoline_lowered:
0x8: {  	[smem:$0x3FA6] =	sst s0  }
0x9: {  	[smem:$0x3FA7] =	sst s1  }
0xa: {  	[smem:$0x3FA8] =	sst s2  }
0xb: {  	[smem:$0x3FA9] =	sst s3  }
0xc: {  	[smem:$0x3FAA] =	sst s4  }
0xd: {  	[smem:$0x3FAB] =	sst s5  }
0xe: {  	[smem:$0x3FAC] =	sst s6  }
0xf: {  	[smem:$0x3FAD] =	sst s7  }
0x10: {  	[smem:$0x3FAE] =	sst s8  }
0x11: {  	[smem:$0x3FAF] =	sst s9;
	s0 =	simm.s32 @!p0 $0x0  }
0x12: {  	s1 =	sld [smem:$0x3F95];
	s0 =	simm.s32 @p0 $0x1  }
0x13: {  	[smem:$0x3FB0] =	sst s0;
	s0 =	simm.s32 @!p1 $0x0  }
0x14: {  	s2 =	sld [smem:$0x3F94];
	s0 =	simm.s32 @p1 $0x1  }
0x15: {  	[smem:$0x3FB1] =	sst s0;
	s0 =	simm.s32 @!p2 $0x0  }
0x16: {  	s3 =	sld [smem:$0x3FDB];
	s0 =	simm.s32 @p2 $0x1  }
0x17: {  	s4 =	simm.s32 $0x1BF5;
	[smem:$0x3FB3] =	sst s0  }
0x18: {  	s0 =	sld [smem:$0x3F96];
	_ =	swait.ge [sflag:s4], $0x0  }
0x19: {  	s7 =	sld [smem:$0x3F97]  }
0x1a: {  	s8 =	sadd.s32 $0xFFFFE003, lr  }
0x1b: {  	s9 =	sadd.s32 $0xFFFFFEF7, lr;
	s5 =	simm.s32 $0xFFFFFFFF;
	p2 =	slt.u32 s8, $0xFFFFF086  }
0x1c: {  	p1 =	slt.u32 s9, $0xF7A;
	s5 =	simm.s32 @!p2 $0x0  }
0x1d: {  	s5 =	simm.s32 @p1 $0x1;
	p0 =	seq.s32 s7, s2  }
0x1e: {  	s7 =	smul.u32 @!p0 $0xF7A, s2;
	p2 =	seq.s32 @!p0 s5, $0x0  }
0x1f: {  	s9 =	smul.u32 $0xF7A, s1;
	s8 =	simm.s32 @!p0 $0x1BF5;
	p2 =	por !p2, p0  }
0x20: {  	[sflag:s8] =	ssyncset.s32 @!p0 $0xFFFFF086;
	s6 =	sadd.s32 @!p0 s3, s7;
	s7 =	simm.s32 @!p0 $0x108  }
0x21: {  	s3 =	sadd.s32 s3, s9;
	s6 =	sadd.s32 @!p0 $0x88, s6;
	s7 =	simm.s32 @p2 $0x1082  }
0x22: {  	[simem:s7], [sflag:s8] =	dma.local @!p0 [hbm:s6], $0xF7A  }
0x23: {  	s9 =	sor.u32 $0xD0000000, s2;
	s6 =	simm.s32 $0x108;
	_ =	swait.ge @!p0 [sflag:s8], $0x0  }
0x24: {  	s3 =	sadd.s32 $0x88, s3;
	s6 =	simm.s32 @!p1 $0x1082;
	[sflag:s4] =	ssyncset.s32 $0xFFFFF086  }
0x25: {  	[simem:s6], [sflag:s4] =	dma.local [hbm:s3], $0xF7A  }
0x26: {  	[smem:$0x3F97] =	sst s1;
	(tag) =	ssettag s2;
	_ =	strace s9  }
0x27: {  	s1 =	sld [smem:$0x3FA7]  }
0x28: {  	s2 =	sld [smem:$0x3FA8]  }
0x29: {  	s4 =	sld [smem:$0x3FAA]  }
0x2a: {  	p0 =	seq.s32 s5, $0x0;
	s5 =	sld [smem:$0x3FAB]  }
0x2b: {  	s6 =	sld [smem:$0x3FAC]  }
0x2c: {  	s7 =	sld [smem:$0x3FAD]  }
0x2d: {  	s3 =	simm.s32 $0x108;
	s8 =	sld [smem:$0x3FAE]  }
0x2e: {  	s3 =	simm.s32 @!p0 $0x1082;
	s9 =	sld [smem:$0x3FAF]  }
0x2f: {  	lr =	sadd.s32 s0, s3;
	s0 =	sld [smem:$0x3FA6]  }
0x30: {  	s3 =	sld [smem:$0x3FA9]  }
0x31: {  	[smem:$0x3FB2] =	sst s10  }
0x32: {  	s10 =	sld [smem:$0x3FB0];
	_ =	sdelay $0x3  }
0x33: {  	p0 =	seq.s32 s10, $0x1;
	s10 =	sld [smem:$0x3FB2];
	_ =	sdelay $0x3  }
0x34: {  	[smem:$0x3FB2] =	sst s10  }
0x35: {  	s10 =	sld [smem:$0x3FB1];
	_ =	sdelay $0x3  }
0x36: {  	p1 =	seq.s32 s10, $0x1;
	s10 =	sld [smem:$0x3FB2];
	_ =	sdelay $0x3  }
0x37: {  	[smem:$0x3FB2] =	sst s10  }
0x38: {  	s10 =	sld [smem:$0x3FB3]  }
0x39: {  	_ = 	snop;
	(pc) =	sbr.ind lr, $3  }
0x3a: {  	_ = 	snop  }
0x3b: {  	_ = 	snop  }
0x3c: {  	p2 =	seq.s32 s10, $0x1;
	s10 =	sld [smem:$0x3FB2]  }
0x3d: {  	_ =	shalt  }
0x3e: {  	_ =	shalt  }
0x3f: {  	_ =	shalt  }
0x40: {  	_ =	shalt  }
0x41: {  	_ =	shalt  }
0x42: {  	_ =	shalt  }
0x43: {  	_ =	shalt  }
0x44: {  	_ =	shalt  }
0x45: {  	_ =	shalt  }
0x46: {  	_ =	shalt  }
0x47: {  	_ =	shalt  }
0x48: {  	_ =	shalt  }
0x49: {  	_ =	shalt  }
0x4a: {  	_ =	shalt  }
0x4b: {  	_ =	shalt  }
0x4c: {  	_ =	shalt  }
0x4d: {  	_ =	shalt  }
0x4e: {  	_ =	shalt  }
0x4f: {  	_ =	shalt  }
0x50: {  	_ =	shalt  }
0x51: {  	_ =	shalt  }
0x52: {  	_ =	shalt  }
0x53: {  	_ =	shalt  }
0x54: {  	_ =	shalt  }
0x55: {  	_ =	shalt  }
0x56: {  	_ =	shalt  }
0x57: {  	_ =	shalt  }
0x58: {  	_ =	shalt  }
0x59: {  	_ =	shalt  }
0x5a: {  	_ =	shalt  }
0x5b: {  	_ =	shalt  }
0x5c: {  	_ =	shalt  }
0x5d: {  	_ =	shalt  }
0x5e: {  	_ =	shalt  }
0x5f: {  	_ =	shalt  }
0x60: {  	_ =	shalt  }
0x61: {  	_ =	shalt  }
0x62: {  	_ =	shalt  }
0x63: {  	_ =	shalt  }
0x64: {  	_ =	shalt  }
0x65: {  	_ =	shalt  }
0x66: {  	_ =	shalt  }
0x67: {  	_ =	shalt  }
0x68: {  	_ =	shalt  }
0x69: {  	_ =	shalt  }
0x6a: {  	_ =	shalt  }
0x6b: {  	_ =	shalt  }
0x6c: {  	_ =	shalt  }
0x6d: {  	_ =	shalt  }
0x6e: {  	_ =	shalt  }
0x6f: {  	_ =	shalt  }
0x70: {  	_ =	shalt  }
0x71: {  	_ =	shalt  }
0x72: {  	_ =	shalt  }
0x73: {  	_ =	shalt  }
0x74: {  	_ =	shalt  }
0x75: {  	_ =	shalt  }
0x76: {  	_ =	shalt  }
0x77: {  	_ =	shalt  }
0x78: {  	_ =	shalt  }
0x79: {  	_ =	shalt  }
0x7a: {  	_ =	shalt  }
0x7b: {  	_ =	shalt  }
0x7c: {  	_ =	shalt  }
0x7d: {  	_ =	shalt  }
0x7e: {  	_ =	shalt  }
0x7f: {  	_ =	shalt  }
0x80: {  	_ =	shalt  }
0x81: {  	_ =	shalt  }
0x82: {  	_ =	shalt  }
0x83: {  	_ =	shalt  }
0x84: {  	_ =	shalt  }
0x85: {  	_ =	shalt  }
0x86: {  	_ =	shalt  }
0x87: {  	_ =	shalt  }
.Lfunc_end0:
.L_simem_size_0:
called_computation_lowered:
.L_overlay_start_0:
0x88: {  	s2 =	sld [smem:$0x3FD9]  }
0x89: {  	s3 =	sld [smem:$0x3FFE];
	_ =	sdelay $0x1  }
0x8a: {  	s1 =	srdreg.scid  }
0x8b: {  	s0 =	sand.u32 $0x1, s1  }
0x8c: {  	s17 =	sshll.u32 s0, $0xA;
	s2 =	sadd.s32 s3, s2  }
0x8d: {  	s2 =	sadd.s32 s2, s17  }
0x8e: {  	[smem:$0x3FBE] =	sst s2  }
0x8f: {  	_ = 	snop  }
0x90: {  	s2 =	sld [smem:$0x3FC9]  }
0x91: {  	s18 =	sld [smem:$0x3FC8]  }
0x92: {  	s4 =	sld [smem:$0x3FC7]  }
0x93: {  	s5 =	sld [smem:$0x3FC6]  }
0x94: {  	s6 =	sld [smem:$0x3FD0];
	(tm) =	ssettm $0x1  }
0x95: {  	s7 =	sld [smem:$0x3FFB];
	_ =	sdelay $0x3  }
0x96: {  	_ =	strace s7  }
0x97: {  	s7 =	sld [smem:$0x3FFC];
	_ =	sdelay $0x3  }
0x98: {  	_ =	strace s7  }
0x99: {  	s7 =	sld [smem:$0x3FFD];
	_ =	sdelay $0x3  }
0x9a: {  	_ =	strace s7  }
0x9b: {  	_ =	strace $0x8FFFFFFF  }
0x9c: {  	s19 =	sld [smem:$0x3FDB];
	_ =	sdelay $0x1  }
0x9d: {  	s8 =	simm.s32 $_scs_section_size  }
0x9e: {  	s9 =	simm.s32 $_size__tile_overlayer_lowered;
	s10 =	simm.s32 $_tile_overlayer_lowered  }
0x9f: {  	s22 =	simm.s32 $0x1BFF;
	s21 =	sshll.u32 s10, $0x1;
	s7 =	sadd.s32 s8, s19  }
0xa0: {  	s11 =	simm.s32 $0x0;
	s20 =	sshll.u32 s9, $0x1;
	s9 =	sadd.s32 s21, s7  }
0xa1: {  	[timem:s11], [sflag:s22] =	dma.local [hbm:s9], s20  }
0xa2: {  	_ =	swait.ge [sflag:s22], s20  }
0xa3: {  	s8 =	ssub.s32 $0x0, s20;
	[sflag:s22] =	ssyncset.done $0x0  }
0xa4: {  	[sflag:s22] =	ssyncadd.s32 s8;
	_ =	sdelay $0x1  }
0xa5: {  	s23 =	simm.s32 $0x1B8B  }
0xa6: {  	_ =	swait.ge [sflag:s23], $0x1  }
0xa7: {  	[sflag:s23] =	ssyncset.done $0x0  }
0xa8: {  	s25 =	simm.s32 $0x1B8E;
	s24 =	sld [smem:$0x3FFE];
	[sflag:s23] =	ssyncadd.s32 $0xFFFFFFFF  }
0xa9: {  	s26 =	simm.s32 $execute0_lowered;
	[smem:$0x3FD2] =	sst s25  }
0xaa: {  	s9 =	sshll.u32 s26, $0x1;
	_ =	strace $0x80000046;
	[dreg:$0x1] =	wrdreg $0xFFFFFFFF  }
0xab: {  	s28 =	simm.s32 $_size_execute0_lowered;
	s7 =	sadd.s32 s7, s9;
	[dreg:$0x0] =	wrdreg $0x0  }
0xac: {  	s9 =	sshll.u32 s28, $0x1;
	[dreg:$0x2] =	wrdreg s7  }
0xad: {  	[dreg:$0x3] =	wrdreg s9  }
0xae: {  	[dreg:$0x4] =	wrdreg $0xC0  }
0xaf: {  	_ =	task [dreg:s11], $0x5FFFF  }
0xb0: {  	[dreg:$0x1] =	wrdreg $0xFFFFFFFF  }
0xb1: {  	[dreg:$0x0] =	wrdreg $0x60  }
0xb2: {  	[dreg:$0x2] =	wrdreg s2  }
0xb3: {  	[dreg:$0x3] =	wrdreg s18  }
0xb4: {  	[dreg:$0x4] =	wrdreg s4  }
0xb5: {  	[dreg:$0x5] =	wrdreg s5  }
0xb6: {  	[dreg:$0x6] =	wrdreg s24  }
0xb7: {  	[dreg:$0x7] =	wrdreg s6  }
0xb8: {  	[dreg:$0x8] =	wrdreg $0x9  }
0xb9: {  	_ =	task.clear_ibuf [dreg:s11], $0x9FFFF;
	_ =	strace $0x90000046  }
0xba: {  	s29 =	simm.s32 $0x9;
	_ =	strace $0x80000048  }
0xbb: {  	_ =	swait.ge [sflag:s29], $0x1  }
0xbc: {  	[sflag:s29] =	ssyncadd.s32 $0xFFFFFFFF  }
0xbd: {  	_ =	strace $0x90000048  }
0xbe: {  	_ =	sfence  }
0xbf: {  	s30 =	sld [smem:$0x0];
	_ =	sdelay $0x2  }
0xc0: {  	s31 =	sshll.u32 s1, $0xD;
	s1 =	sshrl.u32 s1, $0x2  }
0xc1: {  	s3 =	sand.u32 $0x4000, s31;
	s1 =	sadd.s32 s1, s30  }
0xc2: {  	s0 =	sor.u32 s3, s0;
	s1 =	sshll.u32 s1, $0x11  }
0xc3: {  	s0 =	sor.u32 s1, s0  }
0xc4: {  	s0 =	sadd.s32 $0x8F2B, s0  }
0xc5: {  	[sflag:s0] =	ssyncadd.remote.s32 $0x1  }
0xc6: {  	_ =	sfence.sel $0xFFFF  }
0xc7: {  	[dreg:$0x0] =	wrdreg $0xFFFFFFFF;
	(pc) =	sbr.abs _section_cstart, $3  }
0xc8: {  	[dreg:$0x1] =	wrdreg $0xFFFFFFFF  }
0xc9: {  	_ =	task.clear_ibuf [dreg:s11], $0x2FFFF;
	_ =	strace $0x9FFFFFFF  }
0xca: {  	(tm) =	ssettm $0x7FFFFFFF  }
0xcb: {  	_ =	shalt  }
tec
execute0_lowered:
.L_overlay_start_1:
0x0: {  	(tag) =	ssettag $0x1  }
0x1: {  	s0 =	rddreg [dreg:$0x0]  }
0x2: {  	s1 =	rddreg [dreg:$0x1]  }
0x3: {  	s5 =	rddreg [dreg:$0x2]  }
0x4: {  	s6 =	rddreg [dreg:$0x3]  }
0x5: {  	s7 =	rddreg [dreg:$0x4]  }
0x6: {  	s8 =	rddreg [dreg:$0x5];
	s3 =	srdreg.scid;
	s2 =	simm.s32 $0x0  }
0x7: {  	s4 =	stileid.u32;
	s14 =	simm.s32 $0x7A00;
	s16 =	simm.s32 $0xC200  }
0x8: {  	s17 =	simm.s32 $0xCA00;
	s18 =	simm.s32 $0xD200;
	s19 =	simm.s32 $0xDA00  }
0x9: {  	s20 =	simm.s32 $0xE200;
	s21 =	simm.s32 $0xEA00;
	s22 =	simm.s32 $0xF200  }
0xa: {  	s23 =	simm.s32 $0xFA00;
	s28 =	simm.s32 $0x14200;
	s29 =	simm.s32 $0x2  }
0xb: {  	s3 =	sand.u32 $0x1, s3;
	[smem:$0x7FF] =	sst s2;
	s4 =	sshll.u32 s4, $0x8  }
0xc: {  	s9 =	sshll.u32 s3, $0x7;
	_ =	strace $0x80000047;
	s10 =	ssub.s32 $0x2, s3  }
0xd: {  	s3 =	sadd.s32 $0x1E00, s7;
	s9 =	sor.u32 s9, s4;
	s11 =	sshrl.u32 s10, $0x1  }
0xe: {  	s4 =	sadd.s32 $0xCA00, s7;
	s12 =	sshrl.u32 s9, $0x3;
	s13 =	ssub.s32 s10, s11  }
0xf: {  	s26 =	sshll.u32 s9, $0x6;
	s9 =	sadd.s32 $0x1F00, s7;
	s11 =	sadd.s32 $0xCB00, s7  }
0x10: {  	s7 =	simm.s32 $0x6200;
	s0 =	sadd.s32 s0, s12;
	s24 =	sadd.s32 s1, s12  }
0x11: {  	s25 =	sadd.s32 s5, s12;
	s30 =	sadd.s32 s6, s12;
	[dreg:$0x7] =	wrdreg s0  }
.Ltmp0:
0x12: {  	s10 =	sadd.s32 s8, s26;
	[dreg:$0x8] =	wrdreg s24;
	(pc) =	sbr.rel .LBB2_1-.Ltmp0, $4  }
0x13: {  	s31 =	smax.u32 s13, $0x1;
	s6 =	simm.s32 $0x5A00;
	[dreg:$0x9] =	wrdreg s25  }
0x14: {  	v2 =	vlaneseq.u32;
	s8 =	simm.s32 $0x6A00;
	s12 =	simm.s32 $0x7200;
	[dreg:$0xa] =	wrdreg s30  }
0x15: {  	vm0 =	vmmov $0xffff;
	v1 =	vshrl.u32 v2, $0x3;
	s26 =	simm.s32 $0x10200;
	s5 =	simm.s32 $0x0;
	[dreg:$0xb] =	wrdreg s31  }
0x16: {  	v0 =	vand.u32 $0x7, v2;
	v2 =	vor.u32 $0x8, v2;
	v1 =	vmul.u32 $0x8, v1;
	s13 =	sadd.s32 $0x800, s10;
	s24 =	simm.s32 $0x1;
	s25 =	simm.s32 $0x3  }
.LBB2_11:
0x17: {  	s0 =	simm.s32 $0x5  }
0x18: {  	_ =	swait.ge [sflag:s0], $0x4000  }
0x19: {  	[sflag:s0] =	ssyncset.done $0x0  }
0x1a: {  	s1 =	simm.s32 $0x6;
	[sflag:s0] =	ssyncadd.s32 $0xFFFFC000  }
0x1b: {  	_ =	swait.ge [sflag:s1], $0x4000  }
0x1c: {  	s5 =	rddreg [dreg:$0xc]  }
0x1d: {  	s31 =	rddreg [dreg:$0xb];
	s5 =	sadd.s32 $0x1, s5  }
0x1e: {  	p0 =	sne.s32 s5, s31  }
.Ltmp1:
0x1f: {  	_ = 	snop;
	(pc) =	sbr.rel @!p0 .LBB2_12-.Ltmp1, $3  }
0x20: {  	_ =	sdelay $0x1  }
0x21: {  	[sflag:s1] =	ssyncset.done $0x0  }
0x22: {  	[sflag:s1] =	ssyncadd.s32 $0xFFFFC000  }
.LBB2_1:
0x23: {  	[dreg:$0xc] =	wrdreg s5  }
0x24: {  	s0 =	rddreg [dreg:$0x7];
	s1 =	simm.s32 $0x7  }
0x25: {  	[tilespmem:s2], [sflag:$0x7] =	stream.linear.gather [hbm4b:s0+s2], $0x80, $0x38;
	[tilespmem:$0x18200] =	vst v63  }
0x26: {  	_ =	swait.ge [sflag:s1], $0x80  }
0x27: {  	[sflag:s1] =	ssyncset.done $0x0  }
0x28: {  	s5 =	simm.s32 $0x80;
	s31 =	rddreg [dreg:$0x8];
	[sflag:s1] =	ssyncadd.s32 $0xFFFFFF80  }
0x29: {  	[tilespmem:s5], [sflag:$0x7] =	stream.linear.gather [hbm4b:s31+s2], $0x80, $0x38;
	[tilespmem:$0x18200] =	vst v63  }
0x2a: {  	_ =	swait.ge [sflag:s1], $0x80  }
0x2b: {  	[sflag:s1] =	ssyncset.done $0x0  }
0x2c: {  	[sflag:s1] =	ssyncadd.s32 $0xFFFFFF80  }
0x2d: {  	v3 =	vld [tilespmem:$0x0]  }
0x2e: {  	v4 =	vld [tilespmem:$0x80]  }
0x2f: {  	v5 =	vld [tilespmem:$0x10]  }
0x30: {  	v6 =	vld [tilespmem:$0x90]  }
0x31: {  	v7 =	vld [tilespmem:$0x20]  }
0x32: {  	v8 =	vld [tilespmem:$0xA0]  }
0x33: {  	v9 =	vld [tilespmem:$0x30]  }
0x34: {  	v10 =	vld [tilespmem:$0xB0]  }
0x35: {  	v11 =	vld [tilespmem:$0x40]  }
0x36: {  	v12 =	vld [tilespmem:$0xC0]  }
0x37: {  	v13 =	vld [tilespmem:$0x50]  }
0x38: {  	v14 =	vld [tilespmem:$0xD0];
	v3 =	vmul.u32 $0x13, v3  }
0x39: {  	v15 =	vld [tilespmem:$0x60];
	v5 =	vmul.u32 $0x13, v5  }
0x3a: {  	v28 =	vld [tilespmem:$0x70];
	v27 =	vmul.u32 $0x13, v7;
	v3 =	vadd.s32 v4, v3  }
0x3b: {  	v30 =	vld [tilespmem:$0xE0];
	v29 =	vmul.u32 $0x13, v9;
	[tilespmem:$0x100] =	vst v3;
	v3 =	vadd.s32 v6, v5  }
0x3c: {  	v32 =	vld [tilespmem:$0xF0];
	v31 =	vmul.u32 $0x13, v11;
	[tilespmem:$0x110] =	vst v3;
	v3 =	vadd.s32 v8, v27  }
0x3d: {  	v33 =	vmul.u32 $0x13, v13;
	[tilespmem:$0x120] =	vst v3;
	v3 =	vadd.s32 v10, v29  }
0x3e: {  	v34 =	vmul.u32 $0x13, v15;
	[tilespmem:$0x130] =	vst v3;
	v3 =	vadd.s32 v12, v31  }
0x3f: {  	v35 =	vmul.u32 $0x13, v28;
	[tilespmem:$0x140] =	vst v3;
	v3 =	vadd.s32 v14, v33  }
0x40: {  	[tilespmem:$0x150] =	vst v3;
	v3 =	vadd.s32 v30, v34  }
0x41: {  	[tilespmem:$0x160] =	vst v3;
	v3 =	vadd.s32 v32, v35  }
0x42: {  	s15 =	rddreg [dreg:$0x9];
	[tilespmem:$0x170] =	vst v3  }
0x43: {  	[tilespmem:s2], [sflag:$0x7] =	stream.linear.gather [hbm4b:s15+s2], $0x80, $0x38;
	[tilespmem:$0x18200] =	vst v63  }
0x44: {  	_ =	swait.ge [sflag:s1], $0x80  }
0x45: {  	[sflag:s1] =	ssyncset.done $0x0  }
0x46: {  	s31 =	rddreg [dreg:$0xa];
	[sflag:s1] =	ssyncadd.s32 $0xFFFFFF80  }
0x47: {  	[tilespmem:s5], [sflag:$0x7] =	stream.linear.gather [hbm4b:s31+s2], $0x80, $0x38;
	[tilespmem:$0x18200] =	vst v63  }
0x48: {  	_ =	swait.ge [sflag:s1], $0x80  }
0x49: {  	[sflag:s1] =	ssyncset.done $0x0  }
0x4a: {  	[sflag:s1] =	ssyncadd.s32 $0xFFFFFF80  }
0x4b: {  	v3 =	vld [tilespmem:$0x0]  }
0x4c: {  	v36 =	vld [tilespmem:$0x80]  }
0x4d: {  	v37 =	vld [tilespmem:$0x10]  }
0x4e: {  	v38 =	vld [tilespmem:$0x90]  }
0x4f: {  	v39 =	vld [tilespmem:$0x20]  }
0x50: {  	v40 =	vld [tilespmem:$0xA0]  }
0x51: {  	v41 =	vld [tilespmem:$0x30]  }
0x52: {  	v42 =	vld [tilespmem:$0xB0]  }
0x53: {  	v43 =	vld [tilespmem:$0x100]  }
0x54: {  	v44 =	vld [tilespmem:$0x40]  }
0x55: {  	v45 =	vld [tilespmem:$0xC0]  }
0x56: {  	v46 =	vld [tilespmem:$0x50]  }
0x57: {  	v47 =	vld [tilespmem:$0xD0]  }
0x58: {  	v48 =	vld [tilespmem:$0x60];
	v3 =	vshll.u32 v3, $0x4;
	v16 =	vshll.u32 v43, $0x2;
	v5 =	vshll.u32 v37, $0x4  }
0x59: {  	v17 =	vld [tilespmem:$0xE0];
	v11 =	vand.u32 $0x7, v43;
	v3 =	vadd.s32 v36, v3;
	v16 =	vand.u32 $0xFFFFFFE0, v16  }
0x5a: {  	v51 =	vld [tilespmem:$0x70];
	v49 =	vshll.u32 v39, $0x4;
	[tilespmem:$0x180] =	vst v3;
	v3 =	vadd.s32 v38, v5;
	v50 =	vor.u32 v11, v16  }
0x5b: {  	v53 =	vld [tilespmem:$0xF0];
	v52 =	vshll.u32 v41, $0x4;
	[tilespmem:$0x190] =	vst v3;
	v3 =	vadd.s32 v40, v49;
	v54 =	vperm.xlane v50, v0  }
0x5c: {  	v55 =	vshll.u32 v44, $0x4;
	[tilespmem:$0x1A0] =	vst v3;
	v3 =	vadd.s32 v42, v52  }
0x5d: {  	v56 =	vshll.u32 v46, $0x4;
	[tilespmem:$0x1B0] =	vst v3;
	v3 =	vadd.s32 v45, v55;
	v9 =	vadd.s32 v1, v54  }
0x5e: {  	v4 =	vshll.u32 v48, $0x4;
	[tilespmem:$0x1C0] =	vst v3;
	v3 =	vadd.s32 v47, v56  }
0x5f: {  	v57 =	vshll.u32 v51, $0x4;
	v58 =	vperm.xlane v50, v2;
	[tilespmem:$0x1D0] =	vst v3;
	v3 =	vadd.s32 v17, v4  }
0x60: {  	[tilespmem:$0x1E0] =	vst v3;
	v3 =	vadd.s32 v53, v57  }
0x61: {  	s5 =	simm.s32 $0x200;
	[tilespmem:$0x1F0] =	vst v3;
	v3 =	vadd.s32 v1, v58  }
0x62: {  	[tilespmem:s5], [sflag:$0x1] =	stream.indirect_vreg.gather [hbm4b:s3+s2], $0x80, v9, vm0, $0xb8;
	[tilespmem:$0x18200] =	vst v63  }
0x63: {  	s15 =	simm.s32 $0xA00  }
0x64: {  	[tilespmem:s15], [sflag:$0x1] =	stream.indirect_vreg.gather [hbm4b:s9+s2], $0x80, v9, vm0, $0xb8;
	[tilespmem:$0x18200] =	vst v63  }
0x65: {  	s31 =	simm.s32 $0x1200  }
0x66: {  	[tilespmem:s31], [sflag:$0x1] =	stream.indirect_vreg.gather [hbm4b:s3+s2], $0x80, v3, vm0, $0xb8;
	[tilespmem:$0x18200] =	vst v63  }
0x67: {  	s1 =	simm.s32 $0x1A00  }
0x68: {  	[tilespmem:s1], [sflag:$0x1] =	stream.indirect_vreg.gather [hbm4b:s9+s2], $0x80, v3, vm0, $0xb8;
	[tilespmem:$0x18200] =	vst v63  }
0x69: {  	v3 =	vld [tilespmem:$0x110];
	_ =	sdelay $0x4  }
0x6a: {  	v59 =	vshll.u32 v3, $0x2  }
0x6b: {  	v3 =	vand.u32 $0x7, v3;
	v4 =	vand.u32 $0xFFFFFFE0, v59  }
0x6c: {  	v3 =	vor.u32 v3, v4  }
0x6d: {  	v4 =	vperm.xlane v3, v0;
	_ =	sdelay $0x1  }
0x6e: {  	v4 =	vadd.s32 v1, v4;
	_ =	sdelay $0x1  }
0x6f: {  	v3 =	vperm.xlane v3, v2;
	_ =	sdelay $0x1  }
0x70: {  	s5 =	simm.s32 $0x2200;
	v3 =	vadd.s32 v1, v3  }
0x71: {  	[tilespmem:s5], [sflag:$0x1] =	stream.indirect_vreg.gather [hbm4b:s3+s2], $0x80, v4, vm0, $0xb8;
	[tilespmem:$0x18200] =	vst v63  }
0x72: {  	s15 =	simm.s32 $0x2A00  }
0x73: {  	[tilespmem:s15], [sflag:$0x1] =	stream.indirect_vreg.gather [hbm4b:s9+s2], $0x80, v4, vm0, $0xb8;
	[tilespmem:$0x18200] =	vst v63  }
0x74: {  	s31 =	simm.s32 $0x3200  }
0x75: {  	[tilespmem:s31], [sflag:$0x1] =	stream.indirect_vreg.gather [hbm4b:s3+s2], $0x80, v3, vm0, $0xb8;
	[tilespmem:$0x18200] =	vst v63  }
0x76: {  	s1 =	simm.s32 $0x3A00  }
0x77: {  	[tilespmem:s1], [sflag:$0x1] =	stream.indirect_vreg.gather [hbm4b:s9+s2], $0x80, v3, vm0, $0xb8;
	[tilespmem:$0x18200] =	vst v63  }
0x78: {  	v3 =	vld [tilespmem:$0x180];
	_ =	sdelay $0x4  }
0x79: {  	v60 =	vshll.u32 v3, $0x2  }
0x7a: {  	v3 =	vand.u32 $0x7, v3;
	v4 =	vand.u32 $0xFFFFFFE0, v60  }
0x7b: {  	v3 =	vor.u32 v3, v4  }
0x7c: {  	v4 =	vperm.xlane v3, v0;
	_ =	sdelay $0x1  }
0x7d: {  	v4 =	vadd.s32 v1, v4;
	_ =	sdelay $0x1  }
0x7e: {  	v3 =	vperm.xlane v3, v2;
	_ =	sdelay $0x1  }
0x7f: {  	s5 =	simm.s32 $0x8200;
	v3 =	vadd.s32 v1, v3  }
0x80: {  	[tilespmem:s5], [sflag:$0x3] =	stream.indirect_vreg.gather [hbm4b:s4+s2], $0x80, v4, vm0, $0xb8;
	[tilespmem:$0x18200] =	vst v63  }
0x81: {  	s15 =	simm.s32 $0x8A00  }
0x82: {  	[tilespmem:s15], [sflag:$0x3] =	stream.indirect_vreg.gather [hbm4b:s11+s2], $0x80, v4, vm0, $0xb8;
	[tilespmem:$0x18200] =	vst v63  }
0x83: {  	s31 =	simm.s32 $0x9200  }
0x84: {  	[tilespmem:s31], [sflag:$0x3] =	stream.indirect_vreg.gather [hbm4b:s4+s2], $0x80, v3, vm0, $0xb8;
	[tilespmem:$0x18200] =	vst v63  }
0x85: {  	s1 =	simm.s32 $0x9A00  }
0x86: {  	[tilespmem:s1], [sflag:$0x3] =	stream.indirect_vreg.gather [hbm4b:s11+s2], $0x80, v3, vm0, $0xb8;
	[tilespmem:$0x18200] =	vst v63  }
0x87: {  	v3 =	vld [tilespmem:$0x190];
	_ =	sdelay $0x4  }
0x88: {  	v61 =	vshll.u32 v3, $0x2  }
0x89: {  	v3 =	vand.u32 $0x7, v3;
	v4 =	vand.u32 $0xFFFFFFE0, v61  }
0x8a: {  	v3 =	vor.u32 v3, v4  }
0x8b: {  	v4 =	vperm.xlane v3, v0;
	_ =	sdelay $0x1  }
0x8c: {  	v4 =	vadd.s32 v1, v4;
	_ =	sdelay $0x1  }
0x8d: {  	v3 =	vperm.xlane v3, v2;
	_ =	sdelay $0x1  }
0x8e: {  	s5 =	simm.s32 $0xA200;
	v3 =	vadd.s32 v1, v3  }
0x8f: {  	[tilespmem:s5], [sflag:$0x3] =	stream.indirect_vreg.gather [hbm4b:s4+s2], $0x80, v4, vm0, $0xb8;
	[tilespmem:$0x18200] =	vst v63  }
0x90: {  	s15 =	simm.s32 $0xAA00  }
0x91: {  	[tilespmem:s15], [sflag:$0x3] =	stream.indirect_vreg.gather [hbm4b:s11+s2], $0x80, v4, vm0, $0xb8;
	[tilespmem:$0x18200] =	vst v63  }
0x92: {  	s31 =	simm.s32 $0xB200  }
0x93: {  	[tilespmem:s31], [sflag:$0x3] =	stream.indirect_vreg.gather [hbm4b:s4+s2], $0x80, v3, vm0, $0xb8;
	[tilespmem:$0x18200] =	vst v63  }
0x94: {  	s1 =	simm.s32 $0xBA00  }
0x95: {  	[tilespmem:s1], [sflag:$0x3] =	stream.indirect_vreg.gather [hbm4b:s11+s2], $0x80, v3, vm0, $0xb8;
	[tilespmem:$0x18200] =	vst v63  }
0x96: {  	v3 =	vld [tilespmem:$0x120];
	_ =	sdelay $0x4  }
0x97: {  	v62 =	vshll.u32 v3, $0x2  }
0x98: {  	v3 =	vand.u32 $0x7, v3;
	v4 =	vand.u32 $0xFFFFFFE0, v62  }
0x99: {  	v3 =	vor.u32 v3, v4  }
0x9a: {  	v4 =	vperm.xlane v3, v0;
	_ =	sdelay $0x1  }
0x9b: {  	v4 =	vadd.s32 v1, v4;
	_ =	sdelay $0x1  }
0x9c: {  	v3 =	vperm.xlane v3, v2;
	_ =	sdelay $0x1  }
0x9d: {  	s5 =	simm.s32 $0x4200;
	v3 =	vadd.s32 v1, v3  }
0x9e: {  	[tilespmem:s5], [sflag:$0x2] =	stream.indirect_vreg.gather [hbm4b:s3+s2], $0x80, v4, vm0, $0xb8;
	[tilespmem:$0x18200] =	vst v63  }
0x9f: {  	s15 =	simm.s32 $0x4A00  }
0xa0: {  	[tilespmem:s15], [sflag:$0x2] =	stream.indirect_vreg.gather [hbm4b:s9+s2], $0x80, v4, vm0, $0xb8;
	[tilespmem:$0x18200] =	vst v63  }
0xa1: {  	s31 =	simm.s32 $0x5200  }
0xa2: {  	[tilespmem:s31], [sflag:$0x2] =	stream.indirect_vreg.gather [hbm4b:s3+s2], $0x80, v3, vm0, $0xb8;
	[tilespmem:$0x18200] =	vst v63  }
0xa3: {  	_ = 	snop  }
0xa4: {  	[tilespmem:s6], [sflag:$0x2] =	stream.indirect_vreg.gather [hbm4b:s9+s2], $0x80, v3, vm0, $0xb8;
	[tilespmem:$0x18200] =	vst v63  }
0xa5: {  	v3 =	vld [tilespmem:$0x130];
	_ =	sdelay $0x4  }
0xa6: {  	v63 =	vshll.u32 v3, $0x2  }
0xa7: {  	v3 =	vand.u32 $0x7, v3;
	v4 =	vand.u32 $0xFFFFFFE0, v63  }
0xa8: {  	v3 =	vor.u32 v3, v4  }
0xa9: {  	v4 =	vperm.xlane v3, v0;
	_ =	sdelay $0x1  }
0xaa: {  	v4 =	vadd.s32 v1, v4;
	_ =	sdelay $0x1  }
0xab: {  	v3 =	vperm.xlane v3, v2;
	_ =	sdelay $0x1  }
0xac: {  	v3 =	vadd.s32 v1, v3  }
0xad: {  	[tilespmem:s7], [sflag:$0x2] =	stream.indirect_vreg.gather [hbm4b:s3+s2], $0x80, v4, vm0, $0xb8;
	[tilespmem:$0x18200] =	vst v63  }
0xae: {  	_ = 	snop  }
0xaf: {  	[tilespmem:s8], [sflag:$0x2] =	stream.indirect_vreg.gather [hbm4b:s9+s2], $0x80, v4, vm0, $0xb8;
	[tilespmem:$0x18200] =	vst v63  }
0xb0: {  	p0 =	por $0x1, $0x1  }
0xb1: {  	[tilespmem:s12], [sflag:$0x2] =	stream.indirect_vreg.gather [hbm4b:s3+s2], $0x80, v3, vm0, $0xb8;
	[tilespmem:$0x18200] =	vst v63  }
0xb2: {  	s30 =	simm.s32 $0x0;
	s0 =	simm.s32 $0x1B0;
	s1 =	simm.s32 $0x1A0  }
0xb3: {  	[tilespmem:s14], [sflag:$0x2] =	stream.indirect_vreg.gather [hbm4b:s9+s2], $0x80, v3, vm0, $0xb8;
	[tilespmem:$0x18200] =	vst v63  }
.LBB2_2:
0xb4: {  	v3 =	vld [tilespmem:s1+$0x0];
	_ =	sdelay $0x4  }
0xb5: {  	v4 =	vshll.u32 v3, $0x2  }
0xb6: {  	v3 =	vand.u32 $0x7, v3;
	v4 =	vand.u32 $0xFFFFFFE0, v4  }
0xb7: {  	v3 =	vor.u32 v3, v4  }
0xb8: {  	v4 =	vperm.xlane v3, v0;
	_ =	sdelay $0x1  }
0xb9: {  	v4 =	vadd.s32 v1, v4;
	_ =	sdelay $0x1  }
0xba: {  	v3 =	vperm.xlane v3, v2;
	_ =	sdelay $0x1  }
0xbb: {  	v3 =	vadd.s32 v1, v3  }
0xbc: {  	[tilespmem:s16], [sflag:$0x4] =	stream.indirect_vreg.gather [hbm4b:s4+s2], $0x80, v4, vm0, $0xb8;
	[tilespmem:$0x18200] =	vst v63  }
0xbd: {  	_ = 	snop  }
0xbe: {  	[tilespmem:s17], [sflag:$0x4] =	stream.indirect_vreg.gather [hbm4b:s11+s2], $0x80, v4, vm0, $0xb8;
	[tilespmem:$0x18200] =	vst v63  }
0xbf: {  	_ = 	snop  }
0xc0: {  	[tilespmem:s18], [sflag:$0x4] =	stream.indirect_vreg.gather [hbm4b:s4+s2], $0x80, v3, vm0, $0xb8;
	[tilespmem:$0x18200] =	vst v63  }
0xc1: {  	_ = 	snop  }
0xc2: {  	[tilespmem:s19], [sflag:$0x4] =	stream.indirect_vreg.gather [hbm4b:s11+s2], $0x80, v3, vm0, $0xb8;
	[tilespmem:$0x18200] =	vst v63  }
0xc3: {  	v3 =	vld [tilespmem:s0+$0x0];
	_ =	sdelay $0x4  }
0xc4: {  	v4 =	vshll.u32 v3, $0x2  }
0xc5: {  	v3 =	vand.u32 $0x7, v3;
	v4 =	vand.u32 $0xFFFFFFE0, v4  }
0xc6: {  	v3 =	vor.u32 v3, v4  }
0xc7: {  	v4 =	vperm.xlane v3, v0;
	_ =	sdelay $0x1  }
0xc8: {  	v4 =	vadd.s32 v1, v4;
	_ =	sdelay $0x1  }
0xc9: {  	v3 =	vperm.xlane v3, v2;
	_ =	sdelay $0x1  }
0xca: {  	v3 =	vadd.s32 v1, v3  }
0xcb: {  	[tilespmem:s20], [sflag:$0x4] =	stream.indirect_vreg.gather [hbm4b:s4+s2], $0x80, v4, vm0, $0xb8;
	[tilespmem:$0x18200] =	vst v63  }
0xcc: {  	_ = 	snop  }
0xcd: {  	[tilespmem:s21], [sflag:$0x4] =	stream.indirect_vreg.gather [hbm4b:s11+s2], $0x80, v4, vm0, $0xb8;
	[tilespmem:$0x18200] =	vst v63  }
0xce: {  	_ = 	snop  }
0xcf: {  	[tilespmem:s22], [sflag:$0x4] =	stream.indirect_vreg.gather [hbm4b:s4+s2], $0x80, v3, vm0, $0xb8;
	[tilespmem:$0x18200] =	vst v63  }
0xd0: {  	_ = 	snop  }
0xd1: {  	[tilespmem:s23], [sflag:$0x4] =	stream.indirect_vreg.gather [hbm4b:s11+s2], $0x80, v3, vm0, $0xb8;
	[tilespmem:$0x18200] =	vst v63  }
0xd2: {  	_ =	swait.ge [sflag:s24], $0x4000  }
0xd3: {  	[sflag:s24] =	ssyncset.done $0x0  }
0xd4: {  	[sflag:s24] =	ssyncadd.s32 $0xFFFFC000  }
0xd5: {  	_ =	swait.ge [sflag:s25], $0x4000  }
0xd6: {  	[sflag:s25] =	ssyncset.done $0x0  }
0xd7: {  	s0 =	simm.s32 @!p0 $0x5;
	[sflag:s25] =	ssyncadd.s32 $0xFFFFC000  }
0xd8: {  	s5 =	simm.s32 $0x0;
	_ =	swait.ge @!p0 [sflag:s0], $0x4000  }
0xd9: {  	s15 =	sand.u32 $0x3000, s5;
	s1 =	sand.u32 $0x380, s5;
	[sflag:s0] =	ssyncset.done @!p0 $0x0  }
0xda: {  	s31 =	sor.u32 s1, s15;
	[sflag:s0] =	ssyncadd.s32 @!p0 $0xFFFFC000  }
0xdb: {  	v3 =	vld [tilespmem:s31+$0xE70]  }
0xdc: {  	v4 =	vld [tilespmem:s31+$0x8E70]  }
0xdd: {  	v5 =	vld [tilespmem:s31+$0x200]  }
0xde: {  	v6 =	vld [tilespmem:s31+$0x8200]  }
0xdf: {  	v7 =	vld [tilespmem:s31+$0x210]  }
0xe0: {  	v8 =	vld [tilespmem:s31+$0x8210];
	_ =	sdelay $0x1  }
0xe1: {  	v9 =	vld [tilespmem:s31+$0x220]  }
0xe2: {  	v10 =	vld [tilespmem:s31+$0x230]  }
0xe3: {  	v3 =	vadd.f32 v4, v3;
	v4 =	vld [tilespmem:s31+$0x8220]  }
0xe4: {  	v5 =	vadd.f32 v6, v5;
	v6 =	vld [tilespmem:s31+$0x8230];
	v7 =	vadd.f32 v8, v7  }
0xe5: {  	v8 =	vld [tilespmem:s31+$0x250];
	v3 =	vmax.f32 v3, $0.0e+00  }
0xe6: {  	v7 =	vmax.f32 v7, $0.0e+00;
	[tilespmem:s31+$0x10E70] =	vst v3;
	v3 =	vmax.f32 v5, $0.0e+00;
	v5 =	vld [tilespmem:s31+$0x240]  }
0xe7: {  	[tilespmem:s31+$0x10210] =	vst v7;
	v7 =	vld [tilespmem:s31+$0x8250]  }
0xe8: {  	[tilespmem:s31+$0x10200] =	vst v3;
	v3 =	vld [tilespmem:s31+$0x8240];
	v4 =	vadd.f32 v4, v9  }
0xe9: {  	v9 =	vld [tilespmem:s31+$0x260];
	v6 =	vadd.f32 v6, v10  }
0xea: {  	v10 =	vld [tilespmem:s31+$0x270];
	v4 =	vmax.f32 v4, $0.0e+00  }
0xeb: {  	v6 =	vmax.f32 v6, $0.0e+00;
	[tilespmem:s31+$0x10220] =	vst v4;
	v4 =	vld [tilespmem:s31+$0x8260]  }
0xec: {  	[tilespmem:s31+$0x10230] =	vst v6;
	v6 =	vld [tilespmem:s31+$0x600];
	v7 =	vadd.f32 v7, v8  }
0xed: {  	v3 =	vadd.f32 v3, v5;
	v5 =	vld [tilespmem:s31+$0x8270]  }
0xee: {  	v8 =	vld [tilespmem:s31+$0x610];
	v7 =	vmax.f32 v7, $0.0e+00  }
0xef: {  	v3 =	vmax.f32 v3, $0.0e+00;
	[tilespmem:s31+$0x10250] =	vst v7;
	v7 =	vld [tilespmem:s31+$0x8610]  }
0xf0: {  	[tilespmem:s31+$0x10240] =	vst v3;
	v3 =	vld [tilespmem:s31+$0x8600];
	v4 =	vadd.f32 v4, v9  }
0xf1: {  	v9 =	vld [tilespmem:s31+$0x620]  }
0xf2: {  	v5 =	vadd.f32 v5, v10;
	v10 =	vld [tilespmem:s31+$0x630];
	v4 =	vmax.f32 v4, $0.0e+00  }
0xf3: {  	[tilespmem:s31+$0x10260] =	vst v4;
	v4 =	vld [tilespmem:s31+$0x8620]  }
0xf4: {  	v5 =	vmax.f32 v5, $0.0e+00;
	v7 =	vadd.f32 v7, v8;
	v8 =	vld [tilespmem:s31+$0x650]  }
0xf5: {  	v3 =	vadd.f32 v3, v6;
	[tilespmem:s31+$0x10270] =	vst v5;
	v5 =	vld [tilespmem:s31+$0x8630]  }
0xf6: {  	v6 =	vld [tilespmem:s31+$0x640];
	v7 =	vmax.f32 v7, $0.0e+00  }
0xf7: {  	v3 =	vmax.f32 v3, $0.0e+00;
	[tilespmem:s31+$0x10610] =	vst v7;
	v7 =	vld [tilespmem:s31+$0x8650]  }
0xf8: {  	[tilespmem:s31+$0x10600] =	vst v3;
	v3 =	vld [tilespmem:s31+$0x8640];
	v4 =	vadd.f32 v4, v9  }
0xf9: {  	v9 =	vld [tilespmem:s31+$0x660]  }
0xfa: {  	v5 =	vadd.f32 v5, v10;
	v10 =	vld [tilespmem:s31+$0x670];
	v4 =	vmax.f32 v4, $0.0e+00  }
0xfb: {  	[tilespmem:s31+$0x10620] =	vst v4;
	v4 =	vld [tilespmem:s31+$0x8660]  }
0xfc: {  	v5 =	vmax.f32 v5, $0.0e+00;
	v7 =	vadd.f32 v7, v8;
	v8 =	vld [tilespmem:s31+$0xA10]  }
0xfd: {  	v3 =	vadd.f32 v3, v6;
	[tilespmem:s31+$0x10630] =	vst v5;
	v5 =	vld [tilespmem:s31+$0x8670]  }
0xfe: {  	v6 =	vld [tilespmem:s31+$0xA00];
	v7 =	vmax.f32 v7, $0.0e+00  }
0xff: {  	v3 =	vmax.f32 v3, $0.0e+00;
	[tilespmem:s31+$0x10650] =	vst v7;
	v7 =	vld [tilespmem:s31+$0x8A10]  }
0x100: {  	[tilespmem:s31+$0x10640] =	vst v3;
	v3 =	vld [tilespmem:s31+$0x8A00];
	v4 =	vadd.f32 v4, v9  }
0x101: {  	v9 =	vld [tilespmem:s31+$0xA20]  }
0x102: {  	v5 =	vadd.f32 v5, v10;
	v10 =	vld [tilespmem:s31+$0xA30];
	v4 =	vmax.f32 v4, $0.0e+00  }
0x103: {  	[tilespmem:s31+$0x10660] =	vst v4;
	v4 =	vld [tilespmem:s31+$0x8A20]  }
0x104: {  	v5 =	vmax.f32 v5, $0.0e+00;
	v7 =	vadd.f32 v7, v8;
	v8 =	vld [tilespmem:s31+$0xA50]  }
0x105: {  	v3 =	vadd.f32 v3, v6;
	[tilespmem:s31+$0x10670] =	vst v5;
	v5 =	vld [tilespmem:s31+$0x8A30]  }
0x106: {  	v6 =	vld [tilespmem:s31+$0xA40];
	v7 =	vmax.f32 v7, $0.0e+00  }
0x107: {  	v3 =	vmax.f32 v3, $0.0e+00;
	[tilespmem:s31+$0x10A10] =	vst v7;
	v7 =	vld [tilespmem:s31+$0x8A50]  }
0x108: {  	[tilespmem:s31+$0x10A00] =	vst v3;
	v3 =	vld [tilespmem:s31+$0x8A40]  }
0x109: {  	v4 =	vadd.f32 v4, v9  }
0x10a: {  	v9 =	vld [tilespmem:s31+$0xA60]  }
0x10b: {  	v5 =	vadd.f32 v5, v10;
	v10 =	vld [tilespmem:s31+$0xA70];
	v4 =	vmax.f32 v4, $0.0e+00  }
0x10c: {  	[tilespmem:s31+$0x10A20] =	vst v4;
	v4 =	vld [tilespmem:s31+$0x8A60]  }
0x10d: {  	v5 =	vmax.f32 v5, $0.0e+00;
	v7 =	vadd.f32 v7, v8;
	v8 =	vld [tilespmem:s31+$0xE10];
	v3 =	vadd.f32 v3, v6  }
0x10e: {  	[tilespmem:s31+$0x10A30] =	vst v5;
	v5 =	vld [tilespmem:s31+$0x8A70]  }
0x10f: {  	v6 =	vld [tilespmem:s31+$0xE00];
	v3 =	vmax.f32 v3, $0.0e+00  }
0x110: {  	v7 =	vmax.f32 v7, $0.0e+00;
	[tilespmem:s31+$0x10A40] =	vst v3;
	v3 =	vld [tilespmem:s31+$0x8E00]  }
0x111: {  	[tilespmem:s31+$0x10A50] =	vst v7;
	v7 =	vld [tilespmem:s31+$0x8E10]  }
0x112: {  	v4 =	vadd.f32 v4, v9;
	v9 =	vld [tilespmem:s31+$0xE20]  }
0x113: {  	v5 =	vadd.f32 v5, v10;
	v10 =	vld [tilespmem:s31+$0x8E20]  }
0x114: {  	v11 =	vld [tilespmem:s31+$0xE30]  }
0x115: {  	v12 =	vld [tilespmem:s31+$0x8E30];
	v4 =	vmax.f32 v4, $0.0e+00;
	v3 =	vadd.f32 v3, v6  }
0x116: {  	[tilespmem:s31+$0x10A60] =	vst v4;
	v4 =	vmax.f32 v5, $0.0e+00;
	v6 =	vld [tilespmem:s31+$0x8E40]  }
0x117: {  	v5 =	vadd.f32 v7, v8;
	[tilespmem:s31+$0x10A70] =	vst v4;
	v4 =	vmax.f32 v3, $0.0e+00;
	v3 =	vld [tilespmem:s31+$0xE40]  }
0x118: {  	v7 =	vld [tilespmem:s31+$0x8E50];
	v8 =	vadd.f32 v10, v9  }
0x119: {  	s15 =	simm.s32 $0x200;
	s0 =	simm.s32 $0x80;
	v5 =	vmax.f32 v5, $0.0e+00;
	[tilespmem:s31+$0x10E00] =	vst v4;
	v4 =	vld [tilespmem:s31+$0xE50]  }
0x11a: {  	s1 =	sand.u32 $0x3000, s15;
	s5 =	sand.u32 $0x380, s0;
	[tilespmem:s31+$0x10E10] =	vst v5;
	v5 =	vld [tilespmem:s31+$0xE60];
	v9 =	vadd.f32 v12, v11;
	v8 =	vmax.f32 v8, $0.0e+00  }
0x11b: {  	s15 =	sor.u32 s5, s1;
	s1 =	simm.s32 $0x400;
	[tilespmem:s31+$0x10E20] =	vst v8;
	v8 =	vld [tilespmem:s31+$0x8E60]  }
.LBB2_3:
0x11c: {  	p1 =	sne.s32 s1, $0x3E00;
	v10 =	vld [tilespmem:s15+$0xE70];
	v9 =	vmax.f32 v9, $0.0e+00;
	v3 =	vadd.f32 v6, v3  }
0x11d: {  	v6 =	vld [tilespmem:s15+$0x8E70];
	[tilespmem:s31+$0x10E30] =	vst v9  }
0x11e: {  	v9 =	vld [tilespmem:s15+$0x200];
	v3 =	vmax.f32 v3, $0.0e+00;
	v4 =	vadd.f32 v7, v4  }
0x11f: {  	v7 =	vld [tilespmem:s15+$0x8200];
	[tilespmem:s31+$0x10E40] =	vst v3  }
0x120: {  	v3 =	vld [tilespmem:s15+$0x210];
	v4 =	vmax.f32 v4, $0.0e+00;
	v5 =	vadd.f32 v8, v5  }
0x121: {  	v8 =	vld [tilespmem:s15+$0x8210];
	[tilespmem:s31+$0x10E50] =	vst v4  }
0x122: {  	v4 =	vld [tilespmem:s15+$0x220];
	v6 =	vadd.f32 v6, v10;
	v5 =	vmax.f32 v5, $0.0e+00  }
0x123: {  	v10 =	vld [tilespmem:s15+$0x8220];
	[tilespmem:s31+$0x10E60] =	vst v5;
	s31 =	smov.u32 s15  }
0x124: {  	v5 =	vadd.f32 v7, v9;
	v7 =	vld [tilespmem:s31+$0x230];
	v6 =	vmax.f32 v6, $0.0e+00  }
0x125: {  	v9 =	vld [tilespmem:s31+$0x8230];
	[tilespmem:s31+$0x10E70] =	vst v6  }
0x126: {  	v5 =	vmax.f32 v5, $0.0e+00;
	v3 =	vadd.f32 v8, v3;
	v6 =	vld [tilespmem:s31+$0x240]  }
0x127: {  	[tilespmem:s31+$0x10200] =	vst v5;
	v5 =	vld [tilespmem:s31+$0x8240]  }
0x128: {  	v3 =	vmax.f32 v3, $0.0e+00;
	v4 =	vadd.f32 v10, v4;
	v8 =	vld [tilespmem:s31+$0x250]  }
0x129: {  	[tilespmem:s31+$0x10210] =	vst v3;
	v3 =	vld [tilespmem:s31+$0x8250]  }
0x12a: {  	v4 =	vmax.f32 v4, $0.0e+00;
	v7 =	vadd.f32 v9, v7;
	v9 =	vld [tilespmem:s31+$0x260]  }
0x12b: {  	[tilespmem:s31+$0x10220] =	vst v4;
	v4 =	vld [tilespmem:s31+$0x8260]  }
0x12c: {  	v7 =	vmax.f32 v7, $0.0e+00;
	v5 =	vadd.f32 v5, v6;
	v6 =	vld [tilespmem:s31+$0x270]  }
0x12d: {  	[tilespmem:s31+$0x10230] =	vst v7;
	v7 =	vld [tilespmem:s31+$0x8270]  }
0x12e: {  	v5 =	vmax.f32 v5, $0.0e+00;
	v3 =	vadd.f32 v3, v8;
	v8 =	vld [tilespmem:s31+$0x600]  }
0x12f: {  	[tilespmem:s31+$0x10240] =	vst v5;
	v5 =	vld [tilespmem:s31+$0x8600]  }
0x130: {  	v3 =	vmax.f32 v3, $0.0e+00;
	v4 =	vadd.f32 v4, v9;
	v9 =	vld [tilespmem:s31+$0x610]  }
0x131: {  	[tilespmem:s31+$0x10250] =	vst v3;
	v3 =	vld [tilespmem:s31+$0x8610]  }
0x132: {  	v4 =	vmax.f32 v4, $0.0e+00;
	v6 =	vadd.f32 v7, v6;
	v7 =	vld [tilespmem:s31+$0x620]  }
0x133: {  	[tilespmem:s31+$0x10260] =	vst v4;
	v4 =	vld [tilespmem:s31+$0x8620]  }
0x134: {  	v6 =	vmax.f32 v6, $0.0e+00;
	v5 =	vadd.f32 v5, v8;
	v8 =	vld [tilespmem:s31+$0x630]  }
0x135: {  	[tilespmem:s31+$0x10270] =	vst v6;
	v6 =	vld [tilespmem:s31+$0x8630]  }
0x136: {  	v5 =	vmax.f32 v5, $0.0e+00;
	v3 =	vadd.f32 v3, v9;
	v9 =	vld [tilespmem:s31+$0x640]  }
0x137: {  	[tilespmem:s31+$0x10600] =	vst v5;
	v5 =	vld [tilespmem:s31+$0x8640]  }
0x138: {  	v3 =	vmax.f32 v3, $0.0e+00;
	v4 =	vadd.f32 v4, v7;
	v7 =	vld [tilespmem:s31+$0x650]  }
0x139: {  	[tilespmem:s31+$0x10610] =	vst v3;
	v3 =	vld [tilespmem:s31+$0x8650]  }
0x13a: {  	v4 =	vmax.f32 v4, $0.0e+00;
	v6 =	vadd.f32 v6, v8;
	v8 =	vld [tilespmem:s31+$0x660]  }
0x13b: {  	[tilespmem:s31+$0x10620] =	vst v4;
	v4 =	vld [tilespmem:s31+$0x8660]  }
0x13c: {  	v6 =	vmax.f32 v6, $0.0e+00;
	v5 =	vadd.f32 v5, v9;
	v9 =	vld [tilespmem:s31+$0x670]  }
0x13d: {  	[tilespmem:s31+$0x10630] =	vst v6;
	v6 =	vld [tilespmem:s31+$0x8670]  }
0x13e: {  	v5 =	vmax.f32 v5, $0.0e+00;
	v3 =	vadd.f32 v3, v7;
	v7 =	vld [tilespmem:s31+$0xA00]  }
0x13f: {  	[tilespmem:s31+$0x10640] =	vst v5;
	v5 =	vld [tilespmem:s31+$0x8A00]  }
0x140: {  	v3 =	vmax.f32 v3, $0.0e+00;
	v4 =	vadd.f32 v4, v8;
	v8 =	vld [tilespmem:s31+$0xA10]  }
0x141: {  	[tilespmem:s31+$0x10650] =	vst v3;
	v3 =	vld [tilespmem:s31+$0x8A10]  }
0x142: {  	v4 =	vmax.f32 v4, $0.0e+00;
	v6 =	vadd.f32 v6, v9;
	v9 =	vld [tilespmem:s31+$0xA20]  }
0x143: {  	[tilespmem:s31+$0x10660] =	vst v4;
	v4 =	vld [tilespmem:s31+$0x8A20]  }
0x144: {  	v6 =	vmax.f32 v6, $0.0e+00;
	v5 =	vadd.f32 v5, v7;
	v7 =	vld [tilespmem:s31+$0xA30]  }
0x145: {  	[tilespmem:s31+$0x10670] =	vst v6;
	v6 =	vld [tilespmem:s31+$0x8A30]  }
0x146: {  	v5 =	vmax.f32 v5, $0.0e+00;
	v3 =	vadd.f32 v3, v8;
	v8 =	vld [tilespmem:s31+$0xA40]  }
0x147: {  	[tilespmem:s31+$0x10A00] =	vst v5;
	v5 =	vld [tilespmem:s31+$0x8A40]  }
0x148: {  	v3 =	vmax.f32 v3, $0.0e+00;
	v4 =	vadd.f32 v4, v9;
	v9 =	vld [tilespmem:s31+$0xA50]  }
0x149: {  	[tilespmem:s31+$0x10A10] =	vst v3;
	v3 =	vld [tilespmem:s31+$0x8A50]  }
0x14a: {  	v4 =	vmax.f32 v4, $0.0e+00;
	v6 =	vadd.f32 v6, v7;
	v7 =	vld [tilespmem:s31+$0xA60]  }
0x14b: {  	[tilespmem:s31+$0x10A20] =	vst v4;
	v4 =	vld [tilespmem:s31+$0x8A60]  }
0x14c: {  	v6 =	vmax.f32 v6, $0.0e+00;
	v5 =	vadd.f32 v5, v8;
	v8 =	vld [tilespmem:s31+$0xA70]  }
0x14d: {  	[tilespmem:s31+$0x10A30] =	vst v6;
	v6 =	vld [tilespmem:s31+$0x8A70]  }
0x14e: {  	v5 =	vmax.f32 v5, $0.0e+00;
	v3 =	vadd.f32 v3, v9;
	v9 =	vld [tilespmem:s31+$0xE00]  }
0x14f: {  	[tilespmem:s31+$0x10A40] =	vst v5;
	v5 =	vld [tilespmem:s31+$0x8E00]  }
0x150: {  	v3 =	vmax.f32 v3, $0.0e+00;
	v4 =	vadd.f32 v4, v7;
	v7 =	vld [tilespmem:s31+$0xE10]  }
0x151: {  	[tilespmem:s31+$0x10A50] =	vst v3;
	v3 =	vld [tilespmem:s31+$0x8E10]  }
0x152: {  	v4 =	vmax.f32 v4, $0.0e+00;
	v6 =	vadd.f32 v6, v8;
	v8 =	vld [tilespmem:s31+$0xE20]  }
0x153: {  	[tilespmem:s31+$0x10A60] =	vst v4;
	v4 =	vld [tilespmem:s31+$0x8E20]  }
0x154: {  	v6 =	vmax.f32 v6, $0.0e+00;
	v5 =	vadd.f32 v5, v9;
	v9 =	vld [tilespmem:s31+$0xE30]  }
0x155: {  	[tilespmem:s31+$0x10A70] =	vst v6;
	v10 =	vld [tilespmem:s31+$0x8E30]  }
0x156: {  	v5 =	vmax.f32 v5, $0.0e+00;
	v7 =	vadd.f32 v3, v7;
	v3 =	vld [tilespmem:s31+$0xE40]  }
.Ltmp2:
0x157: {  	[tilespmem:s31+$0x10E00] =	vst v5;
	v6 =	vld [tilespmem:s31+$0x8E40];
	(pc) =	sbr.rel @p1 .LBB2_3-.Ltmp2, $4  }
0x158: {  	v5 =	vmax.f32 v7, $0.0e+00;
	v8 =	vadd.f32 v4, v8;
	v4 =	vld [tilespmem:s31+$0xE50]  }
0x159: {  	s0 =	sadd.s32 $0x80, s0;
	[tilespmem:s31+$0x10E10] =	vst v5;
	v7 =	vld [tilespmem:s31+$0x8E50]  }
0x15a: {  	s5 =	sand.u32 $0x380, s0;
	s15 =	sand.u32 $0x3000, s1;
	v8 =	vmax.f32 v8, $0.0e+00;
	v9 =	vadd.f32 v10, v9;
	v5 =	vld [tilespmem:s31+$0xE60]  }
0x15b: {  	s1 =	sadd.s32 $0x200, s1;
	s15 =	sor.u32 s5, s15;
	[tilespmem:s31+$0x10E20] =	vst v8;
	v8 =	vld [tilespmem:s31+$0x8E60]  }
0x15c: {  	v10 =	vld [tilespmem:s15+$0xE70];
	v9 =	vmax.f32 v9, $0.0e+00;
	v3 =	vadd.f32 v6, v3  }
0x15d: {  	v11 =	vld [tilespmem:s15+$0x8E70];
	[tilespmem:s31+$0x10E30] =	vst v9  }
0x15e: {  	v63 =	vld [tilespmem:s15+$0x200];
	v3 =	vmax.f32 v3, $0.0e+00;
	v4 =	vadd.f32 v7, v4  }
0x15f: {  	v9 =	vld [tilespmem:s15+$0x8200];
	[tilespmem:s31+$0x10E40] =	vst v3  }
0x160: {  	v3 =	vld [tilespmem:s15+$0x210];
	v4 =	vmax.f32 v4, $0.0e+00;
	v5 =	vadd.f32 v8, v5  }
0x161: {  	v12 =	vld [tilespmem:s15+$0x8210];
	[tilespmem:s31+$0x10E50] =	vst v4  }
0x162: {  	v4 =	vld [tilespmem:s15+$0x220];
	v5 =	vmax.f32 v5, $0.0e+00  }
0x163: {  	v13 =	vld [tilespmem:s15+$0x8220];
	[tilespmem:s31+$0x10E60] =	vst v5  }
0x164: {  	v5 =	vld [tilespmem:s15+$0x230]  }
0x165: {  	v15 =	vld [tilespmem:s15+$0x8230]  }
0x166: {  	v16 =	vld [tilespmem:s15+$0x240]  }
0x167: {  	v17 =	vld [tilespmem:s15+$0x8240];
	v3 =	vadd.f32 v12, v3  }
0x168: {  	v18 =	vld [tilespmem:s15+$0x250]  }
0x169: {  	v19 =	vld [tilespmem:s15+$0x260];
	v3 =	vmax.f32 v3, $0.0e+00  }
0x16a: {  	[tilespmem:s15+$0x10210] =	vst v3;
	v3 =	vld [tilespmem:s15+$0x8250]  }
0x16b: {  	v20 =	vld [tilespmem:s15+$0x8260]  }
0x16c: {  	v21 =	vld [tilespmem:s15+$0x270]  }
0x16d: {  	v22 =	vld [tilespmem:s15+$0x8270]  }
0x16e: {  	v23 =	vld [tilespmem:s15+$0x600]  }
0x16f: {  	v24 =	vld [tilespmem:s15+$0x8600];
	v3 =	vadd.f32 v3, v18  }
0x170: {  	v25 =	vld [tilespmem:s15+$0x610]  }
0x171: {  	v26 =	vld [tilespmem:s15+$0x620];
	v3 =	vmax.f32 v3, $0.0e+00  }
0x172: {  	[tilespmem:s15+$0x10250] =	vst v3;
	v3 =	vld [tilespmem:s15+$0x8610]  }
0x173: {  	v27 =	vld [tilespmem:s15+$0x8620]  }
0x174: {  	v28 =	vld [tilespmem:s15+$0x630]  }
0x175: {  	v29 =	vld [tilespmem:s15+$0x8630]  }
0x176: {  	v30 =	vld [tilespmem:s15+$0x640]  }
0x177: {  	v31 =	vld [tilespmem:s15+$0x8640];
	v3 =	vadd.f32 v3, v25  }
0x178: {  	v32 =	vld [tilespmem:s15+$0x650]  }
0x179: {  	v33 =	vld [tilespmem:s15+$0x660];
	v3 =	vmax.f32 v3, $0.0e+00  }
0x17a: {  	[tilespmem:s15+$0x10610] =	vst v3;
	v3 =	vld [tilespmem:s15+$0x8650]  }
0x17b: {  	v34 =	vld [tilespmem:s15+$0x8660]  }
0x17c: {  	v35 =	vld [tilespmem:s15+$0x670]  }
0x17d: {  	v36 =	vld [tilespmem:s15+$0x8670]  }
0x17e: {  	v37 =	vld [tilespmem:s15+$0xA00]  }
0x17f: {  	v38 =	vld [tilespmem:s15+$0x8A00];
	v3 =	vadd.f32 v3, v32  }
0x180: {  	v39 =	vld [tilespmem:s15+$0xA10]  }
0x181: {  	v40 =	vld [tilespmem:s15+$0xA20];
	v3 =	vmax.f32 v3, $0.0e+00  }
0x182: {  	[tilespmem:s15+$0x10650] =	vst v3;
	v3 =	vld [tilespmem:s15+$0x8A10]  }
0x183: {  	v41 =	vld [tilespmem:s15+$0x8A20]  }
0x184: {  	v42 =	vld [tilespmem:s15+$0xA30]  }
0x185: {  	v10 =	vadd.f32 v11, v10;
	v43 =	vld [tilespmem:s15+$0x8A30]  }
0x186: {  	v6 =	vadd.f32 v9, v63;
	v44 =	vld [tilespmem:s15+$0xA40]  }
0x187: {  	v14 =	vmax.f32 v10, $0.0e+00;
	v45 =	vld [tilespmem:s15+$0x8A40];
	v3 =	vadd.f32 v3, v39  }
0x188: {  	[tilespmem:s15+$0x10E70] =	vst v14;
	v46 =	vld [tilespmem:s15+$0xA50];
	v6 =	vmax.f32 v6, $0.0e+00;
	v4 =	vadd.f32 v13, v4  }
0x189: {  	v47 =	vld [tilespmem:s15+$0xA60];
	[tilespmem:s15+$0x10200] =	vst v6;
	v5 =	vadd.f32 v15, v5;
	v3 =	vmax.f32 v3, $0.0e+00  }
0x18a: {  	v4 =	vmax.f32 v4, $0.0e+00;
	v6 =	vadd.f32 v17, v16;
	[tilespmem:s15+$0x10A10] =	vst v3;
	v3 =	vld [tilespmem:s15+$0x8A50]  }
0x18b: {  	v48 =	vld [tilespmem:s15+$0x8A60];
	[tilespmem:s15+$0x10220] =	vst v4;
	v4 =	vadd.f32 v20, v19;
	v5 =	vmax.f32 v5, $0.0e+00  }
0x18c: {  	v49 =	vld [tilespmem:s15+$0xA70];
	v6 =	vmax.f32 v6, $0.0e+00;
	[tilespmem:s15+$0x10230] =	vst v5;
	v5 =	vadd.f32 v22, v21  }
0x18d: {  	v50 =	vld [tilespmem:s15+$0x8A70];
	[tilespmem:s15+$0x10240] =	vst v6;
	v4 =	vmax.f32 v4, $0.0e+00;
	v6 =	vadd.f32 v24, v23  }
0x18e: {  	v51 =	vld [tilespmem:s15+$0xE00];
	[tilespmem:s15+$0x10260] =	vst v4;
	v4 =	vadd.f32 v27, v26;
	v5 =	vmax.f32 v5, $0.0e+00  }
0x18f: {  	v52 =	vld [tilespmem:s15+$0x8E00];
	v6 =	vmax.f32 v6, $0.0e+00;
	[tilespmem:s15+$0x10270] =	vst v5;
	v3 =	vadd.f32 v3, v46  }
0x190: {  	v53 =	vld [tilespmem:s15+$0xE10];
	[tilespmem:s15+$0x10600] =	vst v6;
	v4 =	vmax.f32 v4, $0.0e+00;
	v5 =	vadd.f32 v29, v28  }
0x191: {  	v54 =	vld [tilespmem:s15+$0xE20];
	v6 =	vadd.f32 v31, v30;
	[tilespmem:s15+$0x10620] =	vst v4;
	v3 =	vmax.f32 v3, $0.0e+00  }
0x192: {  	v4 =	vadd.f32 v34, v33;
	v5 =	vmax.f32 v5, $0.0e+00;
	[tilespmem:s15+$0x10A50] =	vst v3;
	v3 =	vld [tilespmem:s15+$0x8E10]  }
0x193: {  	v55 =	vld [tilespmem:s15+$0x8E20];
	v6 =	vmax.f32 v6, $0.0e+00;
	[tilespmem:s15+$0x10630] =	vst v5;
	v5 =	vadd.f32 v36, v35  }
0x194: {  	v56 =	vld [tilespmem:s15+$0xE30];
	[tilespmem:s15+$0x10640] =	vst v6;
	v4 =	vmax.f32 v4, $0.0e+00;
	v6 =	vadd.f32 v38, v37  }
0x195: {  	v57 =	vld [tilespmem:s15+$0x8E30];
	[tilespmem:s15+$0x10660] =	vst v4;
	v4 =	vadd.f32 v41, v40;
	v5 =	vmax.f32 v5, $0.0e+00  }
0x196: {  	v58 =	vld [tilespmem:s15+$0xE40];
	v6 =	vmax.f32 v6, $0.0e+00;
	[tilespmem:s15+$0x10670] =	vst v5;
	v5 =	vadd.f32 v43, v42  }
0x197: {  	v59 =	vld [tilespmem:s15+$0x8E40];
	[tilespmem:s15+$0x10A00] =	vst v6;
	v4 =	vmax.f32 v4, $0.0e+00;
	v3 =	vadd.f32 v3, v53  }
0x198: {  	v60 =	vld [tilespmem:s15+$0xE50];
	v6 =	vadd.f32 v45, v44;
	[tilespmem:s15+$0x10A20] =	vst v4;
	v5 =	vmax.f32 v5, $0.0e+00  }
0x199: {  	v61 =	vld [tilespmem:s15+$0xE60];
	v4 =	vadd.f32 v48, v47;
	[tilespmem:s15+$0x10A30] =	vst v5;
	v3 =	vmax.f32 v3, $0.0e+00  }
0x19a: {  	v6 =	vmax.f32 v6, $0.0e+00;
	v5 =	vadd.f32 v50, v49;
	[tilespmem:s15+$0x10E10] =	vst v3;
	v3 =	vld [tilespmem:s15+$0x8E50]  }
0x19b: {  	v62 =	vld [tilespmem:s15+$0x8E60];
	[tilespmem:s15+$0x10A40] =	vst v6;
	v4 =	vmax.f32 v4, $0.0e+00;
	v6 =	vadd.f32 v52, v51  }
0x19c: {  	[tilespmem:s15+$0x10A60] =	vst v4;
	v4 =	vadd.f32 v55, v54;
	v5 =	vmax.f32 v5, $0.0e+00  }
0x19d: {  	v6 =	vmax.f32 v6, $0.0e+00;
	[tilespmem:s15+$0x10A70] =	vst v5;
	v5 =	vadd.f32 v57, v56  }
0x19e: {  	[tilespmem:s15+$0x10E00] =	vst v6;
	v4 =	vmax.f32 v4, $0.0e+00;
	v6 =	vadd.f32 v59, v58  }
0x19f: {  	[tilespmem:s15+$0x10E20] =	vst v4;
	v5 =	vmax.f32 v5, $0.0e+00;
	v3 =	vadd.f32 v3, v60  }
.Ltmp3:
0x1a0: {  	v4 =	vadd.f32 v62, v61;
	v63 =	vmax.f32 v6, $0.0e+00;
	[tilespmem:s15+$0x10E30] =	vst v5;
	(pc) =	sbr.rel @!p0 .LBB2_6-.Ltmp3, $4  }
0x1a1: {  	[tilespmem:s15+$0x10E40] =	vst v63;
	v3 =	vmax.f32 v3, $0.0e+00  }
0x1a2: {  	[tilespmem:s15+$0x10E50] =	vst v3;
	v3 =	vmax.f32 v4, $0.0e+00  }
0x1a3: {  	s0 =	sadd.s32 s30, s10;
	[tilespmem:s15+$0x10E60] =	vst v3  }
0x1a4: {  	[hbm4b:s0+s2] =	stream.linear.scatter [tilespmem:s26], [sflag:$0x5], $0x4000, $0x38;
	[tilespmem:$0x18200] =	vst v63  }
0x1a5: {  	v3 =	vld [tilespmem:$0x140];
	_ =	sdelay $0x4  }
0x1a6: {  	v4 =	vshll.u32 v3, $0x2  }
0x1a7: {  	v3 =	vand.u32 $0x7, v3;
	v4 =	vand.u32 $0xFFFFFFE0, v4  }
0x1a8: {  	v3 =	vor.u32 v3, v4  }
0x1a9: {  	v4 =	vperm.xlane v3, v0;
	_ =	sdelay $0x1  }
0x1aa: {  	v4 =	vadd.s32 v1, v4;
	_ =	sdelay $0x1  }
0x1ab: {  	v3 =	vperm.xlane v3, v2;
	_ =	sdelay $0x1  }
0x1ac: {  	s0 =	simm.s32 $0x200;
	v3 =	vadd.s32 v1, v3  }
0x1ad: {  	[tilespmem:s0], [sflag:$0x1] =	stream.indirect_vreg.gather [hbm4b:s3+s2], $0x80, v4, vm0, $0xb8;
	[tilespmem:$0x18200] =	vst v63  }
0x1ae: {  	s5 =	simm.s32 $0xA00  }
0x1af: {  	[tilespmem:s5], [sflag:$0x1] =	stream.indirect_vreg.gather [hbm4b:s9+s2], $0x80, v4, vm0, $0xb8;
	[tilespmem:$0x18200] =	vst v63  }
0x1b0: {  	s15 =	simm.s32 $0x1200  }
0x1b1: {  	[tilespmem:s15], [sflag:$0x1] =	stream.indirect_vreg.gather [hbm4b:s3+s2], $0x80, v3, vm0, $0xb8;
	[tilespmem:$0x18200] =	vst v63  }
0x1b2: {  	s31 =	simm.s32 $0x1A00  }
0x1b3: {  	[tilespmem:s31], [sflag:$0x1] =	stream.indirect_vreg.gather [hbm4b:s9+s2], $0x80, v3, vm0, $0xb8;
	[tilespmem:$0x18200] =	vst v63  }
0x1b4: {  	v3 =	vld [tilespmem:$0x150];
	_ =	sdelay $0x4  }
0x1b5: {  	v61 =	vshll.u32 v3, $0x2  }
0x1b6: {  	v3 =	vand.u32 $0x7, v3;
	v4 =	vand.u32 $0xFFFFFFE0, v61  }
0x1b7: {  	v3 =	vor.u32 v3, v4  }
0x1b8: {  	v4 =	vperm.xlane v3, v0;
	_ =	sdelay $0x1  }
0x1b9: {  	v4 =	vadd.s32 v1, v4;
	_ =	sdelay $0x1  }
0x1ba: {  	v3 =	vperm.xlane v3, v2;
	_ =	sdelay $0x1  }
0x1bb: {  	s1 =	simm.s32 $0x2200;
	v3 =	vadd.s32 v1, v3  }
0x1bc: {  	[tilespmem:s1], [sflag:$0x1] =	stream.indirect_vreg.gather [hbm4b:s3+s2], $0x80, v4, vm0, $0xb8;
	[tilespmem:$0x18200] =	vst v63  }
0x1bd: {  	s5 =	simm.s32 $0x2A00  }
0x1be: {  	[tilespmem:s5], [sflag:$0x1] =	stream.indirect_vreg.gather [hbm4b:s9+s2], $0x80, v4, vm0, $0xb8;
	[tilespmem:$0x18200] =	vst v63  }
0x1bf: {  	s15 =	simm.s32 $0x3200  }
0x1c0: {  	[tilespmem:s15], [sflag:$0x1] =	stream.indirect_vreg.gather [hbm4b:s3+s2], $0x80, v3, vm0, $0xb8;
	[tilespmem:$0x18200] =	vst v63  }
0x1c1: {  	s31 =	simm.s32 $0x3A00  }
0x1c2: {  	[tilespmem:s31], [sflag:$0x1] =	stream.indirect_vreg.gather [hbm4b:s9+s2], $0x80, v3, vm0, $0xb8;
	[tilespmem:$0x18200] =	vst v63  }
0x1c3: {  	v3 =	vld [tilespmem:$0x1C0];
	_ =	sdelay $0x4  }
0x1c4: {  	v62 =	vshll.u32 v3, $0x2  }
0x1c5: {  	v3 =	vand.u32 $0x7, v3;
	v4 =	vand.u32 $0xFFFFFFE0, v62  }
0x1c6: {  	v3 =	vor.u32 v3, v4  }
0x1c7: {  	v4 =	vperm.xlane v3, v0;
	_ =	sdelay $0x1  }
0x1c8: {  	v4 =	vadd.s32 v1, v4;
	_ =	sdelay $0x1  }
0x1c9: {  	v3 =	vperm.xlane v3, v2;
	_ =	sdelay $0x1  }
0x1ca: {  	s1 =	simm.s32 $0x8200;
	v3 =	vadd.s32 v1, v3  }
0x1cb: {  	[tilespmem:s1], [sflag:$0x3] =	stream.indirect_vreg.gather [hbm4b:s4+s2], $0x80, v4, vm0, $0xb8;
	[tilespmem:$0x18200] =	vst v63  }
0x1cc: {  	s5 =	simm.s32 $0x8A00  }
0x1cd: {  	[tilespmem:s5], [sflag:$0x3] =	stream.indirect_vreg.gather [hbm4b:s11+s2], $0x80, v4, vm0, $0xb8;
	[tilespmem:$0x18200] =	vst v63  }
0x1ce: {  	s15 =	simm.s32 $0x9200  }
0x1cf: {  	[tilespmem:s15], [sflag:$0x3] =	stream.indirect_vreg.gather [hbm4b:s4+s2], $0x80, v3, vm0, $0xb8;
	[tilespmem:$0x18200] =	vst v63  }
0x1d0: {  	s31 =	simm.s32 $0x9A00  }
0x1d1: {  	[tilespmem:s31], [sflag:$0x3] =	stream.indirect_vreg.gather [hbm4b:s11+s2], $0x80, v3, vm0, $0xb8;
	[tilespmem:$0x18200] =	vst v63  }
0x1d2: {  	v3 =	vld [tilespmem:$0x1D0];
	_ =	sdelay $0x4  }
0x1d3: {  	v63 =	vshll.u32 v3, $0x2  }
0x1d4: {  	v3 =	vand.u32 $0x7, v3;
	v4 =	vand.u32 $0xFFFFFFE0, v63  }
0x1d5: {  	v3 =	vor.u32 v3, v4  }
0x1d6: {  	v4 =	vperm.xlane v3, v0;
	_ =	sdelay $0x1  }
0x1d7: {  	v4 =	vadd.s32 v1, v4;
	_ =	sdelay $0x2  }
0x1d8: {  	v3 =	vperm.xlane v3, v2  }
0x1d9: {  	s1 =	simm.s32 $0xA200  }
0x1da: {  	v3 =	vadd.s32 v1, v3;
	[tilespmem:s1], [sflag:$0x3] =	stream.indirect_vreg.gather [hbm4b:s4+s2], $0x80, v4, vm0, $0xb8;
	[tilespmem:$0x18200] =	vst v63  }
0x1db: {  	s5 =	simm.s32 $0xAA00  }
0x1dc: {  	[tilespmem:s5], [sflag:$0x3] =	stream.indirect_vreg.gather [hbm4b:s11+s2], $0x80, v4, vm0, $0xb8;
	[tilespmem:$0x18200] =	vst v63  }
.Ltmp4:
0x1dd: {  	_ = 	snop;
	(pc) =	sbr.rel .LBB2_7-.Ltmp4, $4  }
0x1de: {  	s15 =	simm.s32 $0xB200  }
0x1df: {  	[tilespmem:s15], [sflag:$0x3] =	stream.indirect_vreg.gather [hbm4b:s4+s2], $0x80, v3, vm0, $0xb8;
	[tilespmem:$0x18200] =	vst v63  }
0x1e0: {  	s0 =	simm.s32 $0x4;
	s31 =	simm.s32 $0xBA00;
	s1 =	simm.s32 $0x2  }
0x1e1: {  	[tilespmem:s31], [sflag:$0x3] =	stream.indirect_vreg.gather [hbm4b:s11+s2], $0x80, v3, vm0, $0xb8;
	[tilespmem:$0x18200] =	vst v63  }
.LBB2_6:
0x1e2: {  	_ =	swait.ge [sflag:s29], $0x4000  }
0x1e3: {  	[sflag:s29] =	ssyncset.done $0x0  }
0x1e4: {  	s0 =	simm.s32 $0x6;
	s1 =	simm.s32 $0x4;
	[sflag:s29] =	ssyncadd.s32 $0xFFFFC000  }
.LBB2_7:
0x1e5: {  	_ =	swait.ge [sflag:s1], $0x4000  }
0x1e6: {  	[sflag:s1] =	ssyncset.done $0x0  }
0x1e7: {  	[sflag:s1] =	ssyncadd.s32 $0xFFFFC000  }
0x1e8: {  	s15 =	simm.s32 $0x0;
	_ =	swait.ge [sflag:s0], $0x4000  }
0x1e9: {  	s5 =	sand.u32 $0x3000, s15;
	s1 =	sand.u32 $0x380, s15;
	[sflag:s0] =	ssyncset.done $0x0  }
0x1ea: {  	s31 =	sor.u32 s1, s5;
	[sflag:s0] =	ssyncadd.s32 $0xFFFFC000  }
0x1eb: {  	v3 =	vld [tilespmem:s31+$0x4E70]  }
0x1ec: {  	v4 =	vld [tilespmem:s31+$0xCE70]  }
0x1ed: {  	v5 =	vld [tilespmem:s31+$0x4200]  }
0x1ee: {  	v6 =	vld [tilespmem:s31+$0xC200]  }
0x1ef: {  	v7 =	vld [tilespmem:s31+$0x4210]  }
0x1f0: {  	v8 =	vld [tilespmem:s31+$0xC210];
	_ =	sdelay $0x1  }
0x1f1: {  	v9 =	vld [tilespmem:s31+$0x4220]  }
0x1f2: {  	v10 =	vld [tilespmem:s31+$0x4230]  }
0x1f3: {  	v3 =	vadd.f32 v4, v3;
	v4 =	vld [tilespmem:s31+$0xC220]  }
0x1f4: {  	v5 =	vadd.f32 v6, v5;
	v6 =	vld [tilespmem:s31+$0xC230];
	v7 =	vadd.f32 v8, v7  }
0x1f5: {  	v8 =	vld [tilespmem:s31+$0x4250];
	v3 =	vmax.f32 v3, $0.0e+00  }
0x1f6: {  	v7 =	vmax.f32 v7, $0.0e+00;
	[tilespmem:s31+$0x14E70] =	vst v3;
	v3 =	vmax.f32 v5, $0.0e+00;
	v5 =	vld [tilespmem:s31+$0x4240]  }
0x1f7: {  	[tilespmem:s31+$0x14210] =	vst v7;
	v7 =	vld [tilespmem:s31+$0xC250]  }
0x1f8: {  	[tilespmem:s31+$0x14200] =	vst v3;
	v3 =	vld [tilespmem:s31+$0xC240];
	v4 =	vadd.f32 v4, v9  }
0x1f9: {  	v9 =	vld [tilespmem:s31+$0x4260];
	v6 =	vadd.f32 v6, v10  }
0x1fa: {  	v10 =	vld [tilespmem:s31+$0x4270];
	v4 =	vmax.f32 v4, $0.0e+00  }
0x1fb: {  	v6 =	vmax.f32 v6, $0.0e+00;
	[tilespmem:s31+$0x14220] =	vst v4;
	v4 =	vld [tilespmem:s31+$0xC260]  }
0x1fc: {  	[tilespmem:s31+$0x14230] =	vst v6;
	v6 =	vld [tilespmem:s31+$0x4600];
	v7 =	vadd.f32 v7, v8  }
0x1fd: {  	v3 =	vadd.f32 v3, v5;
	v5 =	vld [tilespmem:s31+$0xC270]  }
0x1fe: {  	v8 =	vld [tilespmem:s31+$0x4610];
	v7 =	vmax.f32 v7, $0.0e+00  }
0x1ff: {  	v3 =	vmax.f32 v3, $0.0e+00;
	[tilespmem:s31+$0x14250] =	vst v7;
	v7 =	vld [tilespmem:s31+$0xC610]  }
0x200: {  	[tilespmem:s31+$0x14240] =	vst v3;
	v3 =	vld [tilespmem:s31+$0xC600];
	v4 =	vadd.f32 v4, v9  }
0x201: {  	v9 =	vld [tilespmem:s31+$0x4620]  }
0x202: {  	v5 =	vadd.f32 v5, v10;
	v10 =	vld [tilespmem:s31+$0x4630];
	v4 =	vmax.f32 v4, $0.0e+00  }
0x203: {  	[tilespmem:s31+$0x14260] =	vst v4;
	v4 =	vld [tilespmem:s31+$0xC620]  }
0x204: {  	v5 =	vmax.f32 v5, $0.0e+00;
	v7 =	vadd.f32 v7, v8;
	v8 =	vld [tilespmem:s31+$0x4650]  }
0x205: {  	v3 =	vadd.f32 v3, v6;
	[tilespmem:s31+$0x14270] =	vst v5;
	v5 =	vld [tilespmem:s31+$0xC630]  }
0x206: {  	v6 =	vld [tilespmem:s31+$0x4640];
	v7 =	vmax.f32 v7, $0.0e+00  }
0x207: {  	v3 =	vmax.f32 v3, $0.0e+00;
	[tilespmem:s31+$0x14610] =	vst v7;
	v7 =	vld [tilespmem:s31+$0xC650]  }
0x208: {  	[tilespmem:s31+$0x14600] =	vst v3;
	v3 =	vld [tilespmem:s31+$0xC640];
	v4 =	vadd.f32 v4, v9  }
0x209: {  	v9 =	vld [tilespmem:s31+$0x4660]  }
0x20a: {  	v5 =	vadd.f32 v5, v10;
	v10 =	vld [tilespmem:s31+$0x4670];
	v4 =	vmax.f32 v4, $0.0e+00  }
0x20b: {  	[tilespmem:s31+$0x14620] =	vst v4;
	v4 =	vld [tilespmem:s31+$0xC660]  }
0x20c: {  	v5 =	vmax.f32 v5, $0.0e+00;
	v7 =	vadd.f32 v7, v8;
	v8 =	vld [tilespmem:s31+$0x4A10]  }
0x20d: {  	v3 =	vadd.f32 v3, v6;
	[tilespmem:s31+$0x14630] =	vst v5;
	v5 =	vld [tilespmem:s31+$0xC670]  }
0x20e: {  	v6 =	vld [tilespmem:s31+$0x4A00];
	v7 =	vmax.f32 v7, $0.0e+00  }
0x20f: {  	v3 =	vmax.f32 v3, $0.0e+00;
	[tilespmem:s31+$0x14650] =	vst v7;
	v7 =	vld [tilespmem:s31+$0xCA10]  }
0x210: {  	[tilespmem:s31+$0x14640] =	vst v3;
	v3 =	vld [tilespmem:s31+$0xCA00];
	v4 =	vadd.f32 v4, v9  }
0x211: {  	v9 =	vld [tilespmem:s31+$0x4A20]  }
0x212: {  	v5 =	vadd.f32 v5, v10;
	v10 =	vld [tilespmem:s31+$0x4A30];
	v4 =	vmax.f32 v4, $0.0e+00  }
0x213: {  	[tilespmem:s31+$0x14660] =	vst v4;
	v4 =	vld [tilespmem:s31+$0xCA20]  }
0x214: {  	v5 =	vmax.f32 v5, $0.0e+00;
	v7 =	vadd.f32 v7, v8;
	v8 =	vld [tilespmem:s31+$0x4A50]  }
0x215: {  	v3 =	vadd.f32 v3, v6;
	[tilespmem:s31+$0x14670] =	vst v5;
	v5 =	vld [tilespmem:s31+$0xCA30]  }
0x216: {  	v6 =	vld [tilespmem:s31+$0x4A40];
	v7 =	vmax.f32 v7, $0.0e+00  }
0x217: {  	v3 =	vmax.f32 v3, $0.0e+00;
	[tilespmem:s31+$0x14A10] =	vst v7;
	v7 =	vld [tilespmem:s31+$0xCA50]  }
0x218: {  	[tilespmem:s31+$0x14A00] =	vst v3;
	v3 =	vld [tilespmem:s31+$0xCA40]  }
0x219: {  	v4 =	vadd.f32 v4, v9  }
0x21a: {  	v9 =	vld [tilespmem:s31+$0x4A60]  }
0x21b: {  	v5 =	vadd.f32 v5, v10;
	v10 =	vld [tilespmem:s31+$0x4A70];
	v4 =	vmax.f32 v4, $0.0e+00  }
0x21c: {  	[tilespmem:s31+$0x14A20] =	vst v4;
	v4 =	vld [tilespmem:s31+$0xCA60]  }
0x21d: {  	v5 =	vmax.f32 v5, $0.0e+00;
	v7 =	vadd.f32 v7, v8;
	v8 =	vld [tilespmem:s31+$0x4E10];
	v3 =	vadd.f32 v3, v6  }
0x21e: {  	[tilespmem:s31+$0x14A30] =	vst v5;
	v5 =	vld [tilespmem:s31+$0xCA70]  }
0x21f: {  	v6 =	vld [tilespmem:s31+$0x4E00];
	v3 =	vmax.f32 v3, $0.0e+00  }
0x220: {  	v7 =	vmax.f32 v7, $0.0e+00;
	[tilespmem:s31+$0x14A40] =	vst v3;
	v3 =	vld [tilespmem:s31+$0xCE00]  }
0x221: {  	[tilespmem:s31+$0x14A50] =	vst v7;
	v7 =	vld [tilespmem:s31+$0xCE10]  }
0x222: {  	v4 =	vadd.f32 v4, v9;
	v9 =	vld [tilespmem:s31+$0x4E20]  }
0x223: {  	v5 =	vadd.f32 v5, v10;
	v10 =	vld [tilespmem:s31+$0xCE20]  }
0x224: {  	v11 =	vld [tilespmem:s31+$0x4E30]  }
0x225: {  	v12 =	vld [tilespmem:s31+$0xCE30];
	v4 =	vmax.f32 v4, $0.0e+00;
	v3 =	vadd.f32 v3, v6  }
0x226: {  	[tilespmem:s31+$0x14A60] =	vst v4;
	v4 =	vmax.f32 v5, $0.0e+00;
	v6 =	vld [tilespmem:s31+$0xCE40]  }
0x227: {  	v5 =	vadd.f32 v7, v8;
	[tilespmem:s31+$0x14A70] =	vst v4;
	v4 =	vmax.f32 v3, $0.0e+00;
	v3 =	vld [tilespmem:s31+$0x4E40]  }
0x228: {  	v7 =	vld [tilespmem:s31+$0xCE50];
	v8 =	vadd.f32 v10, v9  }
0x229: {  	s5 =	simm.s32 $0x200;
	s0 =	simm.s32 $0x80;
	v5 =	vmax.f32 v5, $0.0e+00;
	[tilespmem:s31+$0x14E00] =	vst v4;
	v4 =	vld [tilespmem:s31+$0x4E50]  }
0x22a: {  	s1 =	sand.u32 $0x3000, s5;
	s15 =	sand.u32 $0x380, s0;
	[tilespmem:s31+$0x14E10] =	vst v5;
	v5 =	vld [tilespmem:s31+$0x4E60];
	v9 =	vadd.f32 v12, v11;
	v8 =	vmax.f32 v8, $0.0e+00  }
0x22b: {  	s15 =	sor.u32 s15, s1;
	s1 =	simm.s32 $0x400;
	[tilespmem:s31+$0x14E20] =	vst v8;
	v8 =	vld [tilespmem:s31+$0xCE60]  }
.LBB2_8:
0x22c: {  	p1 =	sne.s32 s1, $0x3E00;
	v10 =	vld [tilespmem:s15+$0x4E70];
	v9 =	vmax.f32 v9, $0.0e+00;
	v3 =	vadd.f32 v6, v3  }
0x22d: {  	v6 =	vld [tilespmem:s15+$0xCE70];
	[tilespmem:s31+$0x14E30] =	vst v9  }
0x22e: {  	v9 =	vld [tilespmem:s15+$0x4200];
	v3 =	vmax.f32 v3, $0.0e+00;
	v4 =	vadd.f32 v7, v4  }
0x22f: {  	v7 =	vld [tilespmem:s15+$0xC200];
	[tilespmem:s31+$0x14E40] =	vst v3  }
0x230: {  	v3 =	vld [tilespmem:s15+$0x4210];
	v4 =	vmax.f32 v4, $0.0e+00;
	v5 =	vadd.f32 v8, v5  }
0x231: {  	v8 =	vld [tilespmem:s15+$0xC210];
	[tilespmem:s31+$0x14E50] =	vst v4  }
0x232: {  	v4 =	vld [tilespmem:s15+$0x4220];
	v6 =	vadd.f32 v6, v10;
	v5 =	vmax.f32 v5, $0.0e+00  }
0x233: {  	v10 =	vld [tilespmem:s15+$0xC220];
	[tilespmem:s31+$0x14E60] =	vst v5;
	s31 =	smov.u32 s15  }
0x234: {  	v5 =	vadd.f32 v7, v9;
	v7 =	vld [tilespmem:s31+$0x4230];
	v6 =	vmax.f32 v6, $0.0e+00  }
0x235: {  	v9 =	vld [tilespmem:s31+$0xC230];
	[tilespmem:s31+$0x14E70] =	vst v6  }
0x236: {  	v5 =	vmax.f32 v5, $0.0e+00;
	v3 =	vadd.f32 v8, v3;
	v6 =	vld [tilespmem:s31+$0x4240]  }
0x237: {  	[tilespmem:s31+$0x14200] =	vst v5;
	v5 =	vld [tilespmem:s31+$0xC240]  }
0x238: {  	v3 =	vmax.f32 v3, $0.0e+00;
	v4 =	vadd.f32 v10, v4;
	v8 =	vld [tilespmem:s31+$0x4250]  }
0x239: {  	[tilespmem:s31+$0x14210] =	vst v3;
	v3 =	vld [tilespmem:s31+$0xC250]  }
0x23a: {  	v4 =	vmax.f32 v4, $0.0e+00;
	v7 =	vadd.f32 v9, v7;
	v9 =	vld [tilespmem:s31+$0x4260]  }
0x23b: {  	[tilespmem:s31+$0x14220] =	vst v4;
	v4 =	vld [tilespmem:s31+$0xC260]  }
0x23c: {  	v7 =	vmax.f32 v7, $0.0e+00;
	v5 =	vadd.f32 v5, v6;
	v6 =	vld [tilespmem:s31+$0x4270]  }
0x23d: {  	[tilespmem:s31+$0x14230] =	vst v7;
	v7 =	vld [tilespmem:s31+$0xC270]  }
0x23e: {  	v5 =	vmax.f32 v5, $0.0e+00;
	v3 =	vadd.f32 v3, v8;
	v8 =	vld [tilespmem:s31+$0x4600]  }
0x23f: {  	[tilespmem:s31+$0x14240] =	vst v5;
	v5 =	vld [tilespmem:s31+$0xC600]  }
0x240: {  	v3 =	vmax.f32 v3, $0.0e+00;
	v4 =	vadd.f32 v4, v9;
	v9 =	vld [tilespmem:s31+$0x4610]  }
0x241: {  	[tilespmem:s31+$0x14250] =	vst v3;
	v3 =	vld [tilespmem:s31+$0xC610]  }
0x242: {  	v4 =	vmax.f32 v4, $0.0e+00;
	v6 =	vadd.f32 v7, v6;
	v7 =	vld [tilespmem:s31+$0x4620]  }
0x243: {  	[tilespmem:s31+$0x14260] =	vst v4;
	v4 =	vld [tilespmem:s31+$0xC620]  }
0x244: {  	v6 =	vmax.f32 v6, $0.0e+00;
	v5 =	vadd.f32 v5, v8;
	v8 =	vld [tilespmem:s31+$0x4630]  }
0x245: {  	[tilespmem:s31+$0x14270] =	vst v6;
	v6 =	vld [tilespmem:s31+$0xC630]  }
0x246: {  	v5 =	vmax.f32 v5, $0.0e+00;
	v3 =	vadd.f32 v3, v9;
	v9 =	vld [tilespmem:s31+$0x4640]  }
0x247: {  	[tilespmem:s31+$0x14600] =	vst v5;
	v5 =	vld [tilespmem:s31+$0xC640]  }
0x248: {  	v3 =	vmax.f32 v3, $0.0e+00;
	v4 =	vadd.f32 v4, v7;
	v7 =	vld [tilespmem:s31+$0x4650]  }
0x249: {  	[tilespmem:s31+$0x14610] =	vst v3;
	v3 =	vld [tilespmem:s31+$0xC650]  }
0x24a: {  	v4 =	vmax.f32 v4, $0.0e+00;
	v6 =	vadd.f32 v6, v8;
	v8 =	vld [tilespmem:s31+$0x4660]  }
0x24b: {  	[tilespmem:s31+$0x14620] =	vst v4;
	v4 =	vld [tilespmem:s31+$0xC660]  }
0x24c: {  	v6 =	vmax.f32 v6, $0.0e+00;
	v5 =	vadd.f32 v5, v9;
	v9 =	vld [tilespmem:s31+$0x4670]  }
0x24d: {  	[tilespmem:s31+$0x14630] =	vst v6;
	v6 =	vld [tilespmem:s31+$0xC670]  }
0x24e: {  	v5 =	vmax.f32 v5, $0.0e+00;
	v3 =	vadd.f32 v3, v7;
	v7 =	vld [tilespmem:s31+$0x4A00]  }
0x24f: {  	[tilespmem:s31+$0x14640] =	vst v5;
	v5 =	vld [tilespmem:s31+$0xCA00]  }
0x250: {  	v3 =	vmax.f32 v3, $0.0e+00;
	v4 =	vadd.f32 v4, v8;
	v8 =	vld [tilespmem:s31+$0x4A10]  }
0x251: {  	[tilespmem:s31+$0x14650] =	vst v3;
	v3 =	vld [tilespmem:s31+$0xCA10]  }
0x252: {  	v4 =	vmax.f32 v4, $0.0e+00;
	v6 =	vadd.f32 v6, v9;
	v9 =	vld [tilespmem:s31+$0x4A20]  }
0x253: {  	[tilespmem:s31+$0x14660] =	vst v4;
	v4 =	vld [tilespmem:s31+$0xCA20]  }
0x254: {  	v6 =	vmax.f32 v6, $0.0e+00;
	v5 =	vadd.f32 v5, v7;
	v7 =	vld [tilespmem:s31+$0x4A30]  }
0x255: {  	[tilespmem:s31+$0x14670] =	vst v6;
	v6 =	vld [tilespmem:s31+$0xCA30]  }
0x256: {  	v5 =	vmax.f32 v5, $0.0e+00;
	v3 =	vadd.f32 v3, v8;
	v8 =	vld [tilespmem:s31+$0x4A40]  }
0x257: {  	[tilespmem:s31+$0x14A00] =	vst v5;
	v5 =	vld [tilespmem:s31+$0xCA40]  }
0x258: {  	v3 =	vmax.f32 v3, $0.0e+00;
	v4 =	vadd.f32 v4, v9;
	v9 =	vld [tilespmem:s31+$0x4A50]  }
0x259: {  	[tilespmem:s31+$0x14A10] =	vst v3;
	v3 =	vld [tilespmem:s31+$0xCA50]  }
0x25a: {  	v4 =	vmax.f32 v4, $0.0e+00;
	v6 =	vadd.f32 v6, v7;
	v7 =	vld [tilespmem:s31+$0x4A60]  }
0x25b: {  	[tilespmem:s31+$0x14A20] =	vst v4;
	v4 =	vld [tilespmem:s31+$0xCA60]  }
0x25c: {  	v6 =	vmax.f32 v6, $0.0e+00;
	v5 =	vadd.f32 v5, v8;
	v8 =	vld [tilespmem:s31+$0x4A70]  }
0x25d: {  	[tilespmem:s31+$0x14A30] =	vst v6;
	v6 =	vld [tilespmem:s31+$0xCA70]  }
0x25e: {  	v5 =	vmax.f32 v5, $0.0e+00;
	v3 =	vadd.f32 v3, v9;
	v9 =	vld [tilespmem:s31+$0x4E00]  }
0x25f: {  	[tilespmem:s31+$0x14A40] =	vst v5;
	v5 =	vld [tilespmem:s31+$0xCE00]  }
0x260: {  	v3 =	vmax.f32 v3, $0.0e+00;
	v4 =	vadd.f32 v4, v7;
	v7 =	vld [tilespmem:s31+$0x4E10]  }
0x261: {  	[tilespmem:s31+$0x14A50] =	vst v3;
	v3 =	vld [tilespmem:s31+$0xCE10]  }
0x262: {  	v4 =	vmax.f32 v4, $0.0e+00;
	v6 =	vadd.f32 v6, v8;
	v8 =	vld [tilespmem:s31+$0x4E20]  }
0x263: {  	[tilespmem:s31+$0x14A60] =	vst v4;
	v4 =	vld [tilespmem:s31+$0xCE20]  }
0x264: {  	v6 =	vmax.f32 v6, $0.0e+00;
	v5 =	vadd.f32 v5, v9;
	v9 =	vld [tilespmem:s31+$0x4E30]  }
0x265: {  	[tilespmem:s31+$0x14A70] =	vst v6;
	v10 =	vld [tilespmem:s31+$0xCE30]  }
0x266: {  	v5 =	vmax.f32 v5, $0.0e+00;
	v7 =	vadd.f32 v3, v7;
	v3 =	vld [tilespmem:s31+$0x4E40]  }
.Ltmp5:
0x267: {  	[tilespmem:s31+$0x14E00] =	vst v5;
	v6 =	vld [tilespmem:s31+$0xCE40];
	(pc) =	sbr.rel @p1 .LBB2_8-.Ltmp5, $4  }
0x268: {  	v5 =	vmax.f32 v7, $0.0e+00;
	v8 =	vadd.f32 v4, v8;
	v4 =	vld [tilespmem:s31+$0x4E50]  }
0x269: {  	s0 =	sadd.s32 $0x80, s0;
	[tilespmem:s31+$0x14E10] =	vst v5;
	v7 =	vld [tilespmem:s31+$0xCE50]  }
0x26a: {  	s5 =	sand.u32 $0x3000, s1;
	s15 =	sand.u32 $0x380, s0;
	v8 =	vmax.f32 v8, $0.0e+00;
	v9 =	vadd.f32 v10, v9;
	v5 =	vld [tilespmem:s31+$0x4E60]  }
0x26b: {  	s1 =	sadd.s32 $0x200, s1;
	s15 =	sor.u32 s15, s5;
	[tilespmem:s31+$0x14E20] =	vst v8;
	v8 =	vld [tilespmem:s31+$0xCE60]  }
0x26c: {  	v10 =	vld [tilespmem:s15+$0x4E70];
	v9 =	vmax.f32 v9, $0.0e+00;
	v3 =	vadd.f32 v6, v3  }
0x26d: {  	v11 =	vld [tilespmem:s15+$0xCE70];
	[tilespmem:s31+$0x14E30] =	vst v9  }
0x26e: {  	v63 =	vld [tilespmem:s15+$0x4200];
	v3 =	vmax.f32 v3, $0.0e+00;
	v4 =	vadd.f32 v7, v4  }
0x26f: {  	v9 =	vld [tilespmem:s15+$0xC200];
	[tilespmem:s31+$0x14E40] =	vst v3  }
0x270: {  	v3 =	vld [tilespmem:s15+$0x4210];
	v4 =	vmax.f32 v4, $0.0e+00;
	v5 =	vadd.f32 v8, v5  }
0x271: {  	v12 =	vld [tilespmem:s15+$0xC210];
	[tilespmem:s31+$0x14E50] =	vst v4  }
0x272: {  	v4 =	vld [tilespmem:s15+$0x4220];
	v5 =	vmax.f32 v5, $0.0e+00  }
0x273: {  	v13 =	vld [tilespmem:s15+$0xC220];
	[tilespmem:s31+$0x14E60] =	vst v5  }
0x274: {  	v5 =	vld [tilespmem:s15+$0x4230]  }
0x275: {  	v15 =	vld [tilespmem:s15+$0xC230]  }
0x276: {  	v16 =	vld [tilespmem:s15+$0x4240]  }
0x277: {  	v17 =	vld [tilespmem:s15+$0xC240];
	v3 =	vadd.f32 v12, v3  }
0x278: {  	v18 =	vld [tilespmem:s15+$0x4250]  }
0x279: {  	v19 =	vld [tilespmem:s15+$0x4260];
	v3 =	vmax.f32 v3, $0.0e+00  }
0x27a: {  	[tilespmem:s15+$0x14210] =	vst v3;
	v3 =	vld [tilespmem:s15+$0xC250]  }
0x27b: {  	v20 =	vld [tilespmem:s15+$0xC260]  }
0x27c: {  	v21 =	vld [tilespmem:s15+$0x4270]  }
0x27d: {  	v22 =	vld [tilespmem:s15+$0xC270]  }
0x27e: {  	v23 =	vld [tilespmem:s15+$0x4600]  }
0x27f: {  	v24 =	vld [tilespmem:s15+$0xC600];
	v3 =	vadd.f32 v3, v18  }
0x280: {  	v25 =	vld [tilespmem:s15+$0x4610]  }
0x281: {  	v26 =	vld [tilespmem:s15+$0x4620];
	v3 =	vmax.f32 v3, $0.0e+00  }
0x282: {  	[tilespmem:s15+$0x14250] =	vst v3;
	v3 =	vld [tilespmem:s15+$0xC610]  }
0x283: {  	v27 =	vld [tilespmem:s15+$0xC620]  }
0x284: {  	v28 =	vld [tilespmem:s15+$0x4630]  }
0x285: {  	v29 =	vld [tilespmem:s15+$0xC630]  }
0x286: {  	v30 =	vld [tilespmem:s15+$0x4640]  }
0x287: {  	v31 =	vld [tilespmem:s15+$0xC640];
	v3 =	vadd.f32 v3, v25  }
0x288: {  	v32 =	vld [tilespmem:s15+$0x4650]  }
0x289: {  	v33 =	vld [tilespmem:s15+$0x4660];
	v3 =	vmax.f32 v3, $0.0e+00  }
0x28a: {  	[tilespmem:s15+$0x14610] =	vst v3;
	v3 =	vld [tilespmem:s15+$0xC650]  }
0x28b: {  	v34 =	vld [tilespmem:s15+$0xC660]  }
0x28c: {  	v35 =	vld [tilespmem:s15+$0x4670]  }
0x28d: {  	v36 =	vld [tilespmem:s15+$0xC670]  }
0x28e: {  	v37 =	vld [tilespmem:s15+$0x4A00]  }
0x28f: {  	v38 =	vld [tilespmem:s15+$0xCA00];
	v3 =	vadd.f32 v3, v32  }
0x290: {  	v39 =	vld [tilespmem:s15+$0x4A10]  }
0x291: {  	v40 =	vld [tilespmem:s15+$0x4A20];
	v3 =	vmax.f32 v3, $0.0e+00  }
0x292: {  	[tilespmem:s15+$0x14650] =	vst v3;
	v3 =	vld [tilespmem:s15+$0xCA10]  }
0x293: {  	v41 =	vld [tilespmem:s15+$0xCA20]  }
0x294: {  	v42 =	vld [tilespmem:s15+$0x4A30]  }
0x295: {  	v10 =	vadd.f32 v11, v10;
	v43 =	vld [tilespmem:s15+$0xCA30]  }
0x296: {  	v6 =	vadd.f32 v9, v63;
	v44 =	vld [tilespmem:s15+$0x4A40]  }
0x297: {  	v14 =	vmax.f32 v10, $0.0e+00;
	v45 =	vld [tilespmem:s15+$0xCA40];
	v3 =	vadd.f32 v3, v39  }
0x298: {  	[tilespmem:s15+$0x14E70] =	vst v14;
	v46 =	vld [tilespmem:s15+$0x4A50];
	v6 =	vmax.f32 v6, $0.0e+00;
	v4 =	vadd.f32 v13, v4  }
0x299: {  	v47 =	vld [tilespmem:s15+$0x4A60];
	[tilespmem:s15+$0x14200] =	vst v6;
	v5 =	vadd.f32 v15, v5;
	v3 =	vmax.f32 v3, $0.0e+00  }
0x29a: {  	v4 =	vmax.f32 v4, $0.0e+00;
	v6 =	vadd.f32 v17, v16;
	[tilespmem:s15+$0x14A10] =	vst v3;
	v3 =	vld [tilespmem:s15+$0xCA50]  }
0x29b: {  	v48 =	vld [tilespmem:s15+$0xCA60];
	[tilespmem:s15+$0x14220] =	vst v4;
	v4 =	vadd.f32 v20, v19;
	v5 =	vmax.f32 v5, $0.0e+00  }
0x29c: {  	v49 =	vld [tilespmem:s15+$0x4A70];
	v6 =	vmax.f32 v6, $0.0e+00;
	[tilespmem:s15+$0x14230] =	vst v5;
	v5 =	vadd.f32 v22, v21  }
0x29d: {  	v50 =	vld [tilespmem:s15+$0xCA70];
	[tilespmem:s15+$0x14240] =	vst v6;
	v4 =	vmax.f32 v4, $0.0e+00;
	v6 =	vadd.f32 v24, v23  }
0x29e: {  	v51 =	vld [tilespmem:s15+$0x4E00];
	[tilespmem:s15+$0x14260] =	vst v4;
	v4 =	vadd.f32 v27, v26;
	v5 =	vmax.f32 v5, $0.0e+00  }
0x29f: {  	v52 =	vld [tilespmem:s15+$0xCE00];
	v6 =	vmax.f32 v6, $0.0e+00;
	[tilespmem:s15+$0x14270] =	vst v5;
	v3 =	vadd.f32 v3, v46  }
0x2a0: {  	v53 =	vld [tilespmem:s15+$0x4E10];
	[tilespmem:s15+$0x14600] =	vst v6;
	v4 =	vmax.f32 v4, $0.0e+00;
	v5 =	vadd.f32 v29, v28  }
0x2a1: {  	v54 =	vld [tilespmem:s15+$0x4E20];
	v6 =	vadd.f32 v31, v30;
	[tilespmem:s15+$0x14620] =	vst v4;
	v3 =	vmax.f32 v3, $0.0e+00  }
0x2a2: {  	v4 =	vadd.f32 v34, v33;
	v5 =	vmax.f32 v5, $0.0e+00;
	[tilespmem:s15+$0x14A50] =	vst v3;
	v3 =	vld [tilespmem:s15+$0xCE10]  }
0x2a3: {  	v55 =	vld [tilespmem:s15+$0xCE20];
	v6 =	vmax.f32 v6, $0.0e+00;
	[tilespmem:s15+$0x14630] =	vst v5;
	v5 =	vadd.f32 v36, v35  }
0x2a4: {  	v56 =	vld [tilespmem:s15+$0x4E30];
	[tilespmem:s15+$0x14640] =	vst v6;
	v4 =	vmax.f32 v4, $0.0e+00;
	v6 =	vadd.f32 v38, v37  }
0x2a5: {  	v57 =	vld [tilespmem:s15+$0xCE30];
	[tilespmem:s15+$0x14660] =	vst v4;
	v4 =	vadd.f32 v41, v40;
	v5 =	vmax.f32 v5, $0.0e+00  }
0x2a6: {  	v58 =	vld [tilespmem:s15+$0x4E40];
	v6 =	vmax.f32 v6, $0.0e+00;
	[tilespmem:s15+$0x14670] =	vst v5;
	v5 =	vadd.f32 v43, v42  }
0x2a7: {  	v59 =	vld [tilespmem:s15+$0xCE40];
	[tilespmem:s15+$0x14A00] =	vst v6;
	v4 =	vmax.f32 v4, $0.0e+00;
	v3 =	vadd.f32 v3, v53  }
0x2a8: {  	v60 =	vld [tilespmem:s15+$0x4E50];
	v6 =	vadd.f32 v45, v44;
	[tilespmem:s15+$0x14A20] =	vst v4;
	v5 =	vmax.f32 v5, $0.0e+00  }
0x2a9: {  	v61 =	vld [tilespmem:s15+$0x4E60];
	v4 =	vadd.f32 v48, v47;
	[tilespmem:s15+$0x14A30] =	vst v5;
	v3 =	vmax.f32 v3, $0.0e+00  }
0x2aa: {  	v6 =	vmax.f32 v6, $0.0e+00;
	v5 =	vadd.f32 v50, v49;
	[tilespmem:s15+$0x14E10] =	vst v3;
	v3 =	vld [tilespmem:s15+$0xCE50]  }
0x2ab: {  	v62 =	vld [tilespmem:s15+$0xCE60];
	[tilespmem:s15+$0x14A40] =	vst v6;
	v4 =	vmax.f32 v4, $0.0e+00;
	v6 =	vadd.f32 v52, v51  }
0x2ac: {  	[tilespmem:s15+$0x14A60] =	vst v4;
	v4 =	vadd.f32 v55, v54;
	v5 =	vmax.f32 v5, $0.0e+00  }
0x2ad: {  	v6 =	vmax.f32 v6, $0.0e+00;
	[tilespmem:s15+$0x14A70] =	vst v5;
	v5 =	vadd.f32 v57, v56  }
0x2ae: {  	[tilespmem:s15+$0x14E00] =	vst v6;
	v4 =	vmax.f32 v4, $0.0e+00;
	v6 =	vadd.f32 v59, v58  }
0x2af: {  	[tilespmem:s15+$0x14E20] =	vst v4;
	v5 =	vmax.f32 v5, $0.0e+00;
	v3 =	vadd.f32 v3, v60  }
.Ltmp6:
0x2b0: {  	v4 =	vadd.f32 v62, v61;
	v63 =	vmax.f32 v6, $0.0e+00;
	[tilespmem:s15+$0x14E30] =	vst v5;
	(pc) =	sbr.rel @!p0 .LBB2_11-.Ltmp6, $4  }
0x2b1: {  	[tilespmem:s15+$0x14E40] =	vst v63;
	v3 =	vmax.f32 v3, $0.0e+00  }
0x2b2: {  	[tilespmem:s15+$0x14E50] =	vst v3;
	v3 =	vmax.f32 v4, $0.0e+00  }
0x2b3: {  	s0 =	sadd.s32 s13, s30;
	[tilespmem:s15+$0x14E60] =	vst v3  }
0x2b4: {  	[hbm4b:s0+s2] =	stream.linear.scatter [tilespmem:s28], [sflag:$0x6], $0x4000, $0x38;
	[tilespmem:$0x18200] =	vst v63  }
0x2b5: {  	v3 =	vld [tilespmem:$0x160];
	_ =	sdelay $0x4  }
0x2b6: {  	v4 =	vshll.u32 v3, $0x2  }
0x2b7: {  	v3 =	vand.u32 $0x7, v3;
	v4 =	vand.u32 $0xFFFFFFE0, v4  }
0x2b8: {  	v3 =	vor.u32 v3, v4  }
0x2b9: {  	v4 =	vperm.xlane v3, v0;
	_ =	sdelay $0x1  }
0x2ba: {  	v4 =	vadd.s32 v1, v4;
	_ =	sdelay $0x1  }
0x2bb: {  	v3 =	vperm.xlane v3, v2;
	_ =	sdelay $0x1  }
0x2bc: {  	s0 =	simm.s32 $0x4200;
	v3 =	vadd.s32 v1, v3  }
0x2bd: {  	[tilespmem:s0], [sflag:$0x2] =	stream.indirect_vreg.gather [hbm4b:s3+s2], $0x80, v4, vm0, $0xb8;
	[tilespmem:$0x18200] =	vst v63  }
0x2be: {  	s15 =	simm.s32 $0x4A00  }
0x2bf: {  	[tilespmem:s15], [sflag:$0x2] =	stream.indirect_vreg.gather [hbm4b:s9+s2], $0x80, v4, vm0, $0xb8;
	[tilespmem:$0x18200] =	vst v63  }
0x2c0: {  	s31 =	simm.s32 $0x5200  }
0x2c1: {  	[tilespmem:s31], [sflag:$0x2] =	stream.indirect_vreg.gather [hbm4b:s3+s2], $0x80, v3, vm0, $0xb8;
	[tilespmem:$0x18200] =	vst v63  }
0x2c2: {  	_ = 	snop  }
0x2c3: {  	[tilespmem:s6], [sflag:$0x2] =	stream.indirect_vreg.gather [hbm4b:s9+s2], $0x80, v3, vm0, $0xb8;
	[tilespmem:$0x18200] =	vst v63  }
0x2c4: {  	v3 =	vld [tilespmem:$0x170];
	_ =	sdelay $0x4  }
0x2c5: {  	v63 =	vshll.u32 v3, $0x2  }
0x2c6: {  	v3 =	vand.u32 $0x7, v3;
	v4 =	vand.u32 $0xFFFFFFE0, v63  }
0x2c7: {  	v3 =	vor.u32 v3, v4  }
0x2c8: {  	v4 =	vperm.xlane v3, v0;
	_ =	sdelay $0x1  }
0x2c9: {  	v4 =	vadd.s32 v1, v4;
	_ =	sdelay $0x2  }
0x2ca: {  	v3 =	vperm.xlane v3, v2;
	_ =	sdelay $0x1  }
0x2cb: {  	v3 =	vadd.s32 v1, v3;
	[tilespmem:s7], [sflag:$0x2] =	stream.indirect_vreg.gather [hbm4b:s3+s2], $0x80, v4, vm0, $0xb8;
	[tilespmem:$0x18200] =	vst v63  }
0x2cc: {  	_ = 	snop  }
0x2cd: {  	[tilespmem:s8], [sflag:$0x2] =	stream.indirect_vreg.gather [hbm4b:s9+s2], $0x80, v4, vm0, $0xb8;
	[tilespmem:$0x18200] =	vst v63  }
.Ltmp7:
0x2ce: {  	_ = 	snop;
	(pc) =	sbr.rel .LBB2_2-.Ltmp7, $4  }
0x2cf: {  	s30 =	simm.s32 $0x1000  }
0x2d0: {  	[tilespmem:s12], [sflag:$0x2] =	stream.indirect_vreg.gather [hbm4b:s3+s2], $0x80, v3, vm0, $0xb8;
	[tilespmem:$0x18200] =	vst v63  }
0x2d1: {  	p0 =	por $0x0, $0x0;
	s1 =	simm.s32 $0x1E0;
	s0 =	simm.s32 $0x1F0  }
0x2d2: {  	[tilespmem:s14], [sflag:$0x2] =	stream.indirect_vreg.gather [hbm4b:s9+s2], $0x80, v3, vm0, $0xb8;
	[tilespmem:$0x18200] =	vst v63  }
.LBB2_12:
0x2d3: {  	_ =	sfence.sel $0x180000  }
0x2d4: {  	[bflag:$0x0] =	sbarrier.arrive $0xFFFF  }
0x2d5: {  	_ =	strace $0x90000047  }
0x2d6: {  	s0 =	stileid.u32;
	[bflag:$0x2] =	sbarrier.arrive $0xFFFF  }
0x2d7: {  	p0 =	sne.s32 s0, $0x0;
	s0 =	rddreg [dreg:$0x6]  }
0x2d8: {  	s0 =	sadd.s32 @!p0 $0x100000, s0  }
0x2d9: {  	[sflag:s0] =	ssyncadd.tile.s32 @!p0 $0x1;
	_ =	shalt  }
.Lfunc_end2:
_tile_overlayer_lowered:
.L_overlay_start_2:
0x2da: {  	(tag) =	ssettag $0x2  }
0x2db: {  	s0 =	rddreg [dreg:$0x0];
	s2 =	stileid.u32  }
0x2dc: {  	s1 =	rddreg [dreg:$0x1];
	p0 =	sne.s32 s2, $0x0  }
0x2dd: {  	s3 =	rddreg [dreg:$0x2];
	[bflag:$0x3] =	sbarrier.arrive $0xFFFF;
	s2 =	simm.s32 @!p0 $0x1C07  }
0x2de: {  	[timem:s3], [sflag:s2] =	dma.local @!p0 [hbm:s0], s1  }
0x2df: {  	s0 =	simm.s32 @!p0 $0x7  }
0x2e0: {  	_ =	swait.ge @!p0 [sflag:s0], s1  }
0x2e1: {  	s1 =	ssub.s32 @!p0 $0x0, s1;
	[sflag:s0] =	ssyncset.done @!p0 $0x0  }
0x2e2: {  	[sflag:s0] =	ssyncadd.s32 @!p0 s1  }
0x2e3: {  	[bflag:$0x3] =	sbarrier.arrive $0xFFFF  }
0x2e4: {  	_ =	shalt  }

</sc_bundles>
